<compile_context>
chip_gen: v7x
topology: tpu7x:2x2x1
jax: 0.10.2.dev20260603
libtpu: 0.0.44.dev20260713+nightly
codegen_flags: <defaults>
</compile_context>

<pallas_src>
import functools

import jax
import jax.numpy as jnp
from jax import lax
from jax.experimental import pallas as pl
from jax.experimental.pallas import tpu as pltpu
from jax.experimental.pallas import tpu_sc as plsc

N = 10000
E = 320000
D = 128
HD = D // 2
G = 64
L = 3

NCORE = 2
NSUB = 16
EPT = E // NSUB
C = 80
NCH = EPT // C
ZR = 632
ZTAIL = N - (NSUB - 1) * ZR


def _sc_aggregate(hin2, src3, dst3, cid3, ctab2, zeros):
  mesh = plsc.VectorSubcoreMesh(core_axis_name="c", subcore_axis_name="s")

  @functools.partial(
      pl.kernel,
      out_type=jax.ShapeDtypeStruct((NCORE, N, HD), jnp.float32),
      mesh=mesh,
      compiler_params=pltpu.CompilerParams(use_tc_tiling_on_sc=False),
      scratch_types=[
          pltpu.VMEM((NCH, C), jnp.int32),
          pltpu.VMEM((NCH, C), jnp.int32),
          pltpu.VMEM((C, HD), jnp.float32),
          pltpu.VMEM((C, HD), jnp.float32),
          pltpu.VMEM((C,), jnp.int32),
          pltpu.VMEM_SHARED((N, HD), jnp.float32),
          pltpu.SemaphoreType.DMA,
          pltpu.SemaphoreType.DMA,
      ],
  )
  def k(hin_h, src_h, dst_h, cid_h, ctab_h, zero_h, out_h,
        srcv, cidv, msg, cbuf, dchunk, aggr, sem1, sem2):
    c = lax.axis_index("c")
    s = lax.axis_index("s")

    @pl.when(s < NSUB - 1)
    def _():
      pltpu.sync_copy(zero_h.at[pl.ds(s * ZR, ZR)],
                      aggr.at[pl.ds(s * ZR, ZR)])

    @pl.when(s == NSUB - 1)
    def _():
      pltpu.sync_copy(zero_h.at[pl.ds((NSUB - 1) * ZR, ZTAIL)],
                      aggr.at[pl.ds((NSUB - 1) * ZR, ZTAIL)])

    pltpu.sync_copy(src_h.at[c, s], srcv)
    pltpu.sync_copy(cid_h.at[c, s], cidv)
    plsc.subcore_barrier()

    def chunk(kk, carry):
      pltpu.async_copy(hin_h.at[srcv.at[kk]], msg, sem1).wait()
      pltpu.async_copy(ctab_h.at[cidv.at[kk]], cbuf, sem2).wait()
      pltpu.sync_copy(dst_h.at[s, kk], dchunk)

      def edge(e, cc):
        for d in range(HD // 16):
          sl = pl.ds(d * 16, 16)
          msg[e, sl] = jnp.maximum(msg[e, sl] + cbuf[e, sl], 0.0)
        return cc

      lax.fori_loop(0, C, edge, 0, unroll=2)
      pltpu.sync_copy(msg, aggr.at[dchunk], add=True)
      return carry

    lax.fori_loop(0, NCH, chunk, 0)
    plsc.subcore_barrier()

    @pl.when(s < NSUB - 1)
    def _():
      pltpu.sync_copy(aggr.at[pl.ds(s * ZR, ZR)],
                      out_h.at[c, pl.ds(s * ZR, ZR)])

    @pl.when(s == NSUB - 1)
    def _():
      pltpu.sync_copy(aggr.at[pl.ds((NSUB - 1) * ZR, ZTAIL)],
                      out_h.at[c, pl.ds((NSUB - 1) * ZR, ZTAIL)])

  return k(hin2, src3, dst3, cid3, ctab2, zeros)



def _split2(h):
  return jnp.concatenate([h[:, :HD], h[:, HD:]], axis=0)


def _tc_hin0(x, vne_row):
  def body(x_ref, v_ref, o_ref):
    o_ref[...] = _split2(x_ref[...] + v_ref[...])

  return pl.pallas_call(
      body,
      out_shape=jax.ShapeDtypeStruct((2 * N, HD), jnp.float32),
  )(x, vne_row)


def _bn(t, g, b):
  m = jnp.mean(t, axis=0, keepdims=True)
  v = jnp.mean((t - m) * (t - m), axis=0, keepdims=True)
  return (t - m) / jnp.sqrt(v + 1e-5) * g + b


def _tc_node_mlp(hin2, ag, eps, W1, b1, g1, be1, W2, b2, gl, bl, relu_out):
  def body(hin_ref, ag_ref, eps_ref, W1_ref, b1_ref, g1_ref, be1_ref,
           W2_ref, b2_ref, gl_ref, bl_ref, ho_ref):
    e1 = 1.0 + eps_ref[0, 0]
    hin2v = hin_ref[...]
    t = jnp.concatenate([e1 * hin2v[:N] + ag_ref[0],
                         e1 * hin2v[N:] + ag_ref[1]], axis=1)
    u = jnp.dot(t, W1_ref[...], preferred_element_type=jnp.float32) + b1_ref[...]
    u = jnp.maximum(_bn(u, g1_ref[...], be1_ref[...]), 0.0)
    h = jnp.dot(u, W2_ref[...], preferred_element_type=jnp.float32) + b2_ref[...]
    h = _bn(h, gl_ref[...], bl_ref[...])
    if relu_out:
      h = jnp.maximum(h, 0.0)
    ho_ref[...] = h

  return pl.pallas_call(
      body,
      out_shape=jax.ShapeDtypeStruct((N, D), jnp.float32),
      compiler_params=pltpu.CompilerParams(vmem_limit_bytes=100 * 1024 * 1024),
  )(hin2, ag, eps, W1, b1, g1, be1, W2, b2, gl, bl)


def _tc_layer_tail(hin2, ag, eps, W1, b1, g1, be1, W2, b2, gl, bl,
                   vne, batch_row, ng,
                   mW1, mb1, mg1, mbe1, mW2, mb2, mg2, mbe2):
  def body(hin_ref, ag_ref, eps_ref, W1_ref, b1_ref, g1_ref, be1_ref,
           W2_ref, b2_ref, gl_ref, bl_ref,
           vne_ref, br_ref, ng_ref,
           mW1_ref, mb1_ref, mg1_ref, mbe1_ref,
           mW2_ref, mb2_ref, mg2_ref, mbe2_ref,
           ho_ref, vnext_ref):
    e1 = 1.0 + eps_ref[0, 0]
    hin2v = hin_ref[...]
    t = jnp.concatenate([e1 * hin2v[:N] + ag_ref[0],
                         e1 * hin2v[N:] + ag_ref[1]], axis=1)
    u = jnp.dot(t, W1_ref[...], preferred_element_type=jnp.float32) + b1_ref[...]
    u = jnp.maximum(_bn(u, g1_ref[...], be1_ref[...]), 0.0)
    h = jnp.dot(u, W2_ref[...], preferred_element_type=jnp.float32) + b2_ref[...]
    h = jnp.maximum(_bn(h, gl_ref[...], bl_ref[...]), 0.0)

    onehot_t = (lax.broadcasted_iota(jnp.int32, (G, N), 0)
                == br_ref[...]).astype(jnp.float32)
    s0 = jnp.dot(onehot_t, hin2v[:N], preferred_element_type=jnp.float32, precision=lax.Precision.HIGHEST)
    s1 = jnp.dot(onehot_t, hin2v[N:], preferred_element_type=jnp.float32, precision=lax.Precision.HIGHEST)
    vtemp = jnp.concatenate([s0, s1], axis=1) + vne_ref[...]

    ngv = ng_ref[0, 0]
    nf = ngv.astype(jnp.float32)
    maskcol = lax.broadcasted_iota(jnp.int32, (G, 1), 0) < ngv

    def bn_masked(tt, g, b):
      tm = jnp.where(maskcol, tt, 0.0)
      m = jnp.sum(tm, axis=0, keepdims=True) / nf
      dlt = jnp.where(maskcol, tt - m, 0.0)
      v = jnp.sum(dlt * dlt, axis=0, keepdims=True) / nf
      return (tt - m) / jnp.sqrt(v + 1e-5) * g + b

    v1 = jnp.dot(vtemp, mW1_ref[...], preferred_element_type=jnp.float32) + mb1_ref[...]
    v1 = jnp.maximum(bn_masked(v1, mg1_ref[...], mbe1_ref[...]), 0.0)
    v2 = jnp.dot(v1, mW2_ref[...], preferred_element_type=jnp.float32) + mb2_ref[...]
    v2 = jnp.maximum(bn_masked(v2, mg2_ref[...], mbe2_ref[...]), 0.0)
    vnext_ref[...] = v2

    hadd = lax.dot_general(onehot_t, v2,
                           dimension_numbers=(((0,), (0,)), ((), ())),
                           preferred_element_type=jnp.float32, precision=lax.Precision.HIGHEST)
    ho_ref[...] = _split2(h + hadd)

  return pl.pallas_call(
      body,
      out_shape=(jax.ShapeDtypeStruct((2 * N, HD), jnp.float32),
                 jax.ShapeDtypeStruct((G, D), jnp.float32)),
      compiler_params=pltpu.CompilerParams(vmem_limit_bytes=100 * 1024 * 1024),
  )(hin2, ag, eps, W1, b1, g1, be1, W2, b2, gl, bl,
    vne, batch_row, ng, mW1, mb1, mg1, mbe1, mW2, mb2, mg2, mbe2)


def kernel(x, edge_index, edge_attr, batch, params):
  dstf = edge_index[1]
  order = jnp.argsort(dstf)
  jj = jnp.arange(E, dtype=jnp.int32)
  cht = NSUB * NCH
  chunk_id = jj % cht
  slot = jj // cht
  pslot = (41 * slot) % C
  flat = ((chunk_id // NCH) * (NCH * C) + (chunk_id % NCH) * C + pslot)
  inv = jnp.zeros((E,), jnp.int32).at[flat].set(order.astype(jnp.int32))
  src = edge_index[0][inv].reshape(NSUB, NCH, C)
  dst3 = dstf[inv].reshape(NSUB, NCH, C)
  cidf = (edge_attr[:, 0] * 64 + edge_attr[:, 1] * 8
          + edge_attr[:, 2]).astype(jnp.int32)
  cid = cidf[inv].reshape(NSUB, NCH, C)
  src3 = jnp.stack([src, src + N])
  cid3 = jnp.stack([cid, cid + 512])
  zeros = jnp.zeros((N, HD), jnp.float32)
  batch_row = batch.reshape(1, N)
  ng = (batch[-1] + 1).reshape(1, 1)

  def r2(a):
    return a.reshape(1, -1)

  vne = jnp.broadcast_to(params['vne_w'], (G, D))
  hin2 = _tc_hin0(x, params['vne_w'])

  for l in range(L):
    cv = params['convs'][l]
    ctab = (cv['bond_tables'][0][:, None, None, :]
            + cv['bond_tables'][1][None, :, None, :]
            + cv['bond_tables'][2][None, None, :, :]).reshape(512, D)
    ctab2 = _split2(ctab)
    ag = _sc_aggregate(hin2, src3, dst3, cid3, ctab2, zeros)
    eps = cv['eps'].reshape(1, 1)
    bn = params['bns'][l]
    if l == L - 1:
      return _tc_node_mlp(
          hin2, ag, eps,
          cv['W1'], r2(cv['b1']), r2(cv['bn1_g']), r2(cv['bn1_b']),
          cv['W2'], r2(cv['b2']), r2(bn['g']), r2(bn['b']),
          relu_out=False)
    m = params['vn_mlps'][l]
    hin2, v2 = _tc_layer_tail(
        hin2, ag, eps,
        cv['W1'], r2(cv['b1']), r2(cv['bn1_g']), r2(cv['bn1_b']),
        cv['W2'], r2(cv['b2']), r2(bn['g']), r2(bn['b']),
        vne, batch_row, ng,
        m['W1'], r2(m['b1']), r2(m['bn1_g']), r2(m['bn1_b']),
        m['W2'], r2(m['b2']), r2(m['bn2_g']), r2(m['bn2_b']))
    vne = v2

# --- scband reference (transcript-rebuilt; emitter-appended) ---
"""Pipeline reference for scband-ginvirtual-node-46909632806968 (READ-ONLY COPY).

The authoritative reference and input builder live on the scoring server;
editing this copy changes nothing except your own understanding.
"""

import jax, jax.numpy as jnp
import numpy as np

N = 10000
E = 320000
D = 128
L = 3
NB = 8
G = 64


def _make_params(key):
    ctr = [0]

    def nk():
        ctr[0] += 1
        return jax.random.fold_in(key, ctr[0])

    def nrm(shape, scale=0.05):
        return jax.random.normal(nk(), shape, dtype=jnp.float32) * scale

    params = {'vne_w': jnp.zeros((1, D), dtype=jnp.float32), 'convs': [], 'bns': [], 'vn_mlps': []}
    for _ in range(L):
        params['convs'].append({
            'eps': jnp.zeros((), dtype=jnp.float32),
            'bond_tables': [nrm((NB, D)) for _ in range(3)],
            'W1': nrm((D, 2 * D)), 'b1': jnp.zeros((2 * D,), jnp.float32),
            'bn1_g': jnp.ones((2 * D,), jnp.float32), 'bn1_b': jnp.zeros((2 * D,), jnp.float32),
            'W2': nrm((2 * D, D)), 'b2': jnp.zeros((D,), jnp.float32),
        })
        params['bns'].append({'g': jnp.ones((D,), jnp.float32), 'b': jnp.zeros((D,), jnp.float32)})
    for _ in range(L - 1):
        params['vn_mlps'].append({
            'W1': nrm((D, 2 * D)), 'b1': jnp.zeros((2 * D,), jnp.float32),
            'bn1_g': jnp.ones((2 * D,), jnp.float32), 'bn1_b': jnp.zeros((2 * D,), jnp.float32),
            'W2': nrm((2 * D, D)), 'b2': jnp.zeros((D,), jnp.float32),
            'bn2_g': jnp.ones((D,), jnp.float32), 'bn2_b': jnp.zeros((D,), jnp.float32),
        })
    return params


def setup_inputs(seed: int = 0):
    key = jax.random.key(seed)
    x = jax.random.normal(jax.random.fold_in(key, 100), (N, D), dtype=jnp.float32)
    edge_index = jax.random.randint(jax.random.fold_in(key, 101), (2, E), 0, N, dtype=jnp.int32)
    edge_attr = jax.random.randint(jax.random.fold_in(key, 102), (E, 3), 0, NB, dtype=jnp.int32)
    batch = jnp.sort(jax.random.randint(jax.random.fold_in(key, 103), (N,), 0, G, dtype=jnp.int32))
    params = _make_params(jax.random.fold_in(key, 200))
    return {'x': x, 'edge_index': edge_index, 'edge_attr': edge_attr, 'batch': batch, 'params': params}


def _bn(t, g, b):
    m = t.mean(axis=0)
    v = t.var(axis=0)
    return (t - m) / jnp.sqrt(v + 1e-5) * g + b


def _bn_masked(t, g, b, mask, nf):
    tm = jnp.where(mask[:, None], t, 0.0)
    m = tm.sum(axis=0) / nf
    d = jnp.where(mask[:, None], t - m, 0.0)
    v = (d * d).sum(axis=0) / nf
    return (t - m) / jnp.sqrt(v + 1e-5) * g + b


def _forward(x, params, edge_index, edge_attr, batch, num_graphs):
    src = edge_index[0]
    dst = edge_index[1]
    vne = params['vne_w'][jnp.zeros((G,), dtype=jnp.int32)]
    mask = jnp.arange(G, dtype=jnp.int32) < num_graphs
    nf = num_graphs.astype(jnp.float32)
    h_list = [x]
    for l in range(L):
        h_in = h_list[l] + vne[batch]
        h_list[l] = h_in
        c = params['convs'][l]
        eemb = (c['bond_tables'][0][edge_attr[:, 0]]
                + c['bond_tables'][1][edge_attr[:, 1]]
                + c['bond_tables'][2][edge_attr[:, 2]])
        msg = jax.nn.relu(h_in[src] + eemb)
        aggr = jnp.zeros_like(h_in).at[dst].add(msg)
        t = (1.0 + c['eps']) * h_in + aggr
        t = t @ c['W1'] + c['b1']
        t = _bn(t, c['bn1_g'], c['bn1_b'])
        t = jax.nn.relu(t)
        h = t @ c['W2'] + c['b2']
        h = _bn(h, params['bns'][l]['g'], params['bns'][l]['b'])
        if l != L - 1:
            h = jax.nn.relu(h)
        # dropout is identity in eval mode
        h_list.append(h)
        if l < L - 1:
            m = params['vn_mlps'][l]
            vtemp = jax.ops.segment_sum(h_in, batch, num_segments=G) + vne
            v = vtemp @ m['W1'] + m['b1']
            v = jax.nn.relu(_bn_masked(v, m['bn1_g'], m['bn1_b'], mask, nf))
            v = v @ m['W2'] + m['b2']
            v = jax.nn.relu(_bn_masked(v, m['bn2_g'], m['bn2_b'], mask, nf))
            vne = v
    return h_list[-1]


def reference(x, edge_index, edge_attr, batch, params):
    num_graphs = batch[-1] + 1
    return _forward(x, params, edge_index, edge_attr, batch, num_graphs)

if __name__ == "__main__":
    import jax
    _d = setup_inputs()
    print(jax.jit(kernel)(*tuple(_d.values())))

</pallas_src>

<mosaic_0001>
#map = affine_map<(d0, d1) -> (0, 0)>
#map1 = affine_map<(d0, d1) -> (0, 0, 0, 0)>
#map2 = affine_map<(d0, d1) -> (0, 0, 0)>
module attributes {stable_mosaic.version = 14 : i64} {
  func.func @k(%arg0: i32, %arg1: i32, %arg2: memref<20000x64xf32, #tpu.memory_space<hbm>>, %arg3: memref<2x16x250x80xi32, #tpu.memory_space<hbm>>, %arg4: memref<16x250x80xi32, #tpu.memory_space<hbm>>, %arg5: memref<2x16x250x80xi32, #tpu.memory_space<hbm>>, %arg6: memref<1024x64xf32, #tpu.memory_space<hbm>>, %arg7: memref<10000x64xf32, #tpu.memory_space<hbm>>, %arg8: memref<2x10000x64xf32, #tpu.memory_space<hbm>>, %arg9: memref<250x80xi32, #tpu.memory_space<vmem>>, %arg10: memref<250x80xi32, #tpu.memory_space<vmem>>, %arg11: memref<80x64xf32, #tpu.memory_space<vmem>>, %arg12: memref<80x64xf32, #tpu.memory_space<vmem>>, %arg13: memref<80xi32, #tpu.memory_space<vmem>>, %arg14: memref<10000x64xf32, #tpu.memory_space<vmem_shared>>, %arg15: memref<!tpu.dma_semaphore, #tpu.memory_space<semaphore_mem>>, %arg16: memref<!tpu.dma_semaphore, #tpu.memory_space<semaphore_mem>>) attributes {dimension_semantics = [#tpu.dimension_semantics<core_parallel>, #tpu.dimension_semantics<subcore_parallel>], iteration_bounds = array<i64: 2, 16>, scalar_prefetch = 0 : i64, scratch_operands = 8 : i64, tpu.core_type = #tpu.core_type<sc_vector_subcore>, window_params = [{transform_indices = #map}, {transform_indices = #map1}, {transform_indices = #map2}, {transform_indices = #map1}, {transform_indices = #map}, {transform_indices = #map}, {transform_indices = #map2}]} {
    %lt3A = arith.constant 15 : i32
    %lt3A_0 = arith.cmpi slt, %arg1, %lt3A : i32
    %convert_element_type3A = arith.extui %lt3A_0 : i1 to i32
    %cond3A = arith.constant 0 : i32
    %cond3A_1 = arith.cmpi ne, %convert_element_type3A, %cond3A : i32
    scf.if %cond3A_1 {
      %mul3A = arith.constant 632 : i32
      %mul3A_22 = arith.muli %arg1, %mul3A : i32
      %mul3A_23 = arith.constant 632 : i32
      %mul3A_24 = arith.muli %arg1, %mul3A_23 : i32
      "tpu.region"() ({
        %run_scoped3A = tpu.sem_alloc : memref<!tpu.dma_semaphore, #tpu.memory_space<semaphore_mem>>
        %dma_start3A = arith.constant 0 : i32
        %dma_start3A_25 = tpu.memref_slice %arg14[%mul3A_24, %dma_start3A] : memref<10000x64xf32, #tpu.memory_space<vmem_shared>> -> memref<632x64xf32, #tpu.memory_space<vmem_shared>>
        %dma_start3A_26 = arith.constant 0 : i32
        %dma_start3A_27 = tpu.memref_slice %arg7[%mul3A_22, %dma_start3A_26] : memref<10000x64xf32, #tpu.memory_space<hbm>> -> memref<632x64xf32, #tpu.memory_space<hbm>>
        tpu.enqueue_dma source(%dma_start3A_27 : memref<632x64xf32, #tpu.memory_space<hbm>>) target(%dma_start3A_25 : memref<632x64xf32, #tpu.memory_space<vmem_shared>>) target_semaphore(%run_scoped3A : memref<!tpu.dma_semaphore, #tpu.memory_space<semaphore_mem>>)
        %dma_wait3A = arith.constant 0 : i32
        %dma_wait3A_28 = tpu.memref_slice %arg14[%mul3A_24, %dma_wait3A] : memref<10000x64xf32, #tpu.memory_space<vmem_shared>> -> memref<632x64xf32, #tpu.memory_space<vmem_shared>>
        %dma_wait3A_29 = arith.constant 0 : i32
        %dma_wait3A_30 = tpu.memref_slice %arg7[%mul3A_22, %dma_wait3A_29] : memref<10000x64xf32, #tpu.memory_space<hbm>> -> memref<632x64xf32, #tpu.memory_space<hbm>>
        tpu.wait_dma2 semaphore(%run_scoped3A : memref<!tpu.dma_semaphore, #tpu.memory_space<semaphore_mem>>) src(%dma_wait3A_30 : memref<632x64xf32, #tpu.memory_space<hbm>>) dst(%dma_wait3A_28 : memref<632x64xf32, #tpu.memory_space<vmem_shared>>)
        tpu.yield
      }) : () -> ()
    } else {
    }
    %eq3A = arith.constant 15 : i32
    %eq3A_2 = arith.cmpi eq, %arg1, %eq3A : i32
    %convert_element_type3A_3 = arith.extui %eq3A_2 : i1 to i32
    %cond3A_4 = arith.constant 0 : i32
    %cond3A_5 = arith.cmpi ne, %convert_element_type3A_3, %cond3A_4 : i32
    scf.if %cond3A_5 {
      "tpu.region"() ({
        %run_scoped3A = tpu.sem_alloc : memref<!tpu.dma_semaphore, #tpu.memory_space<semaphore_mem>>
        %dma_start3A = arith.constant 9480 : i32
        %dma_start3A_22 = arith.constant 0 : i32
        %dma_start3A_23 = tpu.memref_slice %arg14[%dma_start3A, %dma_start3A_22] : memref<10000x64xf32, #tpu.memory_space<vmem_shared>> -> memref<520x64xf32, #tpu.memory_space<vmem_shared>>
        %dma_start3A_24 = arith.constant 9480 : i32
        %dma_start3A_25 = arith.constant 0 : i32
        %dma_start3A_26 = tpu.memref_slice %arg7[%dma_start3A_24, %dma_start3A_25] : memref<10000x64xf32, #tpu.memory_space<hbm>> -> memref<520x64xf32, #tpu.memory_space<hbm>>
        tpu.enqueue_dma source(%dma_start3A_26 : memref<520x64xf32, #tpu.memory_space<hbm>>) target(%dma_start3A_23 : memref<520x64xf32, #tpu.memory_space<vmem_shared>>) target_semaphore(%run_scoped3A : memref<!tpu.dma_semaphore, #tpu.memory_space<semaphore_mem>>)
        %dma_wait3A = arith.constant 9480 : i32
        %dma_wait3A_27 = arith.constant 0 : i32
        %dma_wait3A_28 = tpu.memref_slice %arg14[%dma_wait3A, %dma_wait3A_27] : memref<10000x64xf32, #tpu.memory_space<vmem_shared>> -> memref<520x64xf32, #tpu.memory_space<vmem_shared>>
        %dma_wait3A_29 = arith.constant 9480 : i32
        %dma_wait3A_30 = arith.constant 0 : i32
        %dma_wait3A_31 = tpu.memref_slice %arg7[%dma_wait3A_29, %dma_wait3A_30] : memref<10000x64xf32, #tpu.memory_space<hbm>> -> memref<520x64xf32, #tpu.memory_space<hbm>>
        tpu.wait_dma2 semaphore(%run_scoped3A : memref<!tpu.dma_semaphore, #tpu.memory_space<semaphore_mem>>) src(%dma_wait3A_31 : memref<520x64xf32, #tpu.memory_space<hbm>>) dst(%dma_wait3A_28 : memref<520x64xf32, #tpu.memory_space<vmem_shared>>)
        tpu.yield
      }) : () -> ()
    } else {
    }
    "tpu.region"() ({
      %run_scoped3A = tpu.sem_alloc : memref<!tpu.dma_semaphore, #tpu.memory_space<semaphore_mem>>
      %dma_start3A = arith.constant 0 : i32
      %dma_start3A_22 = arith.constant 0 : i32
      %dma_start3A_23 = tpu.memref_slice %arg3[%arg0, %arg1, %dma_start3A, %dma_start3A_22] : memref<2x16x250x80xi32, #tpu.memory_space<hbm>> -> memref<1x1x250x80xi32, #tpu.memory_space<hbm>>
      %dma_start3A_24 = tpu.memref_squeeze %dma_start3A_23 : memref<1x1x250x80xi32, #tpu.memory_space<hbm>> -> memref<250x80xi32, #tpu.memory_space<hbm>>
      %dma_start3A_25 = arith.constant 0 : i32
      %dma_start3A_26 = arith.constant 0 : i32
      %dma_start3A_27 = tpu.memref_slice %arg3[%arg0, %arg1, %dma_start3A_25, %dma_start3A_26] : memref<2x16x250x80xi32, #tpu.memory_space<hbm>> -> memref<1x1x250x80xi32, #tpu.memory_space<hbm>>
      %dma_start3A_28 = tpu.memref_squeeze %dma_start3A_27 : memref<1x1x250x80xi32, #tpu.memory_space<hbm>> -> memref<250x80xi32, #tpu.memory_space<hbm>>
      tpu.enqueue_dma source(%dma_start3A_28 : memref<250x80xi32, #tpu.memory_space<hbm>>) target(%arg9 : memref<250x80xi32, #tpu.memory_space<vmem>>) target_semaphore(%run_scoped3A : memref<!tpu.dma_semaphore, #tpu.memory_space<semaphore_mem>>)
      %dma_wait3A = arith.constant 0 : i32
      %dma_wait3A_29 = arith.constant 0 : i32
      %dma_wait3A_30 = tpu.memref_slice %arg3[%arg0, %arg1, %dma_wait3A, %dma_wait3A_29] : memref<2x16x250x80xi32, #tpu.memory_space<hbm>> -> memref<1x1x250x80xi32, #tpu.memory_space<hbm>>
      %dma_wait3A_31 = tpu.memref_squeeze %dma_wait3A_30 : memref<1x1x250x80xi32, #tpu.memory_space<hbm>> -> memref<250x80xi32, #tpu.memory_space<hbm>>
      %dma_wait3A_32 = arith.constant 0 : i32
      %dma_wait3A_33 = arith.constant 0 : i32
      %dma_wait3A_34 = tpu.memref_slice %arg3[%arg0, %arg1, %dma_wait3A_32, %dma_wait3A_33] : memref<2x16x250x80xi32, #tpu.memory_space<hbm>> -> memref<1x1x250x80xi32, #tpu.memory_space<hbm>>
      %dma_wait3A_35 = tpu.memref_squeeze %dma_wait3A_34 : memref<1x1x250x80xi32, #tpu.memory_space<hbm>> -> memref<250x80xi32, #tpu.memory_space<hbm>>
      tpu.wait_dma2 semaphore(%run_scoped3A : memref<!tpu.dma_semaphore, #tpu.memory_space<semaphore_mem>>) src(%dma_wait3A_35 : memref<250x80xi32, #tpu.memory_space<hbm>>) dst(%arg9 : memref<250x80xi32, #tpu.memory_space<vmem>>)
      tpu.yield
    }) : () -> ()
    "tpu.region"() ({
      %run_scoped3A = tpu.sem_alloc : memref<!tpu.dma_semaphore, #tpu.memory_space<semaphore_mem>>
      %dma_start3A = arith.constant 0 : i32
      %dma_start3A_22 = arith.constant 0 : i32
      %dma_start3A_23 = tpu.memref_slice %arg5[%arg0, %arg1, %dma_start3A, %dma_start3A_22] : memref<2x16x250x80xi32, #tpu.memory_space<hbm>> -> memref<1x1x250x80xi32, #tpu.memory_space<hbm>>
      %dma_start3A_24 = tpu.memref_squeeze %dma_start3A_23 : memref<1x1x250x80xi32, #tpu.memory_space<hbm>> -> memref<250x80xi32, #tpu.memory_space<hbm>>
      %dma_start3A_25 = arith.constant 0 : i32
      %dma_start3A_26 = arith.constant 0 : i32
      %dma_start3A_27 = tpu.memref_slice %arg5[%arg0, %arg1, %dma_start3A_25, %dma_start3A_26] : memref<2x16x250x80xi32, #tpu.memory_space<hbm>> -> memref<1x1x250x80xi32, #tpu.memory_space<hbm>>
      %dma_start3A_28 = tpu.memref_squeeze %dma_start3A_27 : memref<1x1x250x80xi32, #tpu.memory_space<hbm>> -> memref<250x80xi32, #tpu.memory_space<hbm>>
      tpu.enqueue_dma source(%dma_start3A_28 : memref<250x80xi32, #tpu.memory_space<hbm>>) target(%arg10 : memref<250x80xi32, #tpu.memory_space<vmem>>) target_semaphore(%run_scoped3A : memref<!tpu.dma_semaphore, #tpu.memory_space<semaphore_mem>>)
      %dma_wait3A = arith.constant 0 : i32
      %dma_wait3A_29 = arith.constant 0 : i32
      %dma_wait3A_30 = tpu.memref_slice %arg5[%arg0, %arg1, %dma_wait3A, %dma_wait3A_29] : memref<2x16x250x80xi32, #tpu.memory_space<hbm>> -> memref<1x1x250x80xi32, #tpu.memory_space<hbm>>
      %dma_wait3A_31 = tpu.memref_squeeze %dma_wait3A_30 : memref<1x1x250x80xi32, #tpu.memory_space<hbm>> -> memref<250x80xi32, #tpu.memory_space<hbm>>
      %dma_wait3A_32 = arith.constant 0 : i32
      %dma_wait3A_33 = arith.constant 0 : i32
      %dma_wait3A_34 = tpu.memref_slice %arg5[%arg0, %arg1, %dma_wait3A_32, %dma_wait3A_33] : memref<2x16x250x80xi32, #tpu.memory_space<hbm>> -> memref<1x1x250x80xi32, #tpu.memory_space<hbm>>
      %dma_wait3A_35 = tpu.memref_squeeze %dma_wait3A_34 : memref<1x1x250x80xi32, #tpu.memory_space<hbm>> -> memref<250x80xi32, #tpu.memory_space<hbm>>
      tpu.wait_dma2 semaphore(%run_scoped3A : memref<!tpu.dma_semaphore, #tpu.memory_space<semaphore_mem>>) src(%dma_wait3A_35 : memref<250x80xi32, #tpu.memory_space<hbm>>) dst(%arg10 : memref<250x80xi32, #tpu.memory_space<vmem>>)
      tpu.yield
    }) : () -> ()
    %barrier3A = arith.constant 0 : index
    tpu.barrier barrier_id(%barrier3A)
    %scan3A = arith.constant 0 : i32
    %scan3A_6 = arith.constant 0 : i32
    %scan3A_7 = arith.constant 250 : i32
    %scan3A_8 = arith.addi %scan3A_6, %scan3A_7 : i32
    %scan3A_9 = arith.constant 1 : i32
    scf.for %scan3A_22 = %scan3A_6 to %scan3A_8 step %scan3A_9  : i32 {
      %dma_start3A = arith.constant 0 : i32
      %dma_start3A_23 = tpu.memref_slice %arg9[%scan3A_22, %dma_start3A] : memref<250x80xi32, #tpu.memory_space<vmem>> -> memref<1x80xi32, #tpu.memory_space<vmem>>
      %dma_start3A_24 = tpu.memref_squeeze %dma_start3A_23 : memref<1x80xi32, #tpu.memory_space<vmem>> -> memref<80xi32, #tpu.memory_space<vmem>>
      %dma_start3A_25 = arith.constant 0 : i32
      %dma_start3A_26 = arith.constant 0 : i32
      %dma_start3A_27 = tpu.memref_slice %arg2[%dma_start3A_25, %dma_start3A_26] : memref<20000x64xf32, #tpu.memory_space<hbm>> -> memref<20000x64xf32, #tpu.memory_space<hbm>>
      tpu.enqueue_indirect_dma source(%dma_start3A_27 : memref<20000x64xf32, #tpu.memory_space<hbm>>) target(%arg11 : memref<80x64xf32, #tpu.memory_space<vmem>>) offsets(%dma_start3A_24 : memref<80xi32, #tpu.memory_space<vmem>>) semaphore(%arg15 : memref<!tpu.dma_semaphore, #tpu.memory_space<semaphore_mem>>)
      %dma_wait3A = arith.constant 0 : i32
      %dma_wait3A_28 = tpu.memref_slice %arg9[%scan3A_22, %dma_wait3A] : memref<250x80xi32, #tpu.memory_space<vmem>> -> memref<1x80xi32, #tpu.memory_space<vmem>>
      %dma_wait3A_29 = tpu.memref_squeeze %dma_wait3A_28 : memref<1x80xi32, #tpu.memory_space<vmem>> -> memref<80xi32, #tpu.memory_space<vmem>>
      %dma_wait3A_30 = arith.constant 0 : i32
      %dma_wait3A_31 = arith.constant 0 : i32
      %dma_wait3A_32 = tpu.memref_slice %arg2[%dma_wait3A_30, %dma_wait3A_31] : memref<20000x64xf32, #tpu.memory_space<hbm>> -> memref<20000x64xf32, #tpu.memory_space<hbm>>
      tpu.wait_indirect_dma semaphore(%arg15 : memref<!tpu.dma_semaphore, #tpu.memory_space<semaphore_mem>>) src(%dma_wait3A_32 : memref<20000x64xf32, #tpu.memory_space<hbm>>) dst(%arg11 : memref<80x64xf32, #tpu.memory_space<vmem>>)
      %dma_start3A_33 = arith.constant 0 : i32
      %dma_start3A_34 = tpu.memref_slice %arg10[%scan3A_22, %dma_start3A_33] : memref<250x80xi32, #tpu.memory_space<vmem>> -> memref<1x80xi32, #tpu.memory_space<vmem>>
      %dma_start3A_35 = tpu.memref_squeeze %dma_start3A_34 : memref<1x80xi32, #tpu.memory_space<vmem>> -> memref<80xi32, #tpu.memory_space<vmem>>
      %dma_start3A_36 = arith.constant 0 : i32
      %dma_start3A_37 = arith.constant 0 : i32
      %dma_start3A_38 = tpu.memref_slice %arg6[%dma_start3A_36, %dma_start3A_37] : memref<1024x64xf32, #tpu.memory_space<hbm>> -> memref<1024x64xf32, #tpu.memory_space<hbm>>
      tpu.enqueue_indirect_dma source(%dma_start3A_38 : memref<1024x64xf32, #tpu.memory_space<hbm>>) target(%arg12 : memref<80x64xf32, #tpu.memory_space<vmem>>) offsets(%dma_start3A_35 : memref<80xi32, #tpu.memory_space<vmem>>) semaphore(%arg16 : memref<!tpu.dma_semaphore, #tpu.memory_space<semaphore_mem>>)
      %dma_wait3A_39 = arith.constant 0 : i32
      %dma_wait3A_40 = tpu.memref_slice %arg10[%scan3A_22, %dma_wait3A_39] : memref<250x80xi32, #tpu.memory_space<vmem>> -> memref<1x80xi32, #tpu.memory_space<vmem>>
      %dma_wait3A_41 = tpu.memref_squeeze %dma_wait3A_40 : memref<1x80xi32, #tpu.memory_space<vmem>> -> memref<80xi32, #tpu.memory_space<vmem>>
      %dma_wait3A_42 = arith.constant 0 : i32
      %dma_wait3A_43 = arith.constant 0 : i32
      %dma_wait3A_44 = tpu.memref_slice %arg6[%dma_wait3A_42, %dma_wait3A_43] : memref<1024x64xf32, #tpu.memory_space<hbm>> -> memref<1024x64xf32, #tpu.memory_space<hbm>>
      tpu.wait_indirect_dma semaphore(%arg16 : memref<!tpu.dma_semaphore, #tpu.memory_space<semaphore_mem>>) src(%dma_wait3A_44 : memref<1024x64xf32, #tpu.memory_space<hbm>>) dst(%arg12 : memref<80x64xf32, #tpu.memory_space<vmem>>)
      "tpu.region"() ({
        %run_scoped3A = tpu.sem_alloc : memref<!tpu.dma_semaphore, #tpu.memory_space<semaphore_mem>>
        %dma_start3A_51 = arith.constant 0 : i32
        %dma_start3A_52 = tpu.memref_slice %arg4[%arg1, %scan3A_22, %dma_start3A_51] : memref<16x250x80xi32, #tpu.memory_space<hbm>> -> memref<1x1x80xi32, #tpu.memory_space<hbm>>
        %dma_start3A_53 = tpu.memref_squeeze %dma_start3A_52 : memref<1x1x80xi32, #tpu.memory_space<hbm>> -> memref<80xi32, #tpu.memory_space<hbm>>
        %dma_start3A_54 = arith.constant 0 : i32
        %dma_start3A_55 = tpu.memref_slice %arg4[%arg1, %scan3A_22, %dma_start3A_54] : memref<16x250x80xi32, #tpu.memory_space<hbm>> -> memref<1x1x80xi32, #tpu.memory_space<hbm>>
        %dma_start3A_56 = tpu.memref_squeeze %dma_start3A_55 : memref<1x1x80xi32, #tpu.memory_space<hbm>> -> memref<80xi32, #tpu.memory_space<hbm>>
        tpu.enqueue_dma source(%dma_start3A_56 : memref<80xi32, #tpu.memory_space<hbm>>) target(%arg13 : memref<80xi32, #tpu.memory_space<vmem>>) target_semaphore(%run_scoped3A : memref<!tpu.dma_semaphore, #tpu.memory_space<semaphore_mem>>)
        %dma_wait3A_57 = arith.constant 0 : i32
        %dma_wait3A_58 = tpu.memref_slice %arg4[%arg1, %scan3A_22, %dma_wait3A_57] : memref<16x250x80xi32, #tpu.memory_space<hbm>> -> memref<1x1x80xi32, #tpu.memory_space<hbm>>
        %dma_wait3A_59 = tpu.memref_squeeze %dma_wait3A_58 : memref<1x1x80xi32, #tpu.memory_space<hbm>> -> memref<80xi32, #tpu.memory_space<hbm>>
        %dma_wait3A_60 = arith.constant 0 : i32
        %dma_wait3A_61 = tpu.memref_slice %arg4[%arg1, %scan3A_22, %dma_wait3A_60] : memref<16x250x80xi32, #tpu.memory_space<hbm>> -> memref<1x1x80xi32, #tpu.memory_space<hbm>>
        %dma_wait3A_62 = tpu.memref_squeeze %dma_wait3A_61 : memref<1x1x80xi32, #tpu.memory_space<hbm>> -> memref<80xi32, #tpu.memory_space<hbm>>
        tpu.wait_dma2 semaphore(%run_scoped3A : memref<!tpu.dma_semaphore, #tpu.memory_space<semaphore_mem>>) src(%dma_wait3A_62 : memref<80xi32, #tpu.memory_space<hbm>>) dst(%arg13 : memref<80xi32, #tpu.memory_space<vmem>>)
        tpu.yield
      }) : () -> ()
      %scan3A_45 = arith.constant 0 : i32
      %scan3A_46 = arith.constant 0 : i32
      %scan3A_47 = arith.constant 80 : i32
      %scan3A_48 = arith.addi %scan3A_46, %scan3A_47 : i32
      %scan3A_49 = arith.constant 2 : i32
      scf.for %scan3A_51 = %scan3A_46 to %scan3A_48 step %scan3A_49  : i32 {
        %get3A = arith.index_cast %scan3A_51 : i32 to index
        %get3A_52 = arith.constant 0 : index
        %get3A_53 = tpu.vector_load %arg11[%get3A, %get3A_52] {strides = array<i32>} : memref<80x64xf32, #tpu.memory_space<vmem>>, vector<1x16xf32>,
        %get3A_54 = vector.shape_cast %get3A_53 : vector<1x16xf32> to vector<16xf32>
        %get3A_55 = arith.index_cast %scan3A_51 : i32 to index
        %get3A_56 = arith.constant 0 : index
        %get3A_57 = tpu.vector_load %arg12[%get3A_55, %get3A_56] {strides = array<i32>} : memref<80x64xf32, #tpu.memory_space<vmem>>, vector<1x16xf32>,
        %get3A_58 = vector.shape_cast %get3A_57 : vector<1x16xf32> to vector<16xf32>
        %add3A = arith.addf %get3A_54, %get3A_58 : vector<16xf32>
        %max3A = arith.constant 0.000000e+00 : f32
        %max3A_59 = vector.broadcast %max3A : f32 to vector<16xf32>
        %max3A_60 = arith.maximumf %add3A, %max3A_59 : vector<16xf32>
        %swap3A = arith.index_cast %scan3A_51 : i32 to index
        %swap3A_61 = arith.constant 0 : index
        %swap3A_62 = tpu.vector_load %arg11[%swap3A, %swap3A_61] {strides = array<i32>} : memref<80x64xf32, #tpu.memory_space<vmem>>, vector<1x16xf32>,
        %swap3A_63 = vector.shape_cast %swap3A_62 : vector<1x16xf32> to vector<16xf32>
        %swap3A_64 = vector.shape_cast %max3A_60 : vector<16xf32> to vector<1x16xf32>
        tpu.vector_store %arg11[%swap3A, %swap3A_61], %swap3A_64 {strides = array<i32>} : memref<80x64xf32, #tpu.memory_space<vmem>>, vector<1x16xf32>,
        %get3A_65 = arith.index_cast %scan3A_51 : i32 to index
        %get3A_66 = arith.constant 16 : index
        %get3A_67 = tpu.vector_load %arg11[%get3A_65, %get3A_66] {strides = array<i32>} : memref<80x64xf32, #tpu.memory_space<vmem>>, vector<1x16xf32>,
        %get3A_68 = vector.shape_cast %get3A_67 : vector<1x16xf32> to vector<16xf32>
        %get3A_69 = arith.index_cast %scan3A_51 : i32 to index
        %get3A_70 = arith.constant 16 : index
        %get3A_71 = tpu.vector_load %arg12[%get3A_69, %get3A_70] {strides = array<i32>} : memref<80x64xf32, #tpu.memory_space<vmem>>, vector<1x16xf32>,
        %get3A_72 = vector.shape_cast %get3A_71 : vector<1x16xf32> to vector<16xf32>
        %add3A_73 = arith.addf %get3A_68, %get3A_72 : vector<16xf32>
        %max3A_74 = arith.constant 0.000000e+00 : f32
        %max3A_75 = vector.broadcast %max3A_74 : f32 to vector<16xf32>
        %max3A_76 = arith.maximumf %add3A_73, %max3A_75 : vector<16xf32>
        %swap3A_77 = arith.index_cast %scan3A_51 : i32 to index
        %swap3A_78 = arith.constant 16 : index
        %swap3A_79 = tpu.vector_load %arg11[%swap3A_77, %swap3A_78] {strides = array<i32>} : memref<80x64xf32, #tpu.memory_space<vmem>>, vector<1x16xf32>,
        %swap3A_80 = vector.shape_cast %swap3A_79 : vector<1x16xf32> to vector<16xf32>
        %swap3A_81 = vector.shape_cast %max3A_76 : vector<16xf32> to vector<1x16xf32>
        tpu.vector_store %arg11[%swap3A_77, %swap3A_78], %swap3A_81 {strides = array<i32>} : memref<80x64xf32, #tpu.memory_space<vmem>>, vector<1x16xf32>,
        %get3A_82 = arith.index_cast %scan3A_51 : i32 to index
        %get3A_83 = arith.constant 32 : index
        %get3A_84 = tpu.vector_load %arg11[%get3A_82, %get3A_83] {strides = array<i32>} : memref<80x64xf32, #tpu.memory_space<vmem>>, vector<1x16xf32>,
        %get3A_85 = vector.shape_cast %get3A_84 : vector<1x16xf32> to vector<16xf32>
        %get3A_86 = arith.index_cast %scan3A_51 : i32 to index
        %get3A_87 = arith.constant 32 : index
        %get3A_88 = tpu.vector_load %arg12[%get3A_86, %get3A_87] {strides = array<i32>} : memref<80x64xf32, #tpu.memory_space<vmem>>, vector<1x16xf32>,
        %get3A_89 = vector.shape_cast %get3A_88 : vector<1x16xf32> to vector<16xf32>
        %add3A_90 = arith.addf %get3A_85, %get3A_89 : vector<16xf32>
        %max3A_91 = arith.constant 0.000000e+00 : f32
        %max3A_92 = vector.broadcast %max3A_91 : f32 to vector<16xf32>
        %max3A_93 = arith.maximumf %add3A_90, %max3A_92 : vector<16xf32>
        %swap3A_94 = arith.index_cast %scan3A_51 : i32 to index
        %swap3A_95 = arith.constant 32 : index
        %swap3A_96 = tpu.vector_load %arg11[%swap3A_94, %swap3A_95] {strides = array<i32>} : memref<80x64xf32, #tpu.memory_space<vmem>>, vector<1x16xf32>,
        %swap3A_97 = vector.shape_cast %swap3A_96 : vector<1x16xf32> to vector<16xf32>
        %swap3A_98 = vector.shape_cast %max3A_93 : vector<16xf32> to vector<1x16xf32>
        tpu.vector_store %arg11[%swap3A_94, %swap3A_95], %swap3A_98 {strides = array<i32>} : memref<80x64xf32, #tpu.memory_space<vmem>>, vector<1x16xf32>,
        %get3A_99 = arith.index_cast %scan3A_51 : i32 to index
        %get3A_100 = arith.constant 48 : index
        %get3A_101 = tpu.vector_load %arg11[%get3A_99, %get3A_100] {strides = array<i32>} : memref<80x64xf32, #tpu.memory_space<vmem>>, vector<1x16xf32>,
        %get3A_102 = vector.shape_cast %get3A_101 : vector<1x16xf32> to vector<16xf32>
        %get3A_103 = arith.index_cast %scan3A_51 : i32 to index
        %get3A_104 = arith.constant 48 : index
        %get3A_105 = tpu.vector_load %arg12[%get3A_103, %get3A_104] {strides = array<i32>} : memref<80x64xf32, #tpu.memory_space<vmem>>, vector<1x16xf32>,
        %get3A_106 = vector.shape_cast %get3A_105 : vector<1x16xf32> to vector<16xf32>
        %add3A_107 = arith.addf %get3A_102, %get3A_106 : vector<16xf32>
        %max3A_108 = arith.constant 0.000000e+00 : f32
        %max3A_109 = vector.broadcast %max3A_108 : f32 to vector<16xf32>
        %max3A_110 = arith.maximumf %add3A_107, %max3A_109 : vector<16xf32>
        %swap3A_111 = arith.index_cast %scan3A_51 : i32 to index
        %swap3A_112 = arith.constant 48 : index
        %swap3A_113 = tpu.vector_load %arg11[%swap3A_111, %swap3A_112] {strides = array<i32>} : memref<80x64xf32, #tpu.memory_space<vmem>>, vector<1x16xf32>,
        %swap3A_114 = vector.shape_cast %swap3A_113 : vector<1x16xf32> to vector<16xf32>
        %swap3A_115 = vector.shape_cast %max3A_110 : vector<16xf32> to vector<1x16xf32>
        tpu.vector_store %arg11[%swap3A_111, %swap3A_112], %swap3A_115 {strides = array<i32>} : memref<80x64xf32, #tpu.memory_space<vmem>>, vector<1x16xf32>,
        %scan3A_116 = arith.constant 1 : i32
        %scan3A_117 = arith.addi %scan3A_51, %scan3A_116 : i32
        %get3A_118 = arith.index_cast %scan3A_117 : i32 to index
        %get3A_119 = arith.constant 0 : index
        %get3A_120 = tpu.vector_load %arg11[%get3A_118, %get3A_119] {strides = array<i32>} : memref<80x64xf32, #tpu.memory_space<vmem>>, vector<1x16xf32>,
        %get3A_121 = vector.shape_cast %get3A_120 : vector<1x16xf32> to vector<16xf32>
        %get3A_122 = arith.index_cast %scan3A_117 : i32 to index
        %get3A_123 = arith.constant 0 : index
        %get3A_124 = tpu.vector_load %arg12[%get3A_122, %get3A_123] {strides = array<i32>} : memref<80x64xf32, #tpu.memory_space<vmem>>, vector<1x16xf32>,
        %get3A_125 = vector.shape_cast %get3A_124 : vector<1x16xf32> to vector<16xf32>
        %add3A_126 = arith.addf %get3A_121, %get3A_125 : vector<16xf32>
        %max3A_127 = arith.constant 0.000000e+00 : f32
        %max3A_128 = vector.broadcast %max3A_127 : f32 to vector<16xf32>
        %max3A_129 = arith.maximumf %add3A_126, %max3A_128 : vector<16xf32>
        %swap3A_130 = arith.index_cast %scan3A_117 : i32 to index
        %swap3A_131 = arith.constant 0 : index
        %swap3A_132 = tpu.vector_load %arg11[%swap3A_130, %swap3A_131] {strides = array<i32>} : memref<80x64xf32, #tpu.memory_space<vmem>>, vector<1x16xf32>,
        %swap3A_133 = vector.shape_cast %swap3A_132 : vector<1x16xf32> to vector<16xf32>
        %swap3A_134 = vector.shape_cast %max3A_129 : vector<16xf32> to vector<1x16xf32>
        tpu.vector_store %arg11[%swap3A_130, %swap3A_131], %swap3A_134 {strides = array<i32>} : memref<80x64xf32, #tpu.memory_space<vmem>>, vector<1x16xf32>,
        %get3A_135 = arith.index_cast %scan3A_117 : i32 to index
        %get3A_136 = arith.constant 16 : index
        %get3A_137 = tpu.vector_load %arg11[%get3A_135, %get3A_136] {strides = array<i32>} : memref<80x64xf32, #tpu.memory_space<vmem>>, vector<1x16xf32>,
        %get3A_138 = vector.shape_cast %get3A_137 : vector<1x16xf32> to vector<16xf32>
        %get3A_139 = arith.index_cast %scan3A_117 : i32 to index
        %get3A_140 = arith.constant 16 : index
        %get3A_141 = tpu.vector_load %arg12[%get3A_139, %get3A_140] {strides = array<i32>} : memref<80x64xf32, #tpu.memory_space<vmem>>, vector<1x16xf32>,
        %get3A_142 = vector.shape_cast %get3A_141 : vector<1x16xf32> to vector<16xf32>
        %add3A_143 = arith.addf %get3A_138, %get3A_142 : vector<16xf32>
        %max3A_144 = arith.constant 0.000000e+00 : f32
        %max3A_145 = vector.broadcast %max3A_144 : f32 to vector<16xf32>
        %max3A_146 = arith.maximumf %add3A_143, %max3A_145 : vector<16xf32>
        %swap3A_147 = arith.index_cast %scan3A_117 : i32 to index
        %swap3A_148 = arith.constant 16 : index
        %swap3A_149 = tpu.vector_load %arg11[%swap3A_147, %swap3A_148] {strides = array<i32>} : memref<80x64xf32, #tpu.memory_space<vmem>>, vector<1x16xf32>,
        %swap3A_150 = vector.shape_cast %swap3A_149 : vector<1x16xf32> to vector<16xf32>
        %swap3A_151 = vector.shape_cast %max3A_146 : vector<16xf32> to vector<1x16xf32>
        tpu.vector_store %arg11[%swap3A_147, %swap3A_148], %swap3A_151 {strides = array<i32>} : memref<80x64xf32, #tpu.memory_space<vmem>>, vector<1x16xf32>,
        %get3A_152 = arith.index_cast %scan3A_117 : i32 to index
        %get3A_153 = arith.constant 32 : index
        %get3A_154 = tpu.vector_load %arg11[%get3A_152, %get3A_153] {strides = array<i32>} : memref<80x64xf32, #tpu.memory_space<vmem>>, vector<1x16xf32>,
        %get3A_155 = vector.shape_cast %get3A_154 : vector<1x16xf32> to vector<16xf32>
        %get3A_156 = arith.index_cast %scan3A_117 : i32 to index
        %get3A_157 = arith.constant 32 : index
        %get3A_158 = tpu.vector_load %arg12[%get3A_156, %get3A_157] {strides = array<i32>} : memref<80x64xf32, #tpu.memory_space<vmem>>, vector<1x16xf32>,
        %get3A_159 = vector.shape_cast %get3A_158 : vector<1x16xf32> to vector<16xf32>
        %add3A_160 = arith.addf %get3A_155, %get3A_159 : vector<16xf32>
        %max3A_161 = arith.constant 0.000000e+00 : f32
        %max3A_162 = vector.broadcast %max3A_161 : f32 to vector<16xf32>
        %max3A_163 = arith.maximumf %add3A_160, %max3A_162 : vector<16xf32>
        %swap3A_164 = arith.index_cast %scan3A_117 : i32 to index
        %swap3A_165 = arith.constant 32 : index
        %swap3A_166 = tpu.vector_load %arg11[%swap3A_164, %swap3A_165] {strides = array<i32>} : memref<80x64xf32, #tpu.memory_space<vmem>>, vector<1x16xf32>,
        %swap3A_167 = vector.shape_cast %swap3A_166 : vector<1x16xf32> to vector<16xf32>
        %swap3A_168 = vector.shape_cast %max3A_163 : vector<16xf32> to vector<1x16xf32>
        tpu.vector_store %arg11[%swap3A_164, %swap3A_165], %swap3A_168 {strides = array<i32>} : memref<80x64xf32, #tpu.memory_space<vmem>>, vector<1x16xf32>,
        %get3A_169 = arith.index_cast %scan3A_117 : i32 to index
        %get3A_170 = arith.constant 48 : index
        %get3A_171 = tpu.vector_load %arg11[%get3A_169, %get3A_170] {strides = array<i32>} : memref<80x64xf32, #tpu.memory_space<vmem>>, vector<1x16xf32>,
        %get3A_172 = vector.shape_cast %get3A_171 : vector<1x16xf32> to vector<16xf32>
        %get3A_173 = arith.index_cast %scan3A_117 : i32 to index
        %get3A_174 = arith.constant 48 : index
        %get3A_175 = tpu.vector_load %arg12[%get3A_173, %get3A_174] {strides = array<i32>} : memref<80x64xf32, #tpu.memory_space<vmem>>, vector<1x16xf32>,
        %get3A_176 = vector.shape_cast %get3A_175 : vector<1x16xf32> to vector<16xf32>
        %add3A_177 = arith.addf %get3A_172, %get3A_176 : vector<16xf32>
        %max3A_178 = arith.constant 0.000000e+00 : f32
        %max3A_179 = vector.broadcast %max3A_178 : f32 to vector<16xf32>
        %max3A_180 = arith.maximumf %add3A_177, %max3A_179 : vector<16xf32>
        %swap3A_181 = arith.index_cast %scan3A_117 : i32 to index
        %swap3A_182 = arith.constant 48 : index
        %swap3A_183 = tpu.vector_load %arg11[%swap3A_181, %swap3A_182] {strides = array<i32>} : memref<80x64xf32, #tpu.memory_space<vmem>>, vector<1x16xf32>,
        %swap3A_184 = vector.shape_cast %swap3A_183 : vector<1x16xf32> to vector<16xf32>
        %swap3A_185 = vector.shape_cast %max3A_180 : vector<16xf32> to vector<1x16xf32>
        tpu.vector_store %arg11[%swap3A_181, %swap3A_182], %swap3A_185 {strides = array<i32>} : memref<80x64xf32, #tpu.memory_space<vmem>>, vector<1x16xf32>,
      }
      %scan3A_50 = arith.constant 80 : i32
      "tpu.region"() ({
        %run_scoped3A = tpu.sem_alloc : memref<!tpu.dma_semaphore, #tpu.memory_space<semaphore_mem>>
        %dma_start3A_51 = arith.constant 0 : i32
        %dma_start3A_52 = arith.constant 0 : i32
        %dma_start3A_53 = tpu.memref_slice %arg14[%dma_start3A_51, %dma_start3A_52] : memref<10000x64xf32, #tpu.memory_space<vmem_shared>> -> memref<10000x64xf32, #tpu.memory_space<vmem_shared>>
        tpu.enqueue_indirect_dma source(%arg11 : memref<80x64xf32, #tpu.memory_space<vmem>>) target(%dma_start3A_53 : memref<10000x64xf32, #tpu.memory_space<vmem_shared>>) offsets(%arg13 : memref<80xi32, #tpu.memory_space<vmem>>) semaphore(%run_scoped3A : memref<!tpu.dma_semaphore, #tpu.memory_space<semaphore_mem>>) {add = true}
        %dma_wait3A_54 = arith.constant 0 : i32
        %dma_wait3A_55 = arith.constant 0 : i32
        %dma_wait3A_56 = tpu.memref_slice %arg14[%dma_wait3A_54, %dma_wait3A_55] : memref<10000x64xf32, #tpu.memory_space<vmem_shared>> -> memref<10000x64xf32, #tpu.memory_space<vmem_shared>>
        tpu.wait_indirect_dma semaphore(%run_scoped3A : memref<!tpu.dma_semaphore, #tpu.memory_space<semaphore_mem>>) src(%arg11 : memref<80x64xf32, #tpu.memory_space<vmem>>) dst(%dma_wait3A_56 : memref<10000x64xf32, #tpu.memory_space<vmem_shared>>)
        tpu.yield
      }) : () -> ()
    }
    %scan3A_10 = arith.constant 250 : i32
    %barrier3A_11 = arith.constant 0 : index
    tpu.barrier barrier_id(%barrier3A_11)
    %lt3A_12 = arith.constant 15 : i32
    %lt3A_13 = arith.cmpi slt, %arg1, %lt3A_12 : i32
    %convert_element_type3A_14 = arith.extui %lt3A_13 : i1 to i32
    %cond3A_15 = arith.constant 0 : i32
    %cond3A_16 = arith.cmpi ne, %convert_element_type3A_14, %cond3A_15 : i32
    scf.if %cond3A_16 {
      %mul3A = arith.constant 632 : i32
      %mul3A_22 = arith.muli %arg1, %mul3A : i32
      %mul3A_23 = arith.constant 632 : i32
      %mul3A_24 = arith.muli %arg1, %mul3A_23 : i32
      "tpu.region"() ({
        %run_scoped3A = tpu.sem_alloc : memref<!tpu.dma_semaphore, #tpu.memory_space<semaphore_mem>>
        %dma_start3A = arith.constant 0 : i32
        %dma_start3A_25 = tpu.memref_slice %arg8[%arg0, %mul3A_24, %dma_start3A] : memref<2x10000x64xf32, #tpu.memory_space<hbm>> -> memref<1x632x64xf32, #tpu.memory_space<hbm>>
        %dma_start3A_26 = tpu.memref_squeeze %dma_start3A_25 : memref<1x632x64xf32, #tpu.memory_space<hbm>> -> memref<632x64xf32, #tpu.memory_space<hbm>>
        %dma_start3A_27 = arith.constant 0 : i32
        %dma_start3A_28 = tpu.memref_slice %arg14[%mul3A_22, %dma_start3A_27] : memref<10000x64xf32, #tpu.memory_space<vmem_shared>> -> memref<632x64xf32, #tpu.memory_space<vmem_shared>>
        tpu.enqueue_dma source(%dma_start3A_28 : memref<632x64xf32, #tpu.memory_space<vmem_shared>>) target(%dma_start3A_26 : memref<632x64xf32, #tpu.memory_space<hbm>>) target_semaphore(%run_scoped3A : memref<!tpu.dma_semaphore, #tpu.memory_space<semaphore_mem>>)
        %dma_wait3A = arith.constant 0 : i32
        %dma_wait3A_29 = tpu.memref_slice %arg8[%arg0, %mul3A_24, %dma_wait3A] : memref<2x10000x64xf32, #tpu.memory_space<hbm>> -> memref<1x632x64xf32, #tpu.memory_space<hbm>>
        %dma_wait3A_30 = tpu.memref_squeeze %dma_wait3A_29 : memref<1x632x64xf32, #tpu.memory_space<hbm>> -> memref<632x64xf32, #tpu.memory_space<hbm>>
        %dma_wait3A_31 = arith.constant 0 : i32
        %dma_wait3A_32 = tpu.memref_slice %arg14[%mul3A_22, %dma_wait3A_31] : memref<10000x64xf32, #tpu.memory_space<vmem_shared>> -> memref<632x64xf32, #tpu.memory_space<vmem_shared>>
        tpu.wait_dma2 semaphore(%run_scoped3A : memref<!tpu.dma_semaphore, #tpu.memory_space<semaphore_mem>>) src(%dma_wait3A_32 : memref<632x64xf32, #tpu.memory_space<vmem_shared>>) dst(%dma_wait3A_30 : memref<632x64xf32, #tpu.memory_space<hbm>>)
        tpu.yield
      }) : () -> ()
    } else {
    }
    %eq3A_17 = arith.constant 15 : i32
    %eq3A_18 = arith.cmpi eq, %arg1, %eq3A_17 : i32
    %convert_element_type3A_19 = arith.extui %eq3A_18 : i1 to i32
    %cond3A_20 = arith.constant 0 : i32
    %cond3A_21 = arith.cmpi ne, %convert_element_type3A_19, %cond3A_20 : i32
    scf.if %cond3A_21 {
      "tpu.region"() ({
        %run_scoped3A = tpu.sem_alloc : memref<!tpu.dma_semaphore, #tpu.memory_space<semaphore_mem>>
        %dma_start3A = arith.constant 9480 : i32
        %dma_start3A_22 = arith.constant 0 : i32
        %dma_start3A_23 = tpu.memref_slice %arg8[%arg0, %dma_start3A, %dma_start3A_22] : memref<2x10000x64xf32, #tpu.memory_space<hbm>> -> memref<1x520x64xf32, #tpu.memory_space<hbm>>
        %dma_start3A_24 = tpu.memref_squeeze %dma_start3A_23 : memref<1x520x64xf32, #tpu.memory_space<hbm>> -> memref<520x64xf32, #tpu.memory_space<hbm>>
        %dma_start3A_25 = arith.constant 9480 : i32
        %dma_start3A_26 = arith.constant 0 : i32
        %dma_start3A_27 = tpu.memref_slice %arg14[%dma_start3A_25, %dma_start3A_26] : memref<10000x64xf32, #tpu.memory_space<vmem_shared>> -> memref<520x64xf32, #tpu.memory_space<vmem_shared>>
        tpu.enqueue_dma source(%dma_start3A_27 : memref<520x64xf32, #tpu.memory_space<vmem_shared>>) target(%dma_start3A_24 : memref<520x64xf32, #tpu.memory_space<hbm>>) target_semaphore(%run_scoped3A : memref<!tpu.dma_semaphore, #tpu.memory_space<semaphore_mem>>)
        %dma_wait3A = arith.constant 9480 : i32
        %dma_wait3A_28 = arith.constant 0 : i32
        %dma_wait3A_29 = tpu.memref_slice %arg8[%arg0, %dma_wait3A, %dma_wait3A_28] : memref<2x10000x64xf32, #tpu.memory_space<hbm>> -> memref<1x520x64xf32, #tpu.memory_space<hbm>>
        %dma_wait3A_30 = tpu.memref_squeeze %dma_wait3A_29 : memref<1x520x64xf32, #tpu.memory_space<hbm>> -> memref<520x64xf32, #tpu.memory_space<hbm>>
        %dma_wait3A_31 = arith.constant 9480 : i32
        %dma_wait3A_32 = arith.constant 0 : i32
        %dma_wait3A_33 = tpu.memref_slice %arg14[%dma_wait3A_31, %dma_wait3A_32] : memref<10000x64xf32, #tpu.memory_space<vmem_shared>> -> memref<520x64xf32, #tpu.memory_space<vmem_shared>>
        tpu.wait_dma2 semaphore(%run_scoped3A : memref<!tpu.dma_semaphore, #tpu.memory_space<semaphore_mem>>) src(%dma_wait3A_33 : memref<520x64xf32, #tpu.memory_space<vmem_shared>>) dst(%dma_wait3A_30 : memref<520x64xf32, #tpu.memory_space<hbm>>)
        tpu.yield
      }) : () -> ()
    } else {
    }
    return
  }
}

#map = affine_map<(d0, d1) -> (0, 0)>
#map1 = affine_map<(d0, d1) -> (0, 0, 0, 0)>
#map2 = affine_map<(d0, d1) -> (0, 0, 0)>
module attributes {stable_mosaic.version = 14 : i64} {
  func.func @k(%arg0: i32, %arg1: i32, %arg2: memref<20000x64xf32, #tpu.memory_space<hbm>>, %arg3: memref<2x16x250x80xi32, #tpu.memory_space<hbm>>, %arg4: memref<16x250x80xi32, #tpu.memory_space<hbm>>, %arg5: memref<2x16x250x80xi32, #tpu.memory_space<hbm>>, %arg6: memref<1024x64xf32, #tpu.memory_space<hbm>>, %arg7: memref<10000x64xf32, #tpu.memory_space<hbm>>, %arg8: memref<2x10000x64xf32, #tpu.memory_space<hbm>>, %arg9: memref<250x80xi32, #tpu.memory_space<vmem>>, %arg10: memref<250x80xi32, #tpu.memory_space<vmem>>, %arg11: memref<80x64xf32, #tpu.memory_space<vmem>>, %arg12: memref<80x64xf32, #tpu.memory_space<vmem>>, %arg13: memref<80xi32, #tpu.memory_space<vmem>>, %arg14: memref<10000x64xf32, #tpu.memory_space<vmem_shared>>, %arg15: memref<!tpu.dma_semaphore, #tpu.memory_space<semaphore_mem>>, %arg16: memref<!tpu.dma_semaphore, #tpu.memory_space<semaphore_mem>>) attributes {dimension_semantics = [#tpu.dimension_semantics<core_parallel>, #tpu.dimension_semantics<subcore_parallel>], iteration_bounds = array<i64: 2, 16>, scalar_prefetch = 0 : i64, scratch_operands = 8 : i64, tpu.core_type = #tpu.core_type<sc_vector_subcore>, window_params = [{transform_indices = #map}, {transform_indices = #map1}, {transform_indices = #map2}, {transform_indices = #map1}, {transform_indices = #map}, {transform_indices = #map}, {transform_indices = #map2}]} {
    %lt3A = arith.constant 15 : i32
    %lt3A_0 = arith.cmpi slt, %arg1, %lt3A : i32
    %convert_element_type3A = arith.extui %lt3A_0 : i1 to i32
    %cond3A = arith.constant 0 : i32
    %cond3A_1 = arith.cmpi ne, %convert_element_type3A, %cond3A : i32
    scf.if %cond3A_1 {
      %mul3A = arith.constant 632 : i32
      %mul3A_22 = arith.muli %arg1, %mul3A : i32
      %mul3A_23 = arith.constant 632 : i32
      %mul3A_24 = arith.muli %arg1, %mul3A_23 : i32
      "tpu.region"() ({
        %run_scoped3A = tpu.sem_alloc : memref<!tpu.dma_semaphore, #tpu.memory_space<semaphore_mem>>
        %dma_start3A = arith.constant 0 : i32
        %dma_start3A_25 = tpu.memref_slice %arg14[%mul3A_24, %dma_start3A] : memref<10000x64xf32, #tpu.memory_space<vmem_shared>> -> memref<632x64xf32, #tpu.memory_space<vmem_shared>>
        %dma_start3A_26 = arith.constant 0 : i32
        %dma_start3A_27 = tpu.memref_slice %arg7[%mul3A_22, %dma_start3A_26] : memref<10000x64xf32, #tpu.memory_space<hbm>> -> memref<632x64xf32, #tpu.memory_space<hbm>>
        tpu.enqueue_dma source(%dma_start3A_27 : memref<632x64xf32, #tpu.memory_space<hbm>>) target(%dma_start3A_25 : memref<632x64xf32, #tpu.memory_space<vmem_shared>>) target_semaphore(%run_scoped3A : memref<!tpu.dma_semaphore, #tpu.memory_space<semaphore_mem>>)
        %dma_wait3A = arith.constant 0 : i32
        %dma_wait3A_28 = tpu.memref_slice %arg14[%mul3A_24, %dma_wait3A] : memref<10000x64xf32, #tpu.memory_space<vmem_shared>> -> memref<632x64xf32, #tpu.memory_space<vmem_shared>>
        %dma_wait3A_29 = arith.constant 0 : i32
        %dma_wait3A_30 = tpu.memref_slice %arg7[%mul3A_22, %dma_wait3A_29] : memref<10000x64xf32, #tpu.memory_space<hbm>> -> memref<632x64xf32, #tpu.memory_space<hbm>>
        tpu.wait_dma2 semaphore(%run_scoped3A : memref<!tpu.dma_semaphore, #tpu.memory_space<semaphore_mem>>) src(%dma_wait3A_30 : memref<632x64xf32, #tpu.memory_space<hbm>>) dst(%dma_wait3A_28 : memref<632x64xf32, #tpu.memory_space<vmem_shared>>)
        tpu.yield
      }) : () -> ()
    } else {
    }
    %eq3A = arith.constant 15 : i32
    %eq3A_2 = arith.cmpi eq, %arg1, %eq3A : i32
    %convert_element_type3A_3 = arith.extui %eq3A_2 : i1 to i32
    %cond3A_4 = arith.constant 0 : i32
    %cond3A_5 = arith.cmpi ne, %convert_element_type3A_3, %cond3A_4 : i32
    scf.if %cond3A_5 {
      "tpu.region"() ({
        %run_scoped3A = tpu.sem_alloc : memref<!tpu.dma_semaphore, #tpu.memory_space<semaphore_mem>>
        %dma_start3A = arith.constant 9480 : i32
        %dma_start3A_22 = arith.constant 0 : i32
        %dma_start3A_23 = tpu.memref_slice %arg14[%dma_start3A, %dma_start3A_22] : memref<10000x64xf32, #tpu.memory_space<vmem_shared>> -> memref<520x64xf32, #tpu.memory_space<vmem_shared>>
        %dma_start3A_24 = arith.constant 9480 : i32
        %dma_start3A_25 = arith.constant 0 : i32
        %dma_start3A_26 = tpu.memref_slice %arg7[%dma_start3A_24, %dma_start3A_25] : memref<10000x64xf32, #tpu.memory_space<hbm>> -> memref<520x64xf32, #tpu.memory_space<hbm>>
        tpu.enqueue_dma source(%dma_start3A_26 : memref<520x64xf32, #tpu.memory_space<hbm>>) target(%dma_start3A_23 : memref<520x64xf32, #tpu.memory_space<vmem_shared>>) target_semaphore(%run_scoped3A : memref<!tpu.dma_semaphore, #tpu.memory_space<semaphore_mem>>)
        %dma_wait3A = arith.constant 9480 : i32
        %dma_wait3A_27 = arith.constant 0 : i32
        %dma_wait3A_28 = tpu.memref_slice %arg14[%dma_wait3A, %dma_wait3A_27] : memref<10000x64xf32, #tpu.memory_space<vmem_shared>> -> memref<520x64xf32, #tpu.memory_space<vmem_shared>>
        %dma_wait3A_29 = arith.constant 9480 : i32
        %dma_wait3A_30 = arith.constant 0 : i32
        %dma_wait3A_31 = tpu.memref_slice %arg7[%dma_wait3A_29, %dma_wait3A_30] : memref<10000x64xf32, #tpu.memory_space<hbm>> -> memref<520x64xf32, #tpu.memory_space<hbm>>
        tpu.wait_dma2 semaphore(%run_scoped3A : memref<!tpu.dma_semaphore, #tpu.memory_space<semaphore_mem>>) src(%dma_wait3A_31 : memref<520x64xf32, #tpu.memory_space<hbm>>) dst(%dma_wait3A_28 : memref<520x64xf32, #tpu.memory_space<vmem_shared>>)
        tpu.yield
      }) : () -> ()
    } else {
    }
    "tpu.region"() ({
      %run_scoped3A = tpu.sem_alloc : memref<!tpu.dma_semaphore, #tpu.memory_space<semaphore_mem>>
      %dma_start3A = arith.constant 0 : i32
      %dma_start3A_22 = arith.constant 0 : i32
      %dma_start3A_23 = tpu.memref_slice %arg3[%arg0, %arg1, %dma_start3A, %dma_start3A_22] : memref<2x16x250x80xi32, #tpu.memory_space<hbm>> -> memref<1x1x250x80xi32, #tpu.memory_space<hbm>>
      %dma_start3A_24 = tpu.memref_squeeze %dma_start3A_23 : memref<1x1x250x80xi32, #tpu.memory_space<hbm>> -> memref<250x80xi32, #tpu.memory_space<hbm>>
      %dma_start3A_25 = arith.constant 0 : i32
      %dma_start3A_26 = arith.constant 0 : i32
      %dma_start3A_27 = tpu.memref_slice %arg3[%arg0, %arg1, %dma_start3A_25, %dma_start3A_26] : memref<2x16x250x80xi32, #tpu.memory_space<hbm>> -> memref<1x1x250x80xi32, #tpu.memory_space<hbm>>
      %dma_start3A_28 = tpu.memref_squeeze %dma_start3A_27 : memref<1x1x250x80xi32, #tpu.memory_space<hbm>> -> memref<250x80xi32, #tpu.memory_space<hbm>>
      tpu.enqueue_dma source(%dma_start3A_28 : memref<250x80xi32, #tpu.memory_space<hbm>>) target(%arg9 : memref<250x80xi32, #tpu.memory_space<vmem>>) target_semaphore(%run_scoped3A : memref<!tpu.dma_semaphore, #tpu.memory_space<semaphore_mem>>)
      %dma_wait3A = arith.constant 0 : i32
      %dma_wait3A_29 = arith.constant 0 : i32
      %dma_wait3A_30 = tpu.memref_slice %arg3[%arg0, %arg1, %dma_wait3A, %dma_wait3A_29] : memref<2x16x250x80xi32, #tpu.memory_space<hbm>> -> memref<1x1x250x80xi32, #tpu.memory_space<hbm>>
      %dma_wait3A_31 = tpu.memref_squeeze %dma_wait3A_30 : memref<1x1x250x80xi32, #tpu.memory_space<hbm>> -> memref<250x80xi32, #tpu.memory_space<hbm>>
      %dma_wait3A_32 = arith.constant 0 : i32
      %dma_wait3A_33 = arith.constant 0 : i32
      %dma_wait3A_34 = tpu.memref_slice %arg3[%arg0, %arg1, %dma_wait3A_32, %dma_wait3A_33] : memref<2x16x250x80xi32, #tpu.memory_space<hbm>> -> memref<1x1x250x80xi32, #tpu.memory_space<hbm>>
      %dma_wait3A_35 = tpu.memref_squeeze %dma_wait3A_34 : memref<1x1x250x80xi32, #tpu.memory_space<hbm>> -> memref<250x80xi32, #tpu.memory_space<hbm>>
      tpu.wait_dma2 semaphore(%run_scoped3A : memref<!tpu.dma_semaphore, #tpu.memory_space<semaphore_mem>>) src(%dma_wait3A_35 : memref<250x80xi32, #tpu.memory_space<hbm>>) dst(%arg9 : memref<250x80xi32, #tpu.memory_space<vmem>>)
      tpu.yield
    }) : () -> ()
    "tpu.region"() ({
      %run_scoped3A = tpu.sem_alloc : memref<!tpu.dma_semaphore, #tpu.memory_space<semaphore_mem>>
      %dma_start3A = arith.constant 0 : i32
      %dma_start3A_22 = arith.constant 0 : i32
      %dma_start3A_23 = tpu.memref_slice %arg5[%arg0, %arg1, %dma_start3A, %dma_start3A_22] : memref<2x16x250x80xi32, #tpu.memory_space<hbm>> -> memref<1x1x250x80xi32, #tpu.memory_space<hbm>>
      %dma_start3A_24 = tpu.memref_squeeze %dma_start3A_23 : memref<1x1x250x80xi32, #tpu.memory_space<hbm>> -> memref<250x80xi32, #tpu.memory_space<hbm>>
      %dma_start3A_25 = arith.constant 0 : i32
      %dma_start3A_26 = arith.constant 0 : i32
      %dma_start3A_27 = tpu.memref_slice %arg5[%arg0, %arg1, %dma_start3A_25, %dma_start3A_26] : memref<2x16x250x80xi32, #tpu.memory_space<hbm>> -> memref<1x1x250x80xi32, #tpu.memory_space<hbm>>
      %dma_start3A_28 = tpu.memref_squeeze %dma_start3A_27 : memref<1x1x250x80xi32, #tpu.memory_space<hbm>> -> memref<250x80xi32, #tpu.memory_space<hbm>>
      tpu.enqueue_dma source(%dma_start3A_28 : memref<250x80xi32, #tpu.memory_space<hbm>>) target(%arg10 : memref<250x80xi32, #tpu.memory_space<vmem>>) target_semaphore(%run_scoped3A : memref<!tpu.dma_semaphore, #tpu.memory_space<semaphore_mem>>)
      %dma_wait3A = arith.constant 0 : i32
      %dma_wait3A_29 = arith.constant 0 : i32
      %dma_wait3A_30 = tpu.memref_slice %arg5[%arg0, %arg1, %dma_wait3A, %dma_wait3A_29] : memref<2x16x250x80xi32, #tpu.memory_space<hbm>> -> memref<1x1x250x80xi32, #tpu.memory_space<hbm>>
      %dma_wait3A_31 = tpu.memref_squeeze %dma_wait3A_30 : memref<1x1x250x80xi32, #tpu.memory_space<hbm>> -> memref<250x80xi32, #tpu.memory_space<hbm>>
      %dma_wait3A_32 = arith.constant 0 : i32
      %dma_wait3A_33 = arith.constant 0 : i32
      %dma_wait3A_34 = tpu.memref_slice %arg5[%arg0, %arg1, %dma_wait3A_32, %dma_wait3A_33] : memref<2x16x250x80xi32, #tpu.memory_space<hbm>> -> memref<1x1x250x80xi32, #tpu.memory_space<hbm>>
      %dma_wait3A_35 = tpu.memref_squeeze %dma_wait3A_34 : memref<1x1x250x80xi32, #tpu.memory_space<hbm>> -> memref<250x80xi32, #tpu.memory_space<hbm>>
      tpu.wait_dma2 semaphore(%run_scoped3A : memref<!tpu.dma_semaphore, #tpu.memory_space<semaphore_mem>>) src(%dma_wait3A_35 : memref<250x80xi32, #tpu.memory_space<hbm>>) dst(%arg10 : memref<250x80xi32, #tpu.memory_space<vmem>>)
      tpu.yield
    }) : () -> ()
    %barrier3A = arith.constant 0 : index
    tpu.barrier barrier_id(%barrier3A)
    %scan3A = arith.constant 0 : i32
    %scan3A_6 = arith.constant 0 : i32
    %scan3A_7 = arith.constant 250 : i32
    %scan3A_8 = arith.addi %scan3A_6, %scan3A_7 : i32
    %scan3A_9 = arith.constant 1 : i32
    scf.for %scan3A_22 = %scan3A_6 to %scan3A_8 step %scan3A_9  : i32 {
      %dma_start3A = arith.constant 0 : i32
      %dma_start3A_23 = tpu.memref_slice %arg9[%scan3A_22, %dma_start3A] : memref<250x80xi32, #tpu.memory_space<vmem>> -> memref<1x80xi32, #tpu.memory_space<vmem>>
      %dma_start3A_24 = tpu.memref_squeeze %dma_start3A_23 : memref<1x80xi32, #tpu.memory_space<vmem>> -> memref<80xi32, #tpu.memory_space<vmem>>
      %dma_start3A_25 = arith.constant 0 : i32
      %dma_start3A_26 = arith.constant 0 : i32
      %dma_start3A_27 = tpu.memref_slice %arg2[%dma_start3A_25, %dma_start3A_26] : memref<20000x64xf32, #tpu.memory_space<hbm>> -> memref<20000x64xf32, #tpu.memory_space<hbm>>
      tpu.enqueue_indirect_dma source(%dma_start3A_27 : memref<20000x64xf32, #tpu.memory_space<hbm>>) target(%arg11 : memref<80x64xf32, #tpu.memory_space<vmem>>) offsets(%dma_start3A_24 : memref<80xi32, #tpu.memory_space<vmem>>) semaphore(%arg15 : memref<!tpu.dma_semaphore, #tpu.memory_space<semaphore_mem>>)
      %dma_wait3A = arith.constant 0 : i32
      %dma_wait3A_28 = tpu.memref_slice %arg9[%scan3A_22, %dma_wait3A] : memref<250x80xi32, #tpu.memory_space<vmem>> -> memref<1x80xi32, #tpu.memory_space<vmem>>
      %dma_wait3A_29 = tpu.memref_squeeze %dma_wait3A_28 : memref<1x80xi32, #tpu.memory_space<vmem>> -> memref<80xi32, #tpu.memory_space<vmem>>
      %dma_wait3A_30 = arith.constant 0 : i32
      %dma_wait3A_31 = arith.constant 0 : i32
      %dma_wait3A_32 = tpu.memref_slice %arg2[%dma_wait3A_30, %dma_wait3A_31] : memref<20000x64xf32, #tpu.memory_space<hbm>> -> memref<20000x64xf32, #tpu.memory_space<hbm>>
      tpu.wait_indirect_dma semaphore(%arg15 : memref<!tpu.dma_semaphore, #tpu.memory_space<semaphore_mem>>) src(%dma_wait3A_32 : memref<20000x64xf32, #tpu.memory_space<hbm>>) dst(%arg11 : memref<80x64xf32, #tpu.memory_space<vmem>>)
      %dma_start3A_33 = arith.constant 0 : i32
      %dma_start3A_34 = tpu.memref_slice %arg10[%scan3A_22, %dma_start3A_33] : memref<250x80xi32, #tpu.memory_space<vmem>> -> memref<1x80xi32, #tpu.memory_space<vmem>>
      %dma_start3A_35 = tpu.memref_squeeze %dma_start3A_34 : memref<1x80xi32, #tpu.memory_space<vmem>> -> memref<80xi32, #tpu.memory_space<vmem>>
      %dma_start3A_36 = arith.constant 0 : i32
      %dma_start3A_37 = arith.constant 0 : i32
      %dma_start3A_38 = tpu.memref_slice %arg6[%dma_start3A_36, %dma_start3A_37] : memref<1024x64xf32, #tpu.memory_space<hbm>> -> memref<1024x64xf32, #tpu.memory_space<hbm>>
      tpu.enqueue_indirect_dma source(%dma_start3A_38 : memref<1024x64xf32, #tpu.memory_space<hbm>>) target(%arg12 : memref<80x64xf32, #tpu.memory_space<vmem>>) offsets(%dma_start3A_35 : memref<80xi32, #tpu.memory_space<vmem>>) semaphore(%arg16 : memref<!tpu.dma_semaphore, #tpu.memory_space<semaphore_mem>>)
      %dma_wait3A_39 = arith.constant 0 : i32
      %dma_wait3A_40 = tpu.memref_slice %arg10[%scan3A_22, %dma_wait3A_39] : memref<250x80xi32, #tpu.memory_space<vmem>> -> memref<1x80xi32, #tpu.memory_space<vmem>>
      %dma_wait3A_41 = tpu.memref_squeeze %dma_wait3A_40 : memref<1x80xi32, #tpu.memory_space<vmem>> -> memref<80xi32, #tpu.memory_space<vmem>>
      %dma_wait3A_42 = arith.constant 0 : i32
      %dma_wait3A_43 = arith.constant 0 : i32
      %dma_wait3A_44 = tpu.memref_slice %arg6[%dma_wait3A_42, %dma_wait3A_43] : memref<1024x64xf32, #tpu.memory_space<hbm>> -> memref<1024x64xf32, #tpu.memory_space<hbm>>
      tpu.wait_indirect_dma semaphore(%arg16 : memref<!tpu.dma_semaphore, #tpu.memory_space<semaphore_mem>>) src(%dma_wait3A_44 : memref<1024x64xf32, #tpu.memory_space<hbm>>) dst(%arg12 : memref<80x64xf32, #tpu.memory_space<vmem>>)
      "tpu.region"() ({
        %run_scoped3A = tpu.sem_alloc : memref<!tpu.dma_semaphore, #tpu.memory_space<semaphore_mem>>
        %dma_start3A_51 = arith.constant 0 : i32
        %dma_start3A_52 = tpu.memref_slice %arg4[%arg1, %scan3A_22, %dma_start3A_51] : memref<16x250x80xi32, #tpu.memory_space<hbm>> -> memref<1x1x80xi32, #tpu.memory_space<hbm>>
        %dma_start3A_53 = tpu.memref_squeeze %dma_start3A_52 : memref<1x1x80xi32, #tpu.memory_space<hbm>> -> memref<80xi32, #tpu.memory_space<hbm>>
        %dma_start3A_54 = arith.constant 0 : i32
        %dma_start3A_55 = tpu.memref_slice %arg4[%arg1, %scan3A_22, %dma_start3A_54] : memref<16x250x80xi32, #tpu.memory_space<hbm>> -> memref<1x1x80xi32, #tpu.memory_space<hbm>>
        %dma_start3A_56 = tpu.memref_squeeze %dma_start3A_55 : memref<1x1x80xi32, #tpu.memory_space<hbm>> -> memref<80xi32, #tpu.memory_space<hbm>>
        tpu.enqueue_dma source(%dma_start3A_56 : memref<80xi32, #tpu.memory_space<hbm>>) target(%arg13 : memref<80xi32, #tpu.memory_space<vmem>>) target_semaphore(%run_scoped3A : memref<!tpu.dma_semaphore, #tpu.memory_space<semaphore_mem>>)
        %dma_wait3A_57 = arith.constant 0 : i32
        %dma_wait3A_58 = tpu.memref_slice %arg4[%arg1, %scan3A_22, %dma_wait3A_57] : memref<16x250x80xi32, #tpu.memory_space<hbm>> -> memref<1x1x80xi32, #tpu.memory_space<hbm>>
        %dma_wait3A_59 = tpu.memref_squeeze %dma_wait3A_58 : memref<1x1x80xi32, #tpu.memory_space<hbm>> -> memref<80xi32, #tpu.memory_space<hbm>>
        %dma_wait3A_60 = arith.constant 0 : i32
        %dma_wait3A_61 = tpu.memref_slice %arg4[%arg1, %scan3A_22, %dma_wait3A_60] : memref<16x250x80xi32, #tpu.memory_space<hbm>> -> memref<1x1x80xi32, #tpu.memory_space<hbm>>
        %dma_wait3A_62 = tpu.memref_squeeze %dma_wait3A_61 : memref<1x1x80xi32, #tpu.memory_space<hbm>> -> memref<80xi32, #tpu.memory_space<hbm>>
        tpu.wait_dma2 semaphore(%run_scoped3A : memref<!tpu.dma_semaphore, #tpu.memory_space<semaphore_mem>>) src(%dma_wait3A_62 : memref<80xi32, #tpu.memory_space<hbm>>) dst(%arg13 : memref<80xi32, #tpu.memory_space<vmem>>)
        tpu.yield
      }) : () -> ()
      %scan3A_45 = arith.constant 0 : i32
      %scan3A_46 = arith.constant 0 : i32
      %scan3A_47 = arith.constant 80 : i32
      %scan3A_48 = arith.addi %scan3A_46, %scan3A_47 : i32
      %scan3A_49 = arith.constant 2 : i32
      scf.for %scan3A_51 = %scan3A_46 to %scan3A_48 step %scan3A_49  : i32 {
        %get3A = arith.index_cast %scan3A_51 : i32 to index
        %get3A_52 = arith.constant 0 : index
        %get3A_53 = tpu.vector_load %arg11[%get3A, %get3A_52] {strides = array<i32>} : memref<80x64xf32, #tpu.memory_space<vmem>>, vector<1x16xf32>,
        %get3A_54 = vector.shape_cast %get3A_53 : vector<1x16xf32> to vector<16xf32>
        %get3A_55 = arith.index_cast %scan3A_51 : i32 to index
        %get3A_56 = arith.constant 0 : index
        %get3A_57 = tpu.vector_load %arg12[%get3A_55, %get3A_56] {strides = array<i32>} : memref<80x64xf32, #tpu.memory_space<vmem>>, vector<1x16xf32>,
        %get3A_58 = vector.shape_cast %get3A_57 : vector<1x16xf32> to vector<16xf32>
        %add3A = arith.addf %get3A_54, %get3A_58 : vector<16xf32>
        %max3A = arith.constant 0.000000e+00 : f32
        %max3A_59 = vector.broadcast %max3A : f32 to vector<16xf32>
        %max3A_60 = arith.maximumf %add3A, %max3A_59 : vector<16xf32>
        %swap3A = arith.index_cast %scan3A_51 : i32 to index
        %swap3A_61 = arith.constant 0 : index
        %swap3A_62 = tpu.vector_load %arg11[%swap3A, %swap3A_61] {strides = array<i32>} : memref<80x64xf32, #tpu.memory_space<vmem>>, vector<1x16xf32>,
        %swap3A_63 = vector.shape_cast %swap3A_62 : vector<1x16xf32> to vector<16xf32>
        %swap3A_64 = vector.shape_cast %max3A_60 : vector<16xf32> to vector<1x16xf32>
        tpu.vector_store %arg11[%swap3A, %swap3A_61], %swap3A_64 {strides = array<i32>} : memref<80x64xf32, #tpu.memory_space<vmem>>, vector<1x16xf32>,
        %get3A_65 = arith.index_cast %scan3A_51 : i32 to index
        %get3A_66 = arith.constant 16 : index
        %get3A_67 = tpu.vector_load %arg11[%get3A_65, %get3A_66] {strides = array<i32>} : memref<80x64xf32, #tpu.memory_space<vmem>>, vector<1x16xf32>,
        %get3A_68 = vector.shape_cast %get3A_67 : vector<1x16xf32> to vector<16xf32>
        %get3A_69 = arith.index_cast %scan3A_51 : i32 to index
        %get3A_70 = arith.constant 16 : index
        %get3A_71 = tpu.vector_load %arg12[%get3A_69, %get3A_70] {strides = array<i32>} : memref<80x64xf32, #tpu.memory_space<vmem>>, vector<1x16xf32>,
        %get3A_72 = vector.shape_cast %get3A_71 : vector<1x16xf32> to vector<16xf32>
        %add3A_73 = arith.addf %get3A_68, %get3A_72 : vector<16xf32>
        %max3A_74 = arith.constant 0.000000e+00 : f32
        %max3A_75 = vector.broadcast %max3A_74 : f32 to vector<16xf32>
        %max3A_76 = arith.maximumf %add3A_73, %max3A_75 : vector<16xf32>
        %swap3A_77 = arith.index_cast %scan3A_51 : i32 to index
        %swap3A_78 = arith.constant 16 : index
        %swap3A_79 = tpu.vector_load %arg11[%swap3A_77, %swap3A_78] {strides = array<i32>} : memref<80x64xf32, #tpu.memory_space<vmem>>, vector<1x16xf32>,
        %swap3A_80 = vector.shape_cast %swap3A_79 : vector<1x16xf32> to vector<16xf32>
        %swap3A_81 = vector.shape_cast %max3A_76 : vector<16xf32> to vector<1x16xf32>
        tpu.vector_store %arg11[%swap3A_77, %swap3A_78], %swap3A_81 {strides = array<i32>} : memref<80x64xf32, #tpu.memory_space<vmem>>, vector<1x16xf32>,
        %get3A_82 = arith.index_cast %scan3A_51 : i32 to index
        %get3A_83 = arith.constant 32 : index
        %get3A_84 = tpu.vector_load %arg11[%get3A_82, %get3A_83] {strides = array<i32>} : memref<80x64xf32, #tpu.memory_space<vmem>>, vector<1x16xf32>,
        %get3A_85 = vector.shape_cast %get3A_84 : vector<1x16xf32> to vector<16xf32>
        %get3A_86 = arith.index_cast %scan3A_51 : i32 to index
        %get3A_87 = arith.constant 32 : index
        %get3A_88 = tpu.vector_load %arg12[%get3A_86, %get3A_87] {strides = array<i32>} : memref<80x64xf32, #tpu.memory_space<vmem>>, vector<1x16xf32>,
        %get3A_89 = vector.shape_cast %get3A_88 : vector<1x16xf32> to vector<16xf32>
        %add3A_90 = arith.addf %get3A_85, %get3A_89 : vector<16xf32>
        %max3A_91 = arith.constant 0.000000e+00 : f32
        %max3A_92 = vector.broadcast %max3A_91 : f32 to vector<16xf32>
        %max3A_93 = arith.maximumf %add3A_90, %max3A_92 : vector<16xf32>
        %swap3A_94 = arith.index_cast %scan3A_51 : i32 to index
        %swap3A_95 = arith.constant 32 : index
        %swap3A_96 = tpu.vector_load %arg11[%swap3A_94, %swap3A_95] {strides = array<i32>} : memref<80x64xf32, #tpu.memory_space<vmem>>, vector<1x16xf32>,
        %swap3A_97 = vector.shape_cast %swap3A_96 : vector<1x16xf32> to vector<16xf32>
        %swap3A_98 = vector.shape_cast %max3A_93 : vector<16xf32> to vector<1x16xf32>
        tpu.vector_store %arg11[%swap3A_94, %swap3A_95], %swap3A_98 {strides = array<i32>} : memref<80x64xf32, #tpu.memory_space<vmem>>, vector<1x16xf32>,
        %get3A_99 = arith.index_cast %scan3A_51 : i32 to index
        %get3A_100 = arith.constant 48 : index
        %get3A_101 = tpu.vector_load %arg11[%get3A_99, %get3A_100] {strides = array<i32>} : memref<80x64xf32, #tpu.memory_space<vmem>>, vector<1x16xf32>,
        %get3A_102 = vector.shape_cast %get3A_101 : vector<1x16xf32> to vector<16xf32>
        %get3A_103 = arith.index_cast %scan3A_51 : i32 to index
        %get3A_104 = arith.constant 48 : index
        %get3A_105 = tpu.vector_load %arg12[%get3A_103, %get3A_104] {strides = array<i32>} : memref<80x64xf32, #tpu.memory_space<vmem>>, vector<1x16xf32>,
        %get3A_106 = vector.shape_cast %get3A_105 : vector<1x16xf32> to vector<16xf32>
        %add3A_107 = arith.addf %get3A_102, %get3A_106 : vector<16xf32>
        %max3A_108 = arith.constant 0.000000e+00 : f32
        %max3A_109 = vector.broadcast %max3A_108 : f32 to vector<16xf32>
        %max3A_110 = arith.maximumf %add3A_107, %max3A_109 : vector<16xf32>
        %swap3A_111 = arith.index_cast %scan3A_51 : i32 to index
        %swap3A_112 = arith.constant 48 : index
        %swap3A_113 = tpu.vector_load %arg11[%swap3A_111, %swap3A_112] {strides = array<i32>} : memref<80x64xf32, #tpu.memory_space<vmem>>, vector<1x16xf32>,
        %swap3A_114 = vector.shape_cast %swap3A_113 : vector<1x16xf32> to vector<16xf32>
        %swap3A_115 = vector.shape_cast %max3A_110 : vector<16xf32> to vector<1x16xf32>
        tpu.vector_store %arg11[%swap3A_111, %swap3A_112], %swap3A_115 {strides = array<i32>} : memref<80x64xf32, #tpu.memory_space<vmem>>, vector<1x16xf32>,
        %scan3A_116 = arith.constant 1 : i32
        %scan3A_117 = arith.addi %scan3A_51, %scan3A_116 : i32
        %get3A_118 = arith.index_cast %scan3A_117 : i32 to index
        %get3A_119 = arith.constant 0 : index
        %get3A_120 = tpu.vector_load %arg11[%get3A_118, %get3A_119] {strides = array<i32>} : memref<80x64xf32, #tpu.memory_space<vmem>>, vector<1x16xf32>,
        %get3A_121 = vector.shape_cast %get3A_120 : vector<1x16xf32> to vector<16xf32>
        %get3A_122 = arith.index_cast %scan3A_117 : i32 to index
        %get3A_123 = arith.constant 0 : index
        %get3A_124 = tpu.vector_load %arg12[%get3A_122, %get3A_123] {strides = array<i32>} : memref<80x64xf32, #tpu.memory_space<vmem>>, vector<1x16xf32>,
        %get3A_125 = vector.shape_cast %get3A_124 : vector<1x16xf32> to vector<16xf32>
        %add3A_126 = arith.addf %get3A_121, %get3A_125 : vector<16xf32>
        %max3A_127 = arith.constant 0.000000e+00 : f32
        %max3A_128 = vector.broadcast %max3A_127 : f32 to vector<16xf32>
        %max3A_129 = arith.maximumf %add3A_126, %max3A_128 : vector<16xf32>
        %swap3A_130 = arith.index_cast %scan3A_117 : i32 to index
        %swap3A_131 = arith.constant 0 : index
        %swap3A_132 = tpu.vector_load %arg11[%swap3A_130, %swap3A_131] {strides = array<i32>} : memref<80x64xf32, #tpu.memory_space<vmem>>, vector<1x16xf32>,
        %swap3A_133 = vector.shape_cast %swap3A_132 : vector<1x16xf32> to vector<16xf32>
        %swap3A_134 = vector.shape_cast %max3A_129 : vector<16xf32> to vector<1x16xf32>
        tpu.vector_store %arg11[%swap3A_130, %swap3A_131], %swap3A_134 {strides = array<i32>} : memref<80x64xf32, #tpu.memory_space<vmem>>, vector<1x16xf32>,
        %get3A_135 = arith.index_cast %scan3A_117 : i32 to index
        %get3A_136 = arith.constant 16 : index
        %get3A_137 = tpu.vector_load %arg11[%get3A_135, %get3A_136] {strides = array<i32>} : memref<80x64xf32, #tpu.memory_space<vmem>>, vector<1x16xf32>,
        %get3A_138 = vector.shape_cast %get3A_137 : vector<1x16xf32> to vector<16xf32>
        %get3A_139 = arith.index_cast %scan3A_117 : i32 to index
        %get3A_140 = arith.constant 16 : index
        %get3A_141 = tpu.vector_load %arg12[%get3A_139, %get3A_140] {strides = array<i32>} : memref<80x64xf32, #tpu.memory_space<vmem>>, vector<1x16xf32>,
        %get3A_142 = vector.shape_cast %get3A_141 : vector<1x16xf32> to vector<16xf32>
        %add3A_143 = arith.addf %get3A_138, %get3A_142 : vector<16xf32>
        %max3A_144 = arith.constant 0.000000e+00 : f32
        %max3A_145 = vector.broadcast %max3A_144 : f32 to vector<16xf32>
        %max3A_146 = arith.maximumf %add3A_143, %max3A_145 : vector<16xf32>
        %swap3A_147 = arith.index_cast %scan3A_117 : i32 to index
        %swap3A_148 = arith.constant 16 : index
        %swap3A_149 = tpu.vector_load %arg11[%swap3A_147, %swap3A_148] {strides = array<i32>} : memref<80x64xf32, #tpu.memory_space<vmem>>, vector<1x16xf32>,
        %swap3A_150 = vector.shape_cast %swap3A_149 : vector<1x16xf32> to vector<16xf32>
        %swap3A_151 = vector.shape_cast %max3A_146 : vector<16xf32> to vector<1x16xf32>
        tpu.vector_store %arg11[%swap3A_147, %swap3A_148], %swap3A_151 {strides = array<i32>} : memref<80x64xf32, #tpu.memory_space<vmem>>, vector<1x16xf32>,
        %get3A_152 = arith.index_cast %scan3A_117 : i32 to index
        %get3A_153 = arith.constant 32 : index
        %get3A_154 = tpu.vector_load %arg11[%get3A_152, %get3A_153] {strides = array<i32>} : memref<80x64xf32, #tpu.memory_space<vmem>>, vector<1x16xf32>,
        %get3A_155 = vector.shape_cast %get3A_154 : vector<1x16xf32> to vector<16xf32>
        %get3A_156 = arith.index_cast %scan3A_117 : i32 to index
        %get3A_157 = arith.constant 32 : index
        %get3A_158 = tpu.vector_load %arg12[%get3A_156, %get3A_157] {strides = array<i32>} : memref<80x64xf32, #tpu.memory_space<vmem>>, vector<1x16xf32>,
        %get3A_159 = vector.shape_cast %get3A_158 : vector<1x16xf32> to vector<16xf32>
        %add3A_160 = arith.addf %get3A_155, %get3A_159 : vector<16xf32>
        %max3A_161 = arith.constant 0.000000e+00 : f32
        %max3A_162 = vector.broadcast %max3A_161 : f32 to vector<16xf32>
        %max3A_163 = arith.maximumf %add3A_160, %max3A_162 : vector<16xf32>
        %swap3A_164 = arith.index_cast %scan3A_117 : i32 to index
        %swap3A_165 = arith.constant 32 : index
        %swap3A_166 = tpu.vector_load %arg11[%swap3A_164, %swap3A_165] {strides = array<i32>} : memref<80x64xf32, #tpu.memory_space<vmem>>, vector<1x16xf32>,
        %swap3A_167 = vector.shape_cast %swap3A_166 : vector<1x16xf32> to vector<16xf32>
        %swap3A_168 = vector.shape_cast %max3A_163 : vector<16xf32> to vector<1x16xf32>
        tpu.vector_store %arg11[%swap3A_164, %swap3A_165], %swap3A_168 {strides = array<i32>} : memref<80x64xf32, #tpu.memory_space<vmem>>, vector<1x16xf32>,
        %get3A_169 = arith.index_cast %scan3A_117 : i32 to index
        %get3A_170 = arith.constant 48 : index
        %get3A_171 = tpu.vector_load %arg11[%get3A_169, %get3A_170] {strides = array<i32>} : memref<80x64xf32, #tpu.memory_space<vmem>>, vector<1x16xf32>,
        %get3A_172 = vector.shape_cast %get3A_171 : vector<1x16xf32> to vector<16xf32>
        %get3A_173 = arith.index_cast %scan3A_117 : i32 to index
        %get3A_174 = arith.constant 48 : index
        %get3A_175 = tpu.vector_load %arg12[%get3A_173, %get3A_174] {strides = array<i32>} : memref<80x64xf32, #tpu.memory_space<vmem>>, vector<1x16xf32>,
        %get3A_176 = vector.shape_cast %get3A_175 : vector<1x16xf32> to vector<16xf32>
        %add3A_177 = arith.addf %get3A_172, %get3A_176 : vector<16xf32>
        %max3A_178 = arith.constant 0.000000e+00 : f32
        %max3A_179 = vector.broadcast %max3A_178 : f32 to vector<16xf32>
        %max3A_180 = arith.maximumf %add3A_177, %max3A_179 : vector<16xf32>
        %swap3A_181 = arith.index_cast %scan3A_117 : i32 to index
        %swap3A_182 = arith.constant 48 : index
        %swap3A_183 = tpu.vector_load %arg11[%swap3A_181, %swap3A_182] {strides = array<i32>} : memref<80x64xf32, #tpu.memory_space<vmem>>, vector<1x16xf32>,
        %swap3A_184 = vector.shape_cast %swap3A_183 : vector<1x16xf32> to vector<16xf32>
        %swap3A_185 = vector.shape_cast %max3A_180 : vector<16xf32> to vector<1x16xf32>
        tpu.vector_store %arg11[%swap3A_181, %swap3A_182], %swap3A_185 {strides = array<i32>} : memref<80x64xf32, #tpu.memory_space<vmem>>, vector<1x16xf32>,
      }
      %scan3A_50 = arith.constant 80 : i32
      "tpu.region"() ({
        %run_scoped3A = tpu.sem_alloc : memref<!tpu.dma_semaphore, #tpu.memory_space<semaphore_mem>>
        %dma_start3A_51 = arith.constant 0 : i32
        %dma_start3A_52 = arith.constant 0 : i32
        %dma_start3A_53 = tpu.memref_slice %arg14[%dma_start3A_51, %dma_start3A_52] : memref<10000x64xf32, #tpu.memory_space<vmem_shared>> -> memref<10000x64xf32, #tpu.memory_space<vmem_shared>>
        tpu.enqueue_indirect_dma source(%arg11 : memref<80x64xf32, #tpu.memory_space<vmem>>) target(%dma_start3A_53 : memref<10000x64xf32, #tpu.memory_space<vmem_shared>>) offsets(%arg13 : memref<80xi32, #tpu.memory_space<vmem>>) semaphore(%run_scoped3A : memref<!tpu.dma_semaphore, #tpu.memory_space<semaphore_mem>>) {add = true}
        %dma_wait3A_54 = arith.constant 0 : i32
        %dma_wait3A_55 = arith.constant 0 : i32
        %dma_wait3A_56 = tpu.memref_slice %arg14[%dma_wait3A_54, %dma_wait3A_55] : memref<10000x64xf32, #tpu.memory_space<vmem_shared>> -> memref<10000x64xf32, #tpu.memory_space<vmem_shared>>
        tpu.wait_indirect_dma semaphore(%run_scoped3A : memref<!tpu.dma_semaphore, #tpu.memory_space<semaphore_mem>>) src(%arg11 : memref<80x64xf32, #tpu.memory_space<vmem>>) dst(%dma_wait3A_56 : memref<10000x64xf32, #tpu.memory_space<vmem_shared>>)
        tpu.yield
      }) : () -> ()
    }
    %scan3A_10 = arith.constant 250 : i32
    %barrier3A_11 = arith.constant 0 : index
    tpu.barrier barrier_id(%barrier3A_11)
    %lt3A_12 = arith.constant 15 : i32
    %lt3A_13 = arith.cmpi slt, %arg1, %lt3A_12 : i32
    %convert_element_type3A_14 = arith.extui %lt3A_13 : i1 to i32
    %cond3A_15 = arith.constant 0 : i32
    %cond3A_16 = arith.cmpi ne, %convert_element_type3A_14, %cond3A_15 : i32
    scf.if %cond3A_16 {
      %mul3A = arith.constant 632 : i32
      %mul3A_22 = arith.muli %arg1, %mul3A : i32
      %mul3A_23 = arith.constant 632 : i32
      %mul3A_24 = arith.muli %arg1, %mul3A_23 : i32
      "tpu.region"() ({
        %run_scoped3A = tpu.sem_alloc : memref<!tpu.dma_semaphore, #tpu.memory_space<semaphore_mem>>
        %dma_start3A = arith.constant 0 : i32
        %dma_start3A_25 = tpu.memref_slice %arg8[%arg0, %mul3A_24, %dma_start3A] : memref<2x10000x64xf32, #tpu.memory_space<hbm>> -> memref<1x632x64xf32, #tpu.memory_space<hbm>>
        %dma_start3A_26 = tpu.memref_squeeze %dma_start3A_25 : memref<1x632x64xf32, #tpu.memory_space<hbm>> -> memref<632x64xf32, #tpu.memory_space<hbm>>
        %dma_start3A_27 = arith.constant 0 : i32
        %dma_start3A_28 = tpu.memref_slice %arg14[%mul3A_22, %dma_start3A_27] : memref<10000x64xf32, #tpu.memory_space<vmem_shared>> -> memref<632x64xf32, #tpu.memory_space<vmem_shared>>
        tpu.enqueue_dma source(%dma_start3A_28 : memref<632x64xf32, #tpu.memory_space<vmem_shared>>) target(%dma_start3A_26 : memref<632x64xf32, #tpu.memory_space<hbm>>) target_semaphore(%run_scoped3A : memref<!tpu.dma_semaphore, #tpu.memory_space<semaphore_mem>>)
        %dma_wait3A = arith.constant 0 : i32
        %dma_wait3A_29 = tpu.memref_slice %arg8[%arg0, %mul3A_24, %dma_wait3A] : memref<2x10000x64xf32, #tpu.memory_space<hbm>> -> memref<1x632x64xf32, #tpu.memory_space<hbm>>
        %dma_wait3A_30 = tpu.memref_squeeze %dma_wait3A_29 : memref<1x632x64xf32, #tpu.memory_space<hbm>> -> memref<632x64xf32, #tpu.memory_space<hbm>>
        %dma_wait3A_31 = arith.constant 0 : i32
        %dma_wait3A_32 = tpu.memref_slice %arg14[%mul3A_22, %dma_wait3A_31] : memref<10000x64xf32, #tpu.memory_space<vmem_shared>> -> memref<632x64xf32, #tpu.memory_space<vmem_shared>>
        tpu.wait_dma2 semaphore(%run_scoped3A : memref<!tpu.dma_semaphore, #tpu.memory_space<semaphore_mem>>) src(%dma_wait3A_32 : memref<632x64xf32, #tpu.memory_space<vmem_shared>>) dst(%dma_wait3A_30 : memref<632x64xf32, #tpu.memory_space<hbm>>)
        tpu.yield
      }) : () -> ()
    } else {
    }
    %eq3A_17 = arith.constant 15 : i32
    %eq3A_18 = arith.cmpi eq, %arg1, %eq3A_17 : i32
    %convert_element_type3A_19 = arith.extui %eq3A_18 : i1 to i32
    %cond3A_20 = arith.constant 0 : i32
    %cond3A_21 = arith.cmpi ne, %convert_element_type3A_19, %cond3A_20 : i32
    scf.if %cond3A_21 {
      "tpu.region"() ({
        %run_scoped3A = tpu.sem_alloc : memref<!tpu.dma_semaphore, #tpu.memory_space<semaphore_mem>>
        %dma_start3A = arith.constant 9480 : i32
        %dma_start3A_22 = arith.constant 0 : i32
        %dma_start3A_23 = tpu.memref_slice %arg8[%arg0, %dma_start3A, %dma_start3A_22] : memref<2x10000x64xf32, #tpu.memory_space<hbm>> -> memref<1x520x64xf32, #tpu.memory_space<hbm>>
        %dma_start3A_24 = tpu.memref_squeeze %dma_start3A_23 : memref<1x520x64xf32, #tpu.memory_space<hbm>> -> memref<520x64xf32, #tpu.memory_space<hbm>>
        %dma_start3A_25 = arith.constant 9480 : i32
        %dma_start3A_26 = arith.constant 0 : i32
        %dma_start3A_27 = tpu.memref_slice %arg14[%dma_start3A_25, %dma_start3A_26] : memref<10000x64xf32, #tpu.memory_space<vmem_shared>> -> memref<520x64xf32, #tpu.memory_space<vmem_shared>>
        tpu.enqueue_dma source(%dma_start3A_27 : memref<520x64xf32, #tpu.memory_space<vmem_shared>>) target(%dma_start3A_24 : memref<520x64xf32, #tpu.memory_space<hbm>>) target_semaphore(%run_scoped3A : memref<!tpu.dma_semaphore, #tpu.memory_space<semaphore_mem>>)
        %dma_wait3A = arith.constant 9480 : i32
        %dma_wait3A_28 = arith.constant 0 : i32
        %dma_wait3A_29 = tpu.memref_slice %arg8[%arg0, %dma_wait3A, %dma_wait3A_28] : memref<2x10000x64xf32, #tpu.memory_space<hbm>> -> memref<1x520x64xf32, #tpu.memory_space<hbm>>
        %dma_wait3A_30 = tpu.memref_squeeze %dma_wait3A_29 : memref<1x520x64xf32, #tpu.memory_space<hbm>> -> memref<520x64xf32, #tpu.memory_space<hbm>>
        %dma_wait3A_31 = arith.constant 9480 : i32
        %dma_wait3A_32 = arith.constant 0 : i32
        %dma_wait3A_33 = tpu.memref_slice %arg14[%dma_wait3A_31, %dma_wait3A_32] : memref<10000x64xf32, #tpu.memory_space<vmem_shared>> -> memref<520x64xf32, #tpu.memory_space<vmem_shared>>
        tpu.wait_dma2 semaphore(%run_scoped3A : memref<!tpu.dma_semaphore, #tpu.memory_space<semaphore_mem>>) src(%dma_wait3A_33 : memref<520x64xf32, #tpu.memory_space<vmem_shared>>) dst(%dma_wait3A_30 : memref<520x64xf32, #tpu.memory_space<hbm>>)
        tpu.yield
      }) : () -> ()
    } else {
    }
    return
  }
}

#map = affine_map<(d0, d1) -> (0, 0)>
#map1 = affine_map<(d0, d1) -> (0, 0, 0, 0)>
#map2 = affine_map<(d0, d1) -> (0, 0, 0)>
module attributes {stable_mosaic.version = 14 : i64} {
  func.func @k(%arg0: i32, %arg1: i32, %arg2: memref<20000x64xf32, #tpu.memory_space<hbm>>, %arg3: memref<2x16x250x80xi32, #tpu.memory_space<hbm>>, %arg4: memref<16x250x80xi32, #tpu.memory_space<hbm>>, %arg5: memref<2x16x250x80xi32, #tpu.memory_space<hbm>>, %arg6: memref<1024x64xf32, #tpu.memory_space<hbm>>, %arg7: memref<10000x64xf32, #tpu.memory_space<hbm>>, %arg8: memref<2x10000x64xf32, #tpu.memory_space<hbm>>, %arg9: memref<250x80xi32, #tpu.memory_space<vmem>>, %arg10: memref<250x80xi32, #tpu.memory_space<vmem>>, %arg11: memref<80x64xf32, #tpu.memory_space<vmem>>, %arg12: memref<80x64xf32, #tpu.memory_space<vmem>>, %arg13: memref<80xi32, #tpu.memory_space<vmem>>, %arg14: memref<10000x64xf32, #tpu.memory_space<vmem_shared>>, %arg15: memref<!tpu.dma_semaphore, #tpu.memory_space<semaphore_mem>>, %arg16: memref<!tpu.dma_semaphore, #tpu.memory_space<semaphore_mem>>) attributes {dimension_semantics = [#tpu.dimension_semantics<core_parallel>, #tpu.dimension_semantics<subcore_parallel>], iteration_bounds = array<i64: 2, 16>, scalar_prefetch = 0 : i64, scratch_operands = 8 : i64, tpu.core_type = #tpu.core_type<sc_vector_subcore>, window_params = [{transform_indices = #map}, {transform_indices = #map1}, {transform_indices = #map2}, {transform_indices = #map1}, {transform_indices = #map}, {transform_indices = #map}, {transform_indices = #map2}]} {
    %lt3A = arith.constant 15 : i32
    %lt3A_0 = arith.cmpi slt, %arg1, %lt3A : i32
    %convert_element_type3A = arith.extui %lt3A_0 : i1 to i32
    %cond3A = arith.constant 0 : i32
    %cond3A_1 = arith.cmpi ne, %convert_element_type3A, %cond3A : i32
    scf.if %cond3A_1 {
      %mul3A = arith.constant 632 : i32
      %mul3A_22 = arith.muli %arg1, %mul3A : i32
      %mul3A_23 = arith.constant 632 : i32
      %mul3A_24 = arith.muli %arg1, %mul3A_23 : i32
      "tpu.region"() ({
        %run_scoped3A = tpu.sem_alloc : memref<!tpu.dma_semaphore, #tpu.memory_space<semaphore_mem>>
        %dma_start3A = arith.constant 0 : i32
        %dma_start3A_25 = tpu.memref_slice %arg14[%mul3A_24, %dma_start3A] : memref<10000x64xf32, #tpu.memory_space<vmem_shared>> -> memref<632x64xf32, #tpu.memory_space<vmem_shared>>
        %dma_start3A_26 = arith.constant 0 : i32
        %dma_start3A_27 = tpu.memref_slice %arg7[%mul3A_22, %dma_start3A_26] : memref<10000x64xf32, #tpu.memory_space<hbm>> -> memref<632x64xf32, #tpu.memory_space<hbm>>
        tpu.enqueue_dma source(%dma_start3A_27 : memref<632x64xf32, #tpu.memory_space<hbm>>) target(%dma_start3A_25 : memref<632x64xf32, #tpu.memory_space<vmem_shared>>) target_semaphore(%run_scoped3A : memref<!tpu.dma_semaphore, #tpu.memory_space<semaphore_mem>>)
        %dma_wait3A = arith.constant 0 : i32
        %dma_wait3A_28 = tpu.memref_slice %arg14[%mul3A_24, %dma_wait3A] : memref<10000x64xf32, #tpu.memory_space<vmem_shared>> -> memref<632x64xf32, #tpu.memory_space<vmem_shared>>
        %dma_wait3A_29 = arith.constant 0 : i32
        %dma_wait3A_30 = tpu.memref_slice %arg7[%mul3A_22, %dma_wait3A_29] : memref<10000x64xf32, #tpu.memory_space<hbm>> -> memref<632x64xf32, #tpu.memory_space<hbm>>
        tpu.wait_dma2 semaphore(%run_scoped3A : memref<!tpu.dma_semaphore, #tpu.memory_space<semaphore_mem>>) src(%dma_wait3A_30 : memref<632x64xf32, #tpu.memory_space<hbm>>) dst(%dma_wait3A_28 : memref<632x64xf32, #tpu.memory_space<vmem_shared>>)
        tpu.yield
      }) : () -> ()
    } else {
    }
    %eq3A = arith.constant 15 : i32
    %eq3A_2 = arith.cmpi eq, %arg1, %eq3A : i32
    %convert_element_type3A_3 = arith.extui %eq3A_2 : i1 to i32
    %cond3A_4 = arith.constant 0 : i32
    %cond3A_5 = arith.cmpi ne, %convert_element_type3A_3, %cond3A_4 : i32
    scf.if %cond3A_5 {
      "tpu.region"() ({
        %run_scoped3A = tpu.sem_alloc : memref<!tpu.dma_semaphore, #tpu.memory_space<semaphore_mem>>
        %dma_start3A = arith.constant 9480 : i32
        %dma_start3A_22 = arith.constant 0 : i32
        %dma_start3A_23 = tpu.memref_slice %arg14[%dma_start3A, %dma_start3A_22] : memref<10000x64xf32, #tpu.memory_space<vmem_shared>> -> memref<520x64xf32, #tpu.memory_space<vmem_shared>>
        %dma_start3A_24 = arith.constant 9480 : i32
        %dma_start3A_25 = arith.constant 0 : i32
        %dma_start3A_26 = tpu.memref_slice %arg7[%dma_start3A_24, %dma_start3A_25] : memref<10000x64xf32, #tpu.memory_space<hbm>> -> memref<520x64xf32, #tpu.memory_space<hbm>>
        tpu.enqueue_dma source(%dma_start3A_26 : memref<520x64xf32, #tpu.memory_space<hbm>>) target(%dma_start3A_23 : memref<520x64xf32, #tpu.memory_space<vmem_shared>>) target_semaphore(%run_scoped3A : memref<!tpu.dma_semaphore, #tpu.memory_space<semaphore_mem>>)
        %dma_wait3A = arith.constant 9480 : i32
        %dma_wait3A_27 = arith.constant 0 : i32
        %dma_wait3A_28 = tpu.memref_slice %arg14[%dma_wait3A, %dma_wait3A_27] : memref<10000x64xf32, #tpu.memory_space<vmem_shared>> -> memref<520x64xf32, #tpu.memory_space<vmem_shared>>
        %dma_wait3A_29 = arith.constant 9480 : i32
        %dma_wait3A_30 = arith.constant 0 : i32
        %dma_wait3A_31 = tpu.memref_slice %arg7[%dma_wait3A_29, %dma_wait3A_30] : memref<10000x64xf32, #tpu.memory_space<hbm>> -> memref<520x64xf32, #tpu.memory_space<hbm>>
        tpu.wait_dma2 semaphore(%run_scoped3A : memref<!tpu.dma_semaphore, #tpu.memory_space<semaphore_mem>>) src(%dma_wait3A_31 : memref<520x64xf32, #tpu.memory_space<hbm>>) dst(%dma_wait3A_28 : memref<520x64xf32, #tpu.memory_space<vmem_shared>>)
        tpu.yield
      }) : () -> ()
    } else {
    }
    "tpu.region"() ({
      %run_scoped3A = tpu.sem_alloc : memref<!tpu.dma_semaphore, #tpu.memory_space<semaphore_mem>>
      %dma_start3A = arith.constant 0 : i32
      %dma_start3A_22 = arith.constant 0 : i32
      %dma_start3A_23 = tpu.memref_slice %arg3[%arg0, %arg1, %dma_start3A, %dma_start3A_22] : memref<2x16x250x80xi32, #tpu.memory_space<hbm>> -> memref<1x1x250x80xi32, #tpu.memory_space<hbm>>
      %dma_start3A_24 = tpu.memref_squeeze %dma_start3A_23 : memref<1x1x250x80xi32, #tpu.memory_space<hbm>> -> memref<250x80xi32, #tpu.memory_space<hbm>>
      %dma_start3A_25 = arith.constant 0 : i32
      %dma_start3A_26 = arith.constant 0 : i32
      %dma_start3A_27 = tpu.memref_slice %arg3[%arg0, %arg1, %dma_start3A_25, %dma_start3A_26] : memref<2x16x250x80xi32, #tpu.memory_space<hbm>> -> memref<1x1x250x80xi32, #tpu.memory_space<hbm>>
      %dma_start3A_28 = tpu.memref_squeeze %dma_start3A_27 : memref<1x1x250x80xi32, #tpu.memory_space<hbm>> -> memref<250x80xi32, #tpu.memory_space<hbm>>
      tpu.enqueue_dma source(%dma_start3A_28 : memref<250x80xi32, #tpu.memory_space<hbm>>) target(%arg9 : memref<250x80xi32, #tpu.memory_space<vmem>>) target_semaphore(%run_scoped3A : memref<!tpu.dma_semaphore, #tpu.memory_space<semaphore_mem>>)
      %dma_wait3A = arith.constant 0 : i32
      %dma_wait3A_29 = arith.constant 0 : i32
      %dma_wait3A_30 = tpu.memref_slice %arg3[%arg0, %arg1, %dma_wait3A, %dma_wait3A_29] : memref<2x16x250x80xi32, #tpu.memory_space<hbm>> -> memref<1x1x250x80xi32, #tpu.memory_space<hbm>>
      %dma_wait3A_31 = tpu.memref_squeeze %dma_wait3A_30 : memref<1x1x250x80xi32, #tpu.memory_space<hbm>> -> memref<250x80xi32, #tpu.memory_space<hbm>>
      %dma_wait3A_32 = arith.constant 0 : i32
      %dma_wait3A_33 = arith.constant 0 : i32
      %dma_wait3A_34 = tpu.memref_slice %arg3[%arg0, %arg1, %dma_wait3A_32, %dma_wait3A_33] : memref<2x16x250x80xi32, #tpu.memory_space<hbm>> -> memref<1x1x250x80xi32, #tpu.memory_space<hbm>>
      %dma_wait3A_35 = tpu.memref_squeeze %dma_wait3A_34 : memref<1x1x250x80xi32, #tpu.memory_space<hbm>> -> memref<250x80xi32, #tpu.memory_space<hbm>>
      tpu.wait_dma2 semaphore(%run_scoped3A : memref<!tpu.dma_semaphore, #tpu.memory_space<semaphore_mem>>) src(%dma_wait3A_35 : memref<250x80xi32, #tpu.memory_space<hbm>>) dst(%arg9 : memref<250x80xi32, #tpu.memory_space<vmem>>)
      tpu.yield
    }) : () -> ()
    "tpu.region"() ({
      %run_scoped3A = tpu.sem_alloc : memref<!tpu.dma_semaphore, #tpu.memory_space<semaphore_mem>>
      %dma_start3A = arith.constant 0 : i32
      %dma_start3A_22 = arith.constant 0 : i32
      %dma_start3A_23 = tpu.memref_slice %arg5[%arg0, %arg1, %dma_start3A, %dma_start3A_22] : memref<2x16x250x80xi32, #tpu.memory_space<hbm>> -> memref<1x1x250x80xi32, #tpu.memory_space<hbm>>
      %dma_start3A_24 = tpu.memref_squeeze %dma_start3A_23 : memref<1x1x250x80xi32, #tpu.memory_space<hbm>> -> memref<250x80xi32, #tpu.memory_space<hbm>>
      %dma_start3A_25 = arith.constant 0 : i32
      %dma_start3A_26 = arith.constant 0 : i32
      %dma_start3A_27 = tpu.memref_slice %arg5[%arg0, %arg1, %dma_start3A_25, %dma_start3A_26] : memref<2x16x250x80xi32, #tpu.memory_space<hbm>> -> memref<1x1x250x80xi32, #tpu.memory_space<hbm>>
      %dma_start3A_28 = tpu.memref_squeeze %dma_start3A_27 : memref<1x1x250x80xi32, #tpu.memory_space<hbm>> -> memref<250x80xi32, #tpu.memory_space<hbm>>
      tpu.enqueue_dma source(%dma_start3A_28 : memref<250x80xi32, #tpu.memory_space<hbm>>) target(%arg10 : memref<250x80xi32, #tpu.memory_space<vmem>>) target_semaphore(%run_scoped3A : memref<!tpu.dma_semaphore, #tpu.memory_space<semaphore_mem>>)
      %dma_wait3A = arith.constant 0 : i32
      %dma_wait3A_29 = arith.constant 0 : i32
      %dma_wait3A_30 = tpu.memref_slice %arg5[%arg0, %arg1, %dma_wait3A, %dma_wait3A_29] : memref<2x16x250x80xi32, #tpu.memory_space<hbm>> -> memref<1x1x250x80xi32, #tpu.memory_space<hbm>>
      %dma_wait3A_31 = tpu.memref_squeeze %dma_wait3A_30 : memref<1x1x250x80xi32, #tpu.memory_space<hbm>> -> memref<250x80xi32, #tpu.memory_space<hbm>>
      %dma_wait3A_32 = arith.constant 0 : i32
      %dma_wait3A_33 = arith.constant 0 : i32
      %dma_wait3A_34 = tpu.memref_slice %arg5[%arg0, %arg1, %dma_wait3A_32, %dma_wait3A_33] : memref<2x16x250x80xi32, #tpu.memory_space<hbm>> -> memref<1x1x250x80xi32, #tpu.memory_space<hbm>>
      %dma_wait3A_35 = tpu.memref_squeeze %dma_wait3A_34 : memref<1x1x250x80xi32, #tpu.memory_space<hbm>> -> memref<250x80xi32, #tpu.memory_space<hbm>>
      tpu.wait_dma2 semaphore(%run_scoped3A : memref<!tpu.dma_semaphore, #tpu.memory_space<semaphore_mem>>) src(%dma_wait3A_35 : memref<250x80xi32, #tpu.memory_space<hbm>>) dst(%arg10 : memref<250x80xi32, #tpu.memory_space<vmem>>)
      tpu.yield
    }) : () -> ()
    %barrier3A = arith.constant 0 : index
    tpu.barrier barrier_id(%barrier3A)
    %scan3A = arith.constant 0 : i32
    %scan3A_6 = arith.constant 0 : i32
    %scan3A_7 = arith.constant 250 : i32
    %scan3A_8 = arith.addi %scan3A_6, %scan3A_7 : i32
    %scan3A_9 = arith.constant 1 : i32
    scf.for %scan3A_22 = %scan3A_6 to %scan3A_8 step %scan3A_9  : i32 {
      %dma_start3A = arith.constant 0 : i32
      %dma_start3A_23 = tpu.memref_slice %arg9[%scan3A_22, %dma_start3A] : memref<250x80xi32, #tpu.memory_space<vmem>> -> memref<1x80xi32, #tpu.memory_space<vmem>>
      %dma_start3A_24 = tpu.memref_squeeze %dma_start3A_23 : memref<1x80xi32, #tpu.memory_space<vmem>> -> memref<80xi32, #tpu.memory_space<vmem>>
      %dma_start3A_25 = arith.constant 0 : i32
      %dma_start3A_26 = arith.constant 0 : i32
      %dma_start3A_27 = tpu.memref_slice %arg2[%dma_start3A_25, %dma_start3A_26] : memref<20000x64xf32, #tpu.memory_space<hbm>> -> memref<20000x64xf32, #tpu.memory_space<hbm>>
      tpu.enqueue_indirect_dma source(%dma_start3A_27 : memref<20000x64xf32, #tpu.memory_space<hbm>>) target(%arg11 : memref<80x64xf32, #tpu.memory_space<vmem>>) offsets(%dma_start3A_24 : memref<80xi32, #tpu.memory_space<vmem>>) semaphore(%arg15 : memref<!tpu.dma_semaphore, #tpu.memory_space<semaphore_mem>>)
      %dma_wait3A = arith.constant 0 : i32
      %dma_wait3A_28 = tpu.memref_slice %arg9[%scan3A_22, %dma_wait3A] : memref<250x80xi32, #tpu.memory_space<vmem>> -> memref<1x80xi32, #tpu.memory_space<vmem>>
      %dma_wait3A_29 = tpu.memref_squeeze %dma_wait3A_28 : memref<1x80xi32, #tpu.memory_space<vmem>> -> memref<80xi32, #tpu.memory_space<vmem>>
      %dma_wait3A_30 = arith.constant 0 : i32
      %dma_wait3A_31 = arith.constant 0 : i32
      %dma_wait3A_32 = tpu.memref_slice %arg2[%dma_wait3A_30, %dma_wait3A_31] : memref<20000x64xf32, #tpu.memory_space<hbm>> -> memref<20000x64xf32, #tpu.memory_space<hbm>>
      tpu.wait_indirect_dma semaphore(%arg15 : memref<!tpu.dma_semaphore, #tpu.memory_space<semaphore_mem>>) src(%dma_wait3A_32 : memref<20000x64xf32, #tpu.memory_space<hbm>>) dst(%arg11 : memref<80x64xf32, #tpu.memory_space<vmem>>)
      %dma_start3A_33 = arith.constant 0 : i32
      %dma_start3A_34 = tpu.memref_slice %arg10[%scan3A_22, %dma_start3A_33] : memref<250x80xi32, #tpu.memory_space<vmem>> -> memref<1x80xi32, #tpu.memory_space<vmem>>
      %dma_start3A_35 = tpu.memref_squeeze %dma_start3A_34 : memref<1x80xi32, #tpu.memory_space<vmem>> -> memref<80xi32, #tpu.memory_space<vmem>>
      %dma_start3A_36 = arith.constant 0 : i32
      %dma_start3A_37 = arith.constant 0 : i32
      %dma_start3A_38 = tpu.memref_slice %arg6[%dma_start3A_36, %dma_start3A_37] : memref<1024x64xf32, #tpu.memory_space<hbm>> -> memref<1024x64xf32, #tpu.memory_space<hbm>>
      tpu.enqueue_indirect_dma source(%dma_start3A_38 : memref<1024x64xf32, #tpu.memory_space<hbm>>) target(%arg12 : memref<80x64xf32, #tpu.memory_space<vmem>>) offsets(%dma_start3A_35 : memref<80xi32, #tpu.memory_space<vmem>>) semaphore(%arg16 : memref<!tpu.dma_semaphore, #tpu.memory_space<semaphore_mem>>)
      %dma_wait3A_39 = arith.constant 0 : i32
      %dma_wait3A_40 = tpu.memref_slice %arg10[%scan3A_22, %dma_wait3A_39] : memref<250x80xi32, #tpu.memory_space<vmem>> -> memref<1x80xi32, #tpu.memory_space<vmem>>
      %dma_wait3A_41 = tpu.memref_squeeze %dma_wait3A_40 : memref<1x80xi32, #tpu.memory_space<vmem>> -> memref<80xi32, #tpu.memory_space<vmem>>
      %dma_wait3A_42 = arith.constant 0 : i32
      %dma_wait3A_43 = arith.constant 0 : i32
      %dma_wait3A_44 = tpu.memref_slice %arg6[%dma_wait3A_42, %dma_wait3A_43] : memref<1024x64xf32, #tpu.memory_space<hbm>> -> memref<1024x64xf32, #tpu.memory_space<hbm>>
      tpu.wait_indirect_dma semaphore(%arg16 : memref<!tpu.dma_semaphore, #tpu.memory_space<semaphore_mem>>) src(%dma_wait3A_44 : memref<1024x64xf32, #tpu.memory_space<hbm>>) dst(%arg12 : memref<80x64xf32, #tpu.memory_space<vmem>>)
      "tpu.region"() ({
        %run_scoped3A = tpu.sem_alloc : memref<!tpu.dma_semaphore, #tpu.memory_space<semaphore_mem>>
        %dma_start3A_51 = arith.constant 0 : i32
        %dma_start3A_52 = tpu.memref_slice %arg4[%arg1, %scan3A_22, %dma_start3A_51] : memref<16x250x80xi32, #tpu.memory_space<hbm>> -> memref<1x1x80xi32, #tpu.memory_space<hbm>>
        %dma_start3A_53 = tpu.memref_squeeze %dma_start3A_52 : memref<1x1x80xi32, #tpu.memory_space<hbm>> -> memref<80xi32, #tpu.memory_space<hbm>>
        %dma_start3A_54 = arith.constant 0 : i32
        %dma_start3A_55 = tpu.memref_slice %arg4[%arg1, %scan3A_22, %dma_start3A_54] : memref<16x250x80xi32, #tpu.memory_space<hbm>> -> memref<1x1x80xi32, #tpu.memory_space<hbm>>
        %dma_start3A_56 = tpu.memref_squeeze %dma_start3A_55 : memref<1x1x80xi32, #tpu.memory_space<hbm>> -> memref<80xi32, #tpu.memory_space<hbm>>
        tpu.enqueue_dma source(%dma_start3A_56 : memref<80xi32, #tpu.memory_space<hbm>>) target(%arg13 : memref<80xi32, #tpu.memory_space<vmem>>) target_semaphore(%run_scoped3A : memref<!tpu.dma_semaphore, #tpu.memory_space<semaphore_mem>>)
        %dma_wait3A_57 = arith.constant 0 : i32
        %dma_wait3A_58 = tpu.memref_slice %arg4[%arg1, %scan3A_22, %dma_wait3A_57] : memref<16x250x80xi32, #tpu.memory_space<hbm>> -> memref<1x1x80xi32, #tpu.memory_space<hbm>>
        %dma_wait3A_59 = tpu.memref_squeeze %dma_wait3A_58 : memref<1x1x80xi32, #tpu.memory_space<hbm>> -> memref<80xi32, #tpu.memory_space<hbm>>
        %dma_wait3A_60 = arith.constant 0 : i32
        %dma_wait3A_61 = tpu.memref_slice %arg4[%arg1, %scan3A_22, %dma_wait3A_60] : memref<16x250x80xi32, #tpu.memory_space<hbm>> -> memref<1x1x80xi32, #tpu.memory_space<hbm>>
        %dma_wait3A_62 = tpu.memref_squeeze %dma_wait3A_61 : memref<1x1x80xi32, #tpu.memory_space<hbm>> -> memref<80xi32, #tpu.memory_space<hbm>>
        tpu.wait_dma2 semaphore(%run_scoped3A : memref<!tpu.dma_semaphore, #tpu.memory_space<semaphore_mem>>) src(%dma_wait3A_62 : memref<80xi32, #tpu.memory_space<hbm>>) dst(%arg13 : memref<80xi32, #tpu.memory_space<vmem>>)
        tpu.yield
      }) : () -> ()
      %scan3A_45 = arith.constant 0 : i32
      %scan3A_46 = arith.constant 0 : i32
      %scan3A_47 = arith.constant 80 : i32
      %scan3A_48 = arith.addi %scan3A_46, %scan3A_47 : i32
      %scan3A_49 = arith.constant 2 : i32
      scf.for %scan3A_51 = %scan3A_46 to %scan3A_48 step %scan3A_49  : i32 {
        %get3A = arith.index_cast %scan3A_51 : i32 to index
        %get3A_52 = arith.constant 0 : index
        %get3A_53 = tpu.vector_load %arg11[%get3A, %get3A_52] {strides = array<i32>} : memref<80x64xf32, #tpu.memory_space<vmem>>, vector<1x16xf32>,
        %get3A_54 = vector.shape_cast %get3A_53 : vector<1x16xf32> to vector<16xf32>
        %get3A_55 = arith.index_cast %scan3A_51 : i32 to index
        %get3A_56 = arith.constant 0 : index
        %get3A_57 = tpu.vector_load %arg12[%get3A_55, %get3A_56] {strides = array<i32>} : memref<80x64xf32, #tpu.memory_space<vmem>>, vector<1x16xf32>,
        %get3A_58 = vector.shape_cast %get3A_57 : vector<1x16xf32> to vector<16xf32>
        %add3A = arith.addf %get3A_54, %get3A_58 : vector<16xf32>
        %max3A = arith.constant 0.000000e+00 : f32
        %max3A_59 = vector.broadcast %max3A : f32 to vector<16xf32>
        %max3A_60 = arith.maximumf %add3A, %max3A_59 : vector<16xf32>
        %swap3A = arith.index_cast %scan3A_51 : i32 to index
        %swap3A_61 = arith.constant 0 : index
        %swap3A_62 = tpu.vector_load %arg11[%swap3A, %swap3A_61] {strides = array<i32>} : memref<80x64xf32, #tpu.memory_space<vmem>>, vector<1x16xf32>,
        %swap3A_63 = vector.shape_cast %swap3A_62 : vector<1x16xf32> to vector<16xf32>
        %swap3A_64 = vector.shape_cast %max3A_60 : vector<16xf32> to vector<1x16xf32>
        tpu.vector_store %arg11[%swap3A, %swap3A_61], %swap3A_64 {strides = array<i32>} : memref<80x64xf32, #tpu.memory_space<vmem>>, vector<1x16xf32>,
        %get3A_65 = arith.index_cast %scan3A_51 : i32 to index
        %get3A_66 = arith.constant 16 : index
        %get3A_67 = tpu.vector_load %arg11[%get3A_65, %get3A_66] {strides = array<i32>} : memref<80x64xf32, #tpu.memory_space<vmem>>, vector<1x16xf32>,
        %get3A_68 = vector.shape_cast %get3A_67 : vector<1x16xf32> to vector<16xf32>
        %get3A_69 = arith.index_cast %scan3A_51 : i32 to index
        %get3A_70 = arith.constant 16 : index
        %get3A_71 = tpu.vector_load %arg12[%get3A_69, %get3A_70] {strides = array<i32>} : memref<80x64xf32, #tpu.memory_space<vmem>>, vector<1x16xf32>,
        %get3A_72 = vector.shape_cast %get3A_71 : vector<1x16xf32> to vector<16xf32>
        %add3A_73 = arith.addf %get3A_68, %get3A_72 : vector<16xf32>
        %max3A_74 = arith.constant 0.000000e+00 : f32
        %max3A_75 = vector.broadcast %max3A_74 : f32 to vector<16xf32>
        %max3A_76 = arith.maximumf %add3A_73, %max3A_75 : vector<16xf32>
        %swap3A_77 = arith.index_cast %scan3A_51 : i32 to index
        %swap3A_78 = arith.constant 16 : index
        %swap3A_79 = tpu.vector_load %arg11[%swap3A_77, %swap3A_78] {strides = array<i32>} : memref<80x64xf32, #tpu.memory_space<vmem>>, vector<1x16xf32>,
        %swap3A_80 = vector.shape_cast %swap3A_79 : vector<1x16xf32> to vector<16xf32>
        %swap3A_81 = vector.shape_cast %max3A_76 : vector<16xf32> to vector<1x16xf32>
        tpu.vector_store %arg11[%swap3A_77, %swap3A_78], %swap3A_81 {strides = array<i32>} : memref<80x64xf32, #tpu.memory_space<vmem>>, vector<1x16xf32>,
        %get3A_82 = arith.index_cast %scan3A_51 : i32 to index
        %get3A_83 = arith.constant 32 : index
        %get3A_84 = tpu.vector_load %arg11[%get3A_82, %get3A_83] {strides = array<i32>} : memref<80x64xf32, #tpu.memory_space<vmem>>, vector<1x16xf32>,
        %get3A_85 = vector.shape_cast %get3A_84 : vector<1x16xf32> to vector<16xf32>
        %get3A_86 = arith.index_cast %scan3A_51 : i32 to index
        %get3A_87 = arith.constant 32 : index
        %get3A_88 = tpu.vector_load %arg12[%get3A_86, %get3A_87] {strides = array<i32>} : memref<80x64xf32, #tpu.memory_space<vmem>>, vector<1x16xf32>,
        %get3A_89 = vector.shape_cast %get3A_88 : vector<1x16xf32> to vector<16xf32>
        %add3A_90 = arith.addf %get3A_85, %get3A_89 : vector<16xf32>
        %max3A_91 = arith.constant 0.000000e+00 : f32
        %max3A_92 = vector.broadcast %max3A_91 : f32 to vector<16xf32>
        %max3A_93 = arith.maximumf %add3A_90, %max3A_92 : vector<16xf32>
        %swap3A_94 = arith.index_cast %scan3A_51 : i32 to index
        %swap3A_95 = arith.constant 32 : index
        %swap3A_96 = tpu.vector_load %arg11[%swap3A_94, %swap3A_95] {strides = array<i32>} : memref<80x64xf32, #tpu.memory_space<vmem>>, vector<1x16xf32>,
        %swap3A_97 = vector.shape_cast %swap3A_96 : vector<1x16xf32> to vector<16xf32>
        %swap3A_98 = vector.shape_cast %max3A_93 : vector<16xf32> to vector<1x16xf32>
        tpu.vector_store %arg11[%swap3A_94, %swap3A_95], %swap3A_98 {strides = array<i32>} : memref<80x64xf32, #tpu.memory_space<vmem>>, vector<1x16xf32>,
        %get3A_99 = arith.index_cast %scan3A_51 : i32 to index
        %get3A_100 = arith.constant 48 : index
        %get3A_101 = tpu.vector_load %arg11[%get3A_99, %get3A_100] {strides = array<i32>} : memref<80x64xf32, #tpu.memory_space<vmem>>, vector<1x16xf32>,
        %get3A_102 = vector.shape_cast %get3A_101 : vector<1x16xf32> to vector<16xf32>
        %get3A_103 = arith.index_cast %scan3A_51 : i32 to index
        %get3A_104 = arith.constant 48 : index
        %get3A_105 = tpu.vector_load %arg12[%get3A_103, %get3A_104] {strides = array<i32>} : memref<80x64xf32, #tpu.memory_space<vmem>>, vector<1x16xf32>,
        %get3A_106 = vector.shape_cast %get3A_105 : vector<1x16xf32> to vector<16xf32>
        %add3A_107 = arith.addf %get3A_102, %get3A_106 : vector<16xf32>
        %max3A_108 = arith.constant 0.000000e+00 : f32
        %max3A_109 = vector.broadcast %max3A_108 : f32 to vector<16xf32>
        %max3A_110 = arith.maximumf %add3A_107, %max3A_109 : vector<16xf32>
        %swap3A_111 = arith.index_cast %scan3A_51 : i32 to index
        %swap3A_112 = arith.constant 48 : index
        %swap3A_113 = tpu.vector_load %arg11[%swap3A_111, %swap3A_112] {strides = array<i32>} : memref<80x64xf32, #tpu.memory_space<vmem>>, vector<1x16xf32>,
        %swap3A_114 = vector.shape_cast %swap3A_113 : vector<1x16xf32> to vector<16xf32>
        %swap3A_115 = vector.shape_cast %max3A_110 : vector<16xf32> to vector<1x16xf32>
        tpu.vector_store %arg11[%swap3A_111, %swap3A_112], %swap3A_115 {strides = array<i32>} : memref<80x64xf32, #tpu.memory_space<vmem>>, vector<1x16xf32>,
        %scan3A_116 = arith.constant 1 : i32
        %scan3A_117 = arith.addi %scan3A_51, %scan3A_116 : i32
        %get3A_118 = arith.index_cast %scan3A_117 : i32 to index
        %get3A_119 = arith.constant 0 : index
        %get3A_120 = tpu.vector_load %arg11[%get3A_118, %get3A_119] {strides = array<i32>} : memref<80x64xf32, #tpu.memory_space<vmem>>, vector<1x16xf32>,
        %get3A_121 = vector.shape_cast %get3A_120 : vector<1x16xf32> to vector<16xf32>
        %get3A_122 = arith.index_cast %scan3A_117 : i32 to index
        %get3A_123 = arith.constant 0 : index
        %get3A_124 = tpu.vector_load %arg12[%get3A_122, %get3A_123] {strides = array<i32>} : memref<80x64xf32, #tpu.memory_space<vmem>>, vector<1x16xf32>,
        %get3A_125 = vector.shape_cast %get3A_124 : vector<1x16xf32> to vector<16xf32>
        %add3A_126 = arith.addf %get3A_121, %get3A_125 : vector<16xf32>
        %max3A_127 = arith.constant 0.000000e+00 : f32
        %max3A_128 = vector.broadcast %max3A_127 : f32 to vector<16xf32>
        %max3A_129 = arith.maximumf %add3A_126, %max3A_128 : vector<16xf32>
        %swap3A_130 = arith.index_cast %scan3A_117 : i32 to index
        %swap3A_131 = arith.constant 0 : index
        %swap3A_132 = tpu.vector_load %arg11[%swap3A_130, %swap3A_131] {strides = array<i32>} : memref<80x64xf32, #tpu.memory_space<vmem>>, vector<1x16xf32>,
        %swap3A_133 = vector.shape_cast %swap3A_132 : vector<1x16xf32> to vector<16xf32>
        %swap3A_134 = vector.shape_cast %max3A_129 : vector<16xf32> to vector<1x16xf32>
        tpu.vector_store %arg11[%swap3A_130, %swap3A_131], %swap3A_134 {strides = array<i32>} : memref<80x64xf32, #tpu.memory_space<vmem>>, vector<1x16xf32>,
        %get3A_135 = arith.index_cast %scan3A_117 : i32 to index
        %get3A_136 = arith.constant 16 : index
        %get3A_137 = tpu.vector_load %arg11[%get3A_135, %get3A_136] {strides = array<i32>} : memref<80x64xf32, #tpu.memory_space<vmem>>, vector<1x16xf32>,
        %get3A_138 = vector.shape_cast %get3A_137 : vector<1x16xf32> to vector<16xf32>
        %get3A_139 = arith.index_cast %scan3A_117 : i32 to index
        %get3A_140 = arith.constant 16 : index
        %get3A_141 = tpu.vector_load %arg12[%get3A_139, %get3A_140] {strides = array<i32>} : memref<80x64xf32, #tpu.memory_space<vmem>>, vector<1x16xf32>,
        %get3A_142 = vector.shape_cast %get3A_141 : vector<1x16xf32> to vector<16xf32>
        %add3A_143 = arith.addf %get3A_138, %get3A_142 : vector<16xf32>
        %max3A_144 = arith.constant 0.000000e+00 : f32
        %max3A_145 = vector.broadcast %max3A_144 : f32 to vector<16xf32>
        %max3A_146 = arith.maximumf %add3A_143, %max3A_145 : vector<16xf32>
        %swap3A_147 = arith.index_cast %scan3A_117 : i32 to index
        %swap3A_148 = arith.constant 16 : index
        %swap3A_149 = tpu.vector_load %arg11[%swap3A_147, %swap3A_148] {strides = array<i32>} : memref<80x64xf32, #tpu.memory_space<vmem>>, vector<1x16xf32>,
        %swap3A_150 = vector.shape_cast %swap3A_149 : vector<1x16xf32> to vector<16xf32>
        %swap3A_151 = vector.shape_cast %max3A_146 : vector<16xf32> to vector<1x16xf32>
        tpu.vector_store %arg11[%swap3A_147, %swap3A_148], %swap3A_151 {strides = array<i32>} : memref<80x64xf32, #tpu.memory_space<vmem>>, vector<1x16xf32>,
        %get3A_152 = arith.index_cast %scan3A_117 : i32 to index
        %get3A_153 = arith.constant 32 : index
        %get3A_154 = tpu.vector_load %arg11[%get3A_152, %get3A_153] {strides = array<i32>} : memref<80x64xf32, #tpu.memory_space<vmem>>, vector<1x16xf32>,
        %get3A_155 = vector.shape_cast %get3A_154 : vector<1x16xf32> to vector<16xf32>
        %get3A_156 = arith.index_cast %scan3A_117 : i32 to index
        %get3A_157 = arith.constant 32 : index
        %get3A_158 = tpu.vector_load %arg12[%get3A_156, %get3A_157] {strides = array<i32>} : memref<80x64xf32, #tpu.memory_space<vmem>>, vector<1x16xf32>,
        %get3A_159 = vector.shape_cast %get3A_158 : vector<1x16xf32> to vector<16xf32>
        %add3A_160 = arith.addf %get3A_155, %get3A_159 : vector<16xf32>
        %max3A_161 = arith.constant 0.000000e+00 : f32
        %max3A_162 = vector.broadcast %max3A_161 : f32 to vector<16xf32>
        %max3A_163 = arith.maximumf %add3A_160, %max3A_162 : vector<16xf32>
        %swap3A_164 = arith.index_cast %scan3A_117 : i32 to index
        %swap3A_165 = arith.constant 32 : index
        %swap3A_166 = tpu.vector_load %arg11[%swap3A_164, %swap3A_165] {strides = array<i32>} : memref<80x64xf32, #tpu.memory_space<vmem>>, vector<1x16xf32>,
        %swap3A_167 = vector.shape_cast %swap3A_166 : vector<1x16xf32> to vector<16xf32>
        %swap3A_168 = vector.shape_cast %max3A_163 : vector<16xf32> to vector<1x16xf32>
        tpu.vector_store %arg11[%swap3A_164, %swap3A_165], %swap3A_168 {strides = array<i32>} : memref<80x64xf32, #tpu.memory_space<vmem>>, vector<1x16xf32>,
        %get3A_169 = arith.index_cast %scan3A_117 : i32 to index
        %get3A_170 = arith.constant 48 : index
        %get3A_171 = tpu.vector_load %arg11[%get3A_169, %get3A_170] {strides = array<i32>} : memref<80x64xf32, #tpu.memory_space<vmem>>, vector<1x16xf32>,
        %get3A_172 = vector.shape_cast %get3A_171 : vector<1x16xf32> to vector<16xf32>
        %get3A_173 = arith.index_cast %scan3A_117 : i32 to index
        %get3A_174 = arith.constant 48 : index
        %get3A_175 = tpu.vector_load %arg12[%get3A_173, %get3A_174] {strides = array<i32>} : memref<80x64xf32, #tpu.memory_space<vmem>>, vector<1x16xf32>,
        %get3A_176 = vector.shape_cast %get3A_175 : vector<1x16xf32> to vector<16xf32>
        %add3A_177 = arith.addf %get3A_172, %get3A_176 : vector<16xf32>
        %max3A_178 = arith.constant 0.000000e+00 : f32
        %max3A_179 = vector.broadcast %max3A_178 : f32 to vector<16xf32>
        %max3A_180 = arith.maximumf %add3A_177, %max3A_179 : vector<16xf32>
        %swap3A_181 = arith.index_cast %scan3A_117 : i32 to index
        %swap3A_182 = arith.constant 48 : index
        %swap3A_183 = tpu.vector_load %arg11[%swap3A_181, %swap3A_182] {strides = array<i32>} : memref<80x64xf32, #tpu.memory_space<vmem>>, vector<1x16xf32>,
        %swap3A_184 = vector.shape_cast %swap3A_183 : vector<1x16xf32> to vector<16xf32>
        %swap3A_185 = vector.shape_cast %max3A_180 : vector<16xf32> to vector<1x16xf32>
        tpu.vector_store %arg11[%swap3A_181, %swap3A_182], %swap3A_185 {strides = array<i32>} : memref<80x64xf32, #tpu.memory_space<vmem>>, vector<1x16xf32>,
      }
      %scan3A_50 = arith.constant 80 : i32
      "tpu.region"() ({
        %run_scoped3A = tpu.sem_alloc : memref<!tpu.dma_semaphore, #tpu.memory_space<semaphore_mem>>
        %dma_start3A_51 = arith.constant 0 : i32
        %dma_start3A_52 = arith.constant 0 : i32
        %dma_start3A_53 = tpu.memref_slice %arg14[%dma_start3A_51, %dma_start3A_52] : memref<10000x64xf32, #tpu.memory_space<vmem_shared>> -> memref<10000x64xf32, #tpu.memory_space<vmem_shared>>
        tpu.enqueue_indirect_dma source(%arg11 : memref<80x64xf32, #tpu.memory_space<vmem>>) target(%dma_start3A_53 : memref<10000x64xf32, #tpu.memory_space<vmem_shared>>) offsets(%arg13 : memref<80xi32, #tpu.memory_space<vmem>>) semaphore(%run_scoped3A : memref<!tpu.dma_semaphore, #tpu.memory_space<semaphore_mem>>) {add = true}
        %dma_wait3A_54 = arith.constant 0 : i32
        %dma_wait3A_55 = arith.constant 0 : i32
        %dma_wait3A_56 = tpu.memref_slice %arg14[%dma_wait3A_54, %dma_wait3A_55] : memref<10000x64xf32, #tpu.memory_space<vmem_shared>> -> memref<10000x64xf32, #tpu.memory_space<vmem_shared>>
        tpu.wait_indirect_dma semaphore(%run_scoped3A : memref<!tpu.dma_semaphore, #tpu.memory_space<semaphore_mem>>) src(%arg11 : memref<80x64xf32, #tpu.memory_space<vmem>>) dst(%dma_wait3A_56 : memref<10000x64xf32, #tpu.memory_space<vmem_shared>>)
        tpu.yield
      }) : () -> ()
    }
    %scan3A_10 = arith.constant 250 : i32
    %barrier3A_11 = arith.constant 0 : index
    tpu.barrier barrier_id(%barrier3A_11)
    %lt3A_12 = arith.constant 15 : i32
    %lt3A_13 = arith.cmpi slt, %arg1, %lt3A_12 : i32
    %convert_element_type3A_14 = arith.extui %lt3A_13 : i1 to i32
    %cond3A_15 = arith.constant 0 : i32
    %cond3A_16 = arith.cmpi ne, %convert_element_type3A_14, %cond3A_15 : i32
    scf.if %cond3A_16 {
      %mul3A = arith.constant 632 : i32
      %mul3A_22 = arith.muli %arg1, %mul3A : i32
      %mul3A_23 = arith.constant 632 : i32
      %mul3A_24 = arith.muli %arg1, %mul3A_23 : i32
      "tpu.region"() ({
        %run_scoped3A = tpu.sem_alloc : memref<!tpu.dma_semaphore, #tpu.memory_space<semaphore_mem>>
        %dma_start3A = arith.constant 0 : i32
        %dma_start3A_25 = tpu.memref_slice %arg8[%arg0, %mul3A_24, %dma_start3A] : memref<2x10000x64xf32, #tpu.memory_space<hbm>> -> memref<1x632x64xf32, #tpu.memory_space<hbm>>
        %dma_start3A_26 = tpu.memref_squeeze %dma_start3A_25 : memref<1x632x64xf32, #tpu.memory_space<hbm>> -> memref<632x64xf32, #tpu.memory_space<hbm>>
        %dma_start3A_27 = arith.constant 0 : i32
        %dma_start3A_28 = tpu.memref_slice %arg14[%mul3A_22, %dma_start3A_27] : memref<10000x64xf32, #tpu.memory_space<vmem_shared>> -> memref<632x64xf32, #tpu.memory_space<vmem_shared>>
        tpu.enqueue_dma source(%dma_start3A_28 : memref<632x64xf32, #tpu.memory_space<vmem_shared>>) target(%dma_start3A_26 : memref<632x64xf32, #tpu.memory_space<hbm>>) target_semaphore(%run_scoped3A : memref<!tpu.dma_semaphore, #tpu.memory_space<semaphore_mem>>)
        %dma_wait3A = arith.constant 0 : i32
        %dma_wait3A_29 = tpu.memref_slice %arg8[%arg0, %mul3A_24, %dma_wait3A] : memref<2x10000x64xf32, #tpu.memory_space<hbm>> -> memref<1x632x64xf32, #tpu.memory_space<hbm>>
        %dma_wait3A_30 = tpu.memref_squeeze %dma_wait3A_29 : memref<1x632x64xf32, #tpu.memory_space<hbm>> -> memref<632x64xf32, #tpu.memory_space<hbm>>
        %dma_wait3A_31 = arith.constant 0 : i32
        %dma_wait3A_32 = tpu.memref_slice %arg14[%mul3A_22, %dma_wait3A_31] : memref<10000x64xf32, #tpu.memory_space<vmem_shared>> -> memref<632x64xf32, #tpu.memory_space<vmem_shared>>
        tpu.wait_dma2 semaphore(%run_scoped3A : memref<!tpu.dma_semaphore, #tpu.memory_space<semaphore_mem>>) src(%dma_wait3A_32 : memref<632x64xf32, #tpu.memory_space<vmem_shared>>) dst(%dma_wait3A_30 : memref<632x64xf32, #tpu.memory_space<hbm>>)
        tpu.yield
      }) : () -> ()
    } else {
    }
    %eq3A_17 = arith.constant 15 : i32
    %eq3A_18 = arith.cmpi eq, %arg1, %eq3A_17 : i32
    %convert_element_type3A_19 = arith.extui %eq3A_18 : i1 to i32
    %cond3A_20 = arith.constant 0 : i32
    %cond3A_21 = arith.cmpi ne, %convert_element_type3A_19, %cond3A_20 : i32
    scf.if %cond3A_21 {
      "tpu.region"() ({
        %run_scoped3A = tpu.sem_alloc : memref<!tpu.dma_semaphore, #tpu.memory_space<semaphore_mem>>
        %dma_start3A = arith.constant 9480 : i32
        %dma_start3A_22 = arith.constant 0 : i32
        %dma_start3A_23 = tpu.memref_slice %arg8[%arg0, %dma_start3A, %dma_start3A_22] : memref<2x10000x64xf32, #tpu.memory_space<hbm>> -> memref<1x520x64xf32, #tpu.memory_space<hbm>>
        %dma_start3A_24 = tpu.memref_squeeze %dma_start3A_23 : memref<1x520x64xf32, #tpu.memory_space<hbm>> -> memref<520x64xf32, #tpu.memory_space<hbm>>
        %dma_start3A_25 = arith.constant 9480 : i32
        %dma_start3A_26 = arith.constant 0 : i32
        %dma_start3A_27 = tpu.memref_slice %arg14[%dma_start3A_25, %dma_start3A_26] : memref<10000x64xf32, #tpu.memory_space<vmem_shared>> -> memref<520x64xf32, #tpu.memory_space<vmem_shared>>
        tpu.enqueue_dma source(%dma_start3A_27 : memref<520x64xf32, #tpu.memory_space<vmem_shared>>) target(%dma_start3A_24 : memref<520x64xf32, #tpu.memory_space<hbm>>) target_semaphore(%run_scoped3A : memref<!tpu.dma_semaphore, #tpu.memory_space<semaphore_mem>>)
        %dma_wait3A = arith.constant 9480 : i32
        %dma_wait3A_28 = arith.constant 0 : i32
        %dma_wait3A_29 = tpu.memref_slice %arg8[%arg0, %dma_wait3A, %dma_wait3A_28] : memref<2x10000x64xf32, #tpu.memory_space<hbm>> -> memref<1x520x64xf32, #tpu.memory_space<hbm>>
        %dma_wait3A_30 = tpu.memref_squeeze %dma_wait3A_29 : memref<1x520x64xf32, #tpu.memory_space<hbm>> -> memref<520x64xf32, #tpu.memory_space<hbm>>
        %dma_wait3A_31 = arith.constant 9480 : i32
        %dma_wait3A_32 = arith.constant 0 : i32
        %dma_wait3A_33 = tpu.memref_slice %arg14[%dma_wait3A_31, %dma_wait3A_32] : memref<10000x64xf32, #tpu.memory_space<vmem_shared>> -> memref<520x64xf32, #tpu.memory_space<vmem_shared>>
        tpu.wait_dma2 semaphore(%run_scoped3A : memref<!tpu.dma_semaphore, #tpu.memory_space<semaphore_mem>>) src(%dma_wait3A_33 : memref<520x64xf32, #tpu.memory_space<vmem_shared>>) dst(%dma_wait3A_30 : memref<520x64xf32, #tpu.memory_space<hbm>>)
        tpu.yield
      }) : () -> ()
    } else {
    }
    return
  }
}

module attributes {stable_mosaic.version = 14 : i64} {
  func.func @body(%arg0: memref<10000x128xf32, #tpu.memory_space<vmem>>, %arg1: memref<1x128xf32, #tpu.memory_space<vmem>>, %arg2: memref<20000x64xf32, #tpu.memory_space<vmem>>) attributes {dimension_semantics = [], scalar_prefetch = 0 : i64, scratch_operands = 0 : i64, tpu.core_type = #tpu.core_type<tc>} {
    %get3A = arith.constant 0 : index
    %get3A_0 = arith.constant 0 : index
    %get3A_1 = vector.load %arg0[%get3A, %get3A_0] : memref<10000x128xf32, #tpu.memory_space<vmem>>, vector<10000x128xf32>
    %get3A_2 = arith.constant 0 : index
    %get3A_3 = arith.constant 0 : index
    %get3A_4 = vector.load %arg1[%get3A_2, %get3A_3] : memref<1x128xf32, #tpu.memory_space<vmem>>, vector<1x128xf32>
    %add3A = vector.broadcast %get3A_4 : vector<1x128xf32> to vector<10000x128xf32>
    %add3A_5 = arith.addf %get3A_1, %add3A : vector<10000x128xf32>
    %slice3A = vector.extract_strided_slice %add3A_5 {offsets = [0, 0], sizes = [10000, 64], strides = [1, 1]} : vector<10000x128xf32> to vector<10000x64xf32>
    %slice3A_6 = vector.extract_strided_slice %add3A_5 {offsets = [0, 64], sizes = [10000, 64], strides = [1, 1]} : vector<10000x128xf32> to vector<10000x64xf32>
    %concatenate3A = tpu.concatenate %slice3A, %slice3A_6 in 0 : vector<10000x64xf32>, vector<10000x64xf32> -> vector<20000x64xf32>
    %swap3A = arith.constant 0 : index
    %swap3A_7 = arith.constant 0 : index
    %swap3A_8 = vector.load %arg2[%swap3A, %swap3A_7] : memref<20000x64xf32, #tpu.memory_space<vmem>>, vector<20000x64xf32>
    tpu.vector_store %arg2[%swap3A, %swap3A_7], %concatenate3A {strides = array<i32>} : memref<20000x64xf32, #tpu.memory_space<vmem>>, vector<20000x64xf32>,
    return
  }
}

module attributes {stable_mosaic.version = 14 : i64} {
  func.func @body(%arg0: memref<20000x64xf32, #tpu.memory_space<vmem>>, %arg1: memref<2x10000x64xf32, #tpu.memory_space<vmem>>, %arg2: memref<1x1xf32, #tpu.memory_space<vmem>>, %arg3: memref<128x256xf32, #tpu.memory_space<vmem>>, %arg4: memref<1x256xf32, #tpu.memory_space<vmem>>, %arg5: memref<1x256xf32, #tpu.memory_space<vmem>>, %arg6: memref<1x256xf32, #tpu.memory_space<vmem>>, %arg7: memref<256x128xf32, #tpu.memory_space<vmem>>, %arg8: memref<1x128xf32, #tpu.memory_space<vmem>>, %arg9: memref<1x128xf32, #tpu.memory_space<vmem>>, %arg10: memref<1x128xf32, #tpu.memory_space<vmem>>, %arg11: memref<64x128xf32, #tpu.memory_space<vmem>>, %arg12: memref<1x10000xi32, #tpu.memory_space<vmem>>, %arg13: memref<1x1xi32, #tpu.memory_space<vmem>>, %arg14: memref<128x256xf32, #tpu.memory_space<vmem>>, %arg15: memref<1x256xf32, #tpu.memory_space<vmem>>, %arg16: memref<1x256xf32, #tpu.memory_space<vmem>>, %arg17: memref<1x256xf32, #tpu.memory_space<vmem>>, %arg18: memref<256x128xf32, #tpu.memory_space<vmem>>, %arg19: memref<1x128xf32, #tpu.memory_space<vmem>>, %arg20: memref<1x128xf32, #tpu.memory_space<vmem>>, %arg21: memref<1x128xf32, #tpu.memory_space<vmem>>, %arg22: memref<20000x64xf32, #tpu.memory_space<vmem>>, %arg23: memref<64x128xf32, #tpu.memory_space<vmem>>) attributes {dimension_semantics = [], scalar_prefetch = 0 : i64, scratch_operands = 0 : i64, tpu.core_type = #tpu.core_type<tc>} {
    %get3A = arith.constant 0 : index
    %get3A_0 = arith.constant 0 : index
    %get3A_1 = vector.load %arg2[%get3A, %get3A_0] : memref<1x1xf32, #tpu.memory_space<vmem>>, vector<1x1xf32>
    %get3A_2 = vector.extract %get3A_1[0, 0] : f32 from vector<1x1xf32>
    %add3A = arith.constant 1.000000e+00 : f32
    %add3A_3 = arith.addf %add3A, %get3A_2 : f32
    %get3A_4 = arith.constant 0 : index
    %get3A_5 = arith.constant 0 : index
    %get3A_6 = vector.load %arg0[%get3A_4, %get3A_5] : memref<20000x64xf32, #tpu.memory_space<vmem>>, vector<20000x64xf32>
    %slice3A = vector.extract_strided_slice %get3A_6 {offsets = [0, 0], sizes = [10000, 64], strides = [1, 1]} : vector<20000x64xf32> to vector<10000x64xf32>
    %mul3A = vector.broadcast %add3A_3 : f32 to vector<10000x64xf32>
    %mul3A_7 = arith.mulf %mul3A, %slice3A : vector<10000x64xf32>
    %get3A_8 = arith.constant 0 : index
    %get3A_9 = arith.constant 0 : index
    %get3A_10 = arith.constant 0 : index
    %get3A_11 = vector.load %arg1[%get3A_8, %get3A_9, %get3A_10] : memref<2x10000x64xf32, #tpu.memory_space<vmem>>, vector<1x10000x64xf32>
    %get3A_12 = vector.shape_cast %get3A_11 : vector<1x10000x64xf32> to vector<10000x64xf32>
    %add3A_13 = arith.addf %mul3A_7, %get3A_12 : vector<10000x64xf32>
    %slice3A_14 = vector.extract_strided_slice %get3A_6 {offsets = [10000, 0], sizes = [10000, 64], strides = [1, 1]} : vector<20000x64xf32> to vector<10000x64xf32>
    %mul3A_15 = vector.broadcast %add3A_3 : f32 to vector<10000x64xf32>
    %mul3A_16 = arith.mulf %mul3A_15, %slice3A_14 : vector<10000x64xf32>
    %get3A_17 = arith.constant 1 : index
    %get3A_18 = arith.constant 0 : index
    %get3A_19 = arith.constant 0 : index
    %get3A_20 = vector.load %arg1[%get3A_17, %get3A_18, %get3A_19] : memref<2x10000x64xf32, #tpu.memory_space<vmem>>, vector<1x10000x64xf32>
    %get3A_21 = vector.shape_cast %get3A_20 : vector<1x10000x64xf32> to vector<10000x64xf32>
    %add3A_22 = arith.addf %mul3A_16, %get3A_21 : vector<10000x64xf32>
    %concatenate3A = tpu.concatenate %add3A_13, %add3A_22 in 1 : vector<10000x64xf32>, vector<10000x64xf32> -> vector<10000x128xf32>
    %get3A_23 = arith.constant 0 : index
    %get3A_24 = arith.constant 0 : index
    %get3A_25 = vector.load %arg3[%get3A_23, %get3A_24] : memref<128x256xf32, #tpu.memory_space<vmem>>, vector<128x256xf32>
    %dot_general3A = arith.constant dense<0.000000e+00> : vector<10000x256xf32>
    %dot_general3A_26 = tpu.matmul %concatenate3A, %get3A_25, %dot_general3A {dimension_numbers = #tpu.dot_dimension_numbers<[1], [0], [0], [1], [0, 0, 1, 1], [], []>, transpose_lhs_hint = false} : vector<10000x128xf32>, vector<128x256xf32>, vector<10000x256xf32> -> vector<10000x256xf32>
    %get3A_27 = arith.constant 0 : index
    %get3A_28 = arith.constant 0 : index
    %get3A_29 = vector.load %arg4[%get3A_27, %get3A_28] : memref<1x256xf32, #tpu.memory_space<vmem>>, vector<1x256xf32>
    %add3A_30 = vector.broadcast %get3A_29 : vector<1x256xf32> to vector<10000x256xf32>
    %add3A_31 = arith.addf %dot_general3A_26, %add3A_30 : vector<10000x256xf32>
    %get3A_32 = arith.constant 0 : index
    %get3A_33 = arith.constant 0 : index
    %get3A_34 = vector.load %arg5[%get3A_32, %get3A_33] : memref<1x256xf32, #tpu.memory_space<vmem>>, vector<1x256xf32>
    %get3A_35 = arith.constant 0 : index
    %get3A_36 = arith.constant 0 : index
    %get3A_37 = vector.load %arg6[%get3A_35, %get3A_36] : memref<1x256xf32, #tpu.memory_space<vmem>>, vector<1x256xf32>
    %reduce_sum3A = arith.constant dense<0.000000e+00> : vector<256xf32>
    %reduce_sum3A_38 = vector.multi_reduction <add>, %add3A_31, %reduce_sum3A [0] : vector<10000x256xf32> to vector<256xf32>
    %div3A = arith.constant 1.000000e+04 : f32
    %div3A_39 = vector.broadcast %div3A : f32 to vector<256xf32>
    %div3A_40 = arith.divf %reduce_sum3A_38, %div3A_39 : vector<256xf32>
    %jit3A = arith.constant 0 : i32
    %reduce_sum3A_41 = arith.constant dense<0.000000e+00> : vector<256xf32>
    %reduce_sum3A_42 = vector.multi_reduction <add>, %add3A_31, %reduce_sum3A_41 [0] : vector<10000x256xf32> to vector<256xf32>
    %broadcast_in_dim3A = vector.shape_cast %reduce_sum3A_42 : vector<256xf32> to vector<1x256xf32>
    %div3A_43 = arith.constant 1.000000e+04 : f32
    %div3A_44 = vector.broadcast %div3A_43 : f32 to vector<1x256xf32>
    %div3A_45 = arith.divf %broadcast_in_dim3A, %div3A_44 : vector<1x256xf32>
    %sub3A = vector.broadcast %div3A_45 : vector<1x256xf32> to vector<10000x256xf32>
    %sub3A_46 = arith.subf %add3A_31, %sub3A : vector<10000x256xf32>
    %square3A = arith.mulf %sub3A_46, %sub3A_46 : vector<10000x256xf32>
    %convert_element_type3A = arith.sitofp %jit3A : i32 to f32
    %sub3A_47 = arith.constant 1.000000e+04 : f32
    %sub3A_48 = arith.subf %sub3A_47, %convert_element_type3A : f32
    %reduce_sum3A_49 = arith.constant dense<0.000000e+00> : vector<256xf32>
    %reduce_sum3A_50 = vector.multi_reduction <add>, %square3A, %reduce_sum3A_49 [0] : vector<10000x256xf32> to vector<256xf32>
    %div3A_51 = vector.broadcast %sub3A_48 : f32 to vector<256xf32>
    %div3A_52 = arith.divf %reduce_sum3A_50, %div3A_51 : vector<256xf32>
    %gt3A = arith.constant 0.000000e+00 : f32
    %gt3A_53 = arith.cmpf ogt, %sub3A_48, %gt3A : f32
    %jit3A_54 = arith.constant 0x7FC00000 : f32
    %broadcast_in_dim3A_55 = vector.broadcast %jit3A_54 : f32 to vector<256xf32>
    %select_n3A = arith.select %gt3A_53, %div3A_52, %broadcast_in_dim3A_55 : vector<256xf32>
    %broadcast_in_dim3A_56 = vector.shape_cast %div3A_40 : vector<256xf32> to vector<1x256xf32>
    %sub3A_57 = vector.broadcast %broadcast_in_dim3A_56 : vector<1x256xf32> to vector<10000x256xf32>
    %sub3A_58 = arith.subf %add3A_31, %sub3A_57 : vector<10000x256xf32>
    %add3A_59 = arith.constant 9.99999974E-6 : f32
    %add3A_60 = vector.broadcast %add3A_59 : f32 to vector<256xf32>
    %add3A_61 = arith.addf %select_n3A, %add3A_60 : vector<256xf32>
    %sqrt3A = math.sqrt %add3A_61 : vector<256xf32>
    %broadcast_in_dim3A_62 = vector.shape_cast %sqrt3A : vector<256xf32> to vector<1x256xf32>
    %div3A_63 = vector.broadcast %broadcast_in_dim3A_62 : vector<1x256xf32> to vector<10000x256xf32>
    %div3A_64 = arith.divf %sub3A_58, %div3A_63 : vector<10000x256xf32>
    %mul3A_65 = vector.broadcast %get3A_34 : vector<1x256xf32> to vector<10000x256xf32>
    %mul3A_66 = arith.mulf %div3A_64, %mul3A_65 : vector<10000x256xf32>
    %add3A_67 = vector.broadcast %get3A_37 : vector<1x256xf32> to vector<10000x256xf32>
    %add3A_68 = arith.addf %mul3A_66, %add3A_67 : vector<10000x256xf32>
    %max3A = arith.constant 0.000000e+00 : f32
    %max3A_69 = vector.broadcast %max3A : f32 to vector<10000x256xf32>
    %max3A_70 = arith.maximumf %add3A_68, %max3A_69 : vector<10000x256xf32>
    %get3A_71 = arith.constant 0 : index
    %get3A_72 = arith.constant 0 : index
    %get3A_73 = vector.load %arg7[%get3A_71, %get3A_72] : memref<256x128xf32, #tpu.memory_space<vmem>>, vector<256x128xf32>
    %dot_general3A_74 = arith.constant dense<0.000000e+00> : vector<10000x128xf32>
    %dot_general3A_75 = tpu.matmul %max3A_70, %get3A_73, %dot_general3A_74 {dimension_numbers = #tpu.dot_dimension_numbers<[1], [0], [0], [1], [0, 0, 1, 1], [], []>, transpose_lhs_hint = false} : vector<10000x256xf32>, vector<256x128xf32>, vector<10000x128xf32> -> vector<10000x128xf32>
    %get3A_76 = arith.constant 0 : index
    %get3A_77 = arith.constant 0 : index
    %get3A_78 = vector.load %arg8[%get3A_76, %get3A_77] : memref<1x128xf32, #tpu.memory_space<vmem>>, vector<1x128xf32>
    %add3A_79 = vector.broadcast %get3A_78 : vector<1x128xf32> to vector<10000x128xf32>
    %add3A_80 = arith.addf %dot_general3A_75, %add3A_79 : vector<10000x128xf32>
    %get3A_81 = arith.constant 0 : index
    %get3A_82 = arith.constant 0 : index
    %get3A_83 = vector.load %arg9[%get3A_81, %get3A_82] : memref<1x128xf32, #tpu.memory_space<vmem>>, vector<1x128xf32>
    %get3A_84 = arith.constant 0 : index
    %get3A_85 = arith.constant 0 : index
    %get3A_86 = vector.load %arg10[%get3A_84, %get3A_85] : memref<1x128xf32, #tpu.memory_space<vmem>>, vector<1x128xf32>
    %reduce_sum3A_87 = arith.constant dense<0.000000e+00> : vector<128xf32>
    %reduce_sum3A_88 = vector.multi_reduction <add>, %add3A_80, %reduce_sum3A_87 [0] : vector<10000x128xf32> to vector<128xf32>
    %div3A_89 = arith.constant 1.000000e+04 : f32
    %div3A_90 = vector.broadcast %div3A_89 : f32 to vector<128xf32>
    %div3A_91 = arith.divf %reduce_sum3A_88, %div3A_90 : vector<128xf32>
    %jit3A_92 = arith.constant 0 : i32
    %reduce_sum3A_93 = arith.constant dense<0.000000e+00> : vector<128xf32>
    %reduce_sum3A_94 = vector.multi_reduction <add>, %add3A_80, %reduce_sum3A_93 [0] : vector<10000x128xf32> to vector<128xf32>
    %broadcast_in_dim3A_95 = vector.shape_cast %reduce_sum3A_94 : vector<128xf32> to vector<1x128xf32>
    %div3A_96 = arith.constant 1.000000e+04 : f32
    %div3A_97 = vector.broadcast %div3A_96 : f32 to vector<1x128xf32>
    %div3A_98 = arith.divf %broadcast_in_dim3A_95, %div3A_97 : vector<1x128xf32>
    %sub3A_99 = vector.broadcast %div3A_98 : vector<1x128xf32> to vector<10000x128xf32>
    %sub3A_100 = arith.subf %add3A_80, %sub3A_99 : vector<10000x128xf32>
    %square3A_101 = arith.mulf %sub3A_100, %sub3A_100 : vector<10000x128xf32>
    %convert_element_type3A_102 = arith.sitofp %jit3A_92 : i32 to f32
    %sub3A_103 = arith.constant 1.000000e+04 : f32
    %sub3A_104 = arith.subf %sub3A_103, %convert_element_type3A_102 : f32
    %reduce_sum3A_105 = arith.constant dense<0.000000e+00> : vector<128xf32>
    %reduce_sum3A_106 = vector.multi_reduction <add>, %square3A_101, %reduce_sum3A_105 [0] : vector<10000x128xf32> to vector<128xf32>
    %div3A_107 = vector.broadcast %sub3A_104 : f32 to vector<128xf32>
    %div3A_108 = arith.divf %reduce_sum3A_106, %div3A_107 : vector<128xf32>
    %gt3A_109 = arith.constant 0.000000e+00 : f32
    %gt3A_110 = arith.cmpf ogt, %sub3A_104, %gt3A_109 : f32
    %jit3A_111 = arith.constant 0x7FC00000 : f32
    %broadcast_in_dim3A_112 = vector.broadcast %jit3A_111 : f32 to vector<128xf32>
    %select_n3A_113 = arith.select %gt3A_110, %div3A_108, %broadcast_in_dim3A_112 : vector<128xf32>
    %broadcast_in_dim3A_114 = vector.shape_cast %div3A_91 : vector<128xf32> to vector<1x128xf32>
    %sub3A_115 = vector.broadcast %broadcast_in_dim3A_114 : vector<1x128xf32> to vector<10000x128xf32>
    %sub3A_116 = arith.subf %add3A_80, %sub3A_115 : vector<10000x128xf32>
    %add3A_117 = arith.constant 9.99999974E-6 : f32
    %add3A_118 = vector.broadcast %add3A_117 : f32 to vector<128xf32>
    %add3A_119 = arith.addf %select_n3A_113, %add3A_118 : vector<128xf32>
    %sqrt3A_120 = math.sqrt %add3A_119 : vector<128xf32>
    %broadcast_in_dim3A_121 = vector.shape_cast %sqrt3A_120 : vector<128xf32> to vector<1x128xf32>
    %div3A_122 = vector.broadcast %broadcast_in_dim3A_121 : vector<1x128xf32> to vector<10000x128xf32>
    %div3A_123 = arith.divf %sub3A_116, %div3A_122 : vector<10000x128xf32>
    %mul3A_124 = vector.broadcast %get3A_83 : vector<1x128xf32> to vector<10000x128xf32>
    %mul3A_125 = arith.mulf %div3A_123, %mul3A_124 : vector<10000x128xf32>
    %add3A_126 = vector.broadcast %get3A_86 : vector<1x128xf32> to vector<10000x128xf32>
    %add3A_127 = arith.addf %mul3A_125, %add3A_126 : vector<10000x128xf32>
    %max3A_128 = arith.constant 0.000000e+00 : f32
    %max3A_129 = vector.broadcast %max3A_128 : f32 to vector<10000x128xf32>
    %max3A_130 = arith.maximumf %add3A_127, %max3A_129 : vector<10000x128xf32>
    %iota3A = tpu.iota {dimensions = array<i32: 0>} : vector<64x10000xi32>
    %get3A_131 = arith.constant 0 : index
    %get3A_132 = arith.constant 0 : index
    %get3A_133 = vector.load %arg12[%get3A_131, %get3A_132] : memref<1x10000xi32, #tpu.memory_space<vmem>>, vector<1x10000xi32>
    %eq3A = vector.broadcast %get3A_133 : vector<1x10000xi32> to vector<64x10000xi32>
    %eq3A_134 = arith.cmpi eq, %iota3A, %eq3A : vector<64x10000xi32>
    %convert_element_type3A_135 = arith.extui %eq3A_134 : vector<64x10000xi1> to vector<64x10000xi32>
    %convert_element_type3A_136 = arith.sitofp %convert_element_type3A_135 : vector<64x10000xi32> to vector<64x10000xf32>
    %slice3A_137 = vector.extract_strided_slice %get3A_6 {offsets = [0, 0], sizes = [10000, 64], strides = [1, 1]} : vector<20000x64xf32> to vector<10000x64xf32>
    %dot_general3A_138 = arith.constant dense<0.000000e+00> : vector<64x64xf32>
    %dot_general3A_139 = tpu.matmul %convert_element_type3A_136, %slice3A_137, %dot_general3A_138 {dimension_numbers = #tpu.dot_dimension_numbers<[1], [0], [0], [1], [0, 0, 1, 1], [], []>, precision = #tpu.contract_precision<fp32>, transpose_lhs_hint = false} : vector<64x10000xf32>, vector<10000x64xf32>, vector<64x64xf32> -> vector<64x64xf32>
    %slice3A_140 = vector.extract_strided_slice %get3A_6 {offsets = [10000, 0], sizes = [10000, 64], strides = [1, 1]} : vector<20000x64xf32> to vector<10000x64xf32>
    %dot_general3A_141 = arith.constant dense<0.000000e+00> : vector<64x64xf32>
    %dot_general3A_142 = tpu.matmul %convert_element_type3A_136, %slice3A_140, %dot_general3A_141 {dimension_numbers = #tpu.dot_dimension_numbers<[1], [0], [0], [1], [0, 0, 1, 1], [], []>, precision = #tpu.contract_precision<fp32>, transpose_lhs_hint = false} : vector<64x10000xf32>, vector<10000x64xf32>, vector<64x64xf32> -> vector<64x64xf32>
    %concatenate3A_143 = tpu.concatenate %dot_general3A_139, %dot_general3A_142 in 1 : vector<64x64xf32>, vector<64x64xf32> -> vector<64x128xf32>
    %get3A_144 = arith.constant 0 : index
    %get3A_145 = arith.constant 0 : index
    %get3A_146 = vector.load %arg11[%get3A_144, %get3A_145] : memref<64x128xf32, #tpu.memory_space<vmem>>, vector<64x128xf32>
    %add3A_147 = arith.addf %concatenate3A_143, %get3A_146 : vector<64x128xf32>
    %get3A_148 = arith.constant 0 : index
    %get3A_149 = arith.constant 0 : index
    %get3A_150 = vector.load %arg13[%get3A_148, %get3A_149] : memref<1x1xi32, #tpu.memory_space<vmem>>, vector<1x1xi32>
    %get3A_151 = vector.extract %get3A_150[0, 0] : i32 from vector<1x1xi32>
    %convert_element_type3A_152 = arith.sitofp %get3A_151 : i32 to f32
    %iota3A_153 = tpu.iota {dimensions = array<i32: 0>} : vector<64x1xi32>
    %lt3A = vector.broadcast %get3A_151 : i32 to vector<64x1xi32>
    %lt3A_154 = arith.cmpi slt, %iota3A_153, %lt3A : vector<64x1xi32>
    %get3A_155 = arith.constant 0 : index
    %get3A_156 = arith.constant 0 : index
    %get3A_157 = vector.load %arg14[%get3A_155, %get3A_156] : memref<128x256xf32, #tpu.memory_space<vmem>>, vector<128x256xf32>
    %dot_general3A_158 = arith.constant dense<0.000000e+00> : vector<64x256xf32>
    %dot_general3A_159 = tpu.matmul %add3A_147, %get3A_157, %dot_general3A_158 {dimension_numbers = #tpu.dot_dimension_numbers<[1], [0], [0], [1], [0, 0, 1, 1], [], []>, transpose_lhs_hint = false} : vector<64x128xf32>, vector<128x256xf32>, vector<64x256xf32> -> vector<64x256xf32>
    %get3A_160 = arith.constant 0 : index
    %get3A_161 = arith.constant 0 : index
    %get3A_162 = vector.load %arg15[%get3A_160, %get3A_161] : memref<1x256xf32, #tpu.memory_space<vmem>>, vector<1x256xf32>
    %add3A_163 = vector.broadcast %get3A_162 : vector<1x256xf32> to vector<64x256xf32>
    %add3A_164 = arith.addf %dot_general3A_159, %add3A_163 : vector<64x256xf32>
    %get3A_165 = arith.constant 0 : index
    %get3A_166 = arith.constant 0 : index
    %get3A_167 = vector.load %arg16[%get3A_165, %get3A_166] : memref<1x256xf32, #tpu.memory_space<vmem>>, vector<1x256xf32>
    %get3A_168 = arith.constant 0 : index
    %get3A_169 = arith.constant 0 : index
    %get3A_170 = vector.load %arg17[%get3A_168, %get3A_169] : memref<1x256xf32, #tpu.memory_space<vmem>>, vector<1x256xf32>
    %jit3A_171 = arith.constant 0.000000e+00 : f32
    %broadcast_in_dim3A_172 = vector.shape_cast %lt3A_154 : vector<64x1xi1> to vector<64x1xi1>
    %broadcast_in_dim3A_173 = vector.broadcast %broadcast_in_dim3A_172 : vector<64x1xi1> to vector<64x256xi1>
    %broadcast_in_dim3A_174 = vector.broadcast %jit3A_171 : f32 to vector<64x256xf32>
    %select_n3A_175 = arith.select %broadcast_in_dim3A_173, %add3A_164, %broadcast_in_dim3A_174 : vector<64x256xi1>, vector<64x256xf32>
    %reduce_sum3A_176 = arith.constant dense<0.000000e+00> : vector<256xf32>
    %reduce_sum3A_177 = vector.multi_reduction <add>, %select_n3A_175, %reduce_sum3A_176 [0] : vector<64x256xf32> to vector<256xf32>
    %broadcast_in_dim3A_178 = vector.shape_cast %reduce_sum3A_177 : vector<256xf32> to vector<1x256xf32>
    %div3A_179 = vector.broadcast %convert_element_type3A_152 : f32 to vector<1x256xf32>
    %div3A_180 = arith.divf %broadcast_in_dim3A_178, %div3A_179 : vector<1x256xf32>
    %sub3A_181 = vector.broadcast %div3A_180 : vector<1x256xf32> to vector<64x256xf32>
    %sub3A_182 = arith.subf %add3A_164, %sub3A_181 : vector<64x256xf32>
    %jit3A_183 = arith.constant 0.000000e+00 : f32
    %broadcast_in_dim3A_184 = vector.shape_cast %lt3A_154 : vector<64x1xi1> to vector<64x1xi1>
    %broadcast_in_dim3A_185 = vector.broadcast %broadcast_in_dim3A_184 : vector<64x1xi1> to vector<64x256xi1>
    %broadcast_in_dim3A_186 = vector.broadcast %jit3A_183 : f32 to vector<64x256xf32>
    %select_n3A_187 = arith.select %broadcast_in_dim3A_185, %sub3A_182, %broadcast_in_dim3A_186 : vector<64x256xi1>, vector<64x256xf32>
    %mul3A_188 = arith.mulf %select_n3A_187, %select_n3A_187 : vector<64x256xf32>
    %reduce_sum3A_189 = arith.constant dense<0.000000e+00> : vector<256xf32>
    %reduce_sum3A_190 = vector.multi_reduction <add>, %mul3A_188, %reduce_sum3A_189 [0] : vector<64x256xf32> to vector<256xf32>
    %broadcast_in_dim3A_191 = vector.shape_cast %reduce_sum3A_190 : vector<256xf32> to vector<1x256xf32>
    %div3A_192 = vector.broadcast %convert_element_type3A_152 : f32 to vector<1x256xf32>
    %div3A_193 = arith.divf %broadcast_in_dim3A_191, %div3A_192 : vector<1x256xf32>
    %sub3A_194 = vector.broadcast %div3A_180 : vector<1x256xf32> to vector<64x256xf32>
    %sub3A_195 = arith.subf %add3A_164, %sub3A_194 : vector<64x256xf32>
    %add3A_196 = arith.constant 9.99999974E-6 : f32
    %add3A_197 = vector.broadcast %add3A_196 : f32 to vector<1x256xf32>
    %add3A_198 = arith.addf %div3A_193, %add3A_197 : vector<1x256xf32>
    %sqrt3A_199 = math.sqrt %add3A_198 : vector<1x256xf32>
    %div3A_200 = vector.broadcast %sqrt3A_199 : vector<1x256xf32> to vector<64x256xf32>
    %div3A_201 = arith.divf %sub3A_195, %div3A_200 : vector<64x256xf32>
    %mul3A_202 = vector.broadcast %get3A_167 : vector<1x256xf32> to vector<64x256xf32>
    %mul3A_203 = arith.mulf %div3A_201, %mul3A_202 : vector<64x256xf32>
    %add3A_204 = vector.broadcast %get3A_170 : vector<1x256xf32> to vector<64x256xf32>
    %add3A_205 = arith.addf %mul3A_203, %add3A_204 : vector<64x256xf32>
    %max3A_206 = arith.constant 0.000000e+00 : f32
    %max3A_207 = vector.broadcast %max3A_206 : f32 to vector<64x256xf32>
    %max3A_208 = arith.maximumf %add3A_205, %max3A_207 : vector<64x256xf32>
    %get3A_209 = arith.constant 0 : index
    %get3A_210 = arith.constant 0 : index
    %get3A_211 = vector.load %arg18[%get3A_209, %get3A_210] : memref<256x128xf32, #tpu.memory_space<vmem>>, vector<256x128xf32>
    %dot_general3A_212 = arith.constant dense<0.000000e+00> : vector<64x128xf32>
    %dot_general3A_213 = tpu.matmul %max3A_208, %get3A_211, %dot_general3A_212 {dimension_numbers = #tpu.dot_dimension_numbers<[1], [0], [0], [1], [0, 0, 1, 1], [], []>, transpose_lhs_hint = false} : vector<64x256xf32>, vector<256x128xf32>, vector<64x128xf32> -> vector<64x128xf32>
    %get3A_214 = arith.constant 0 : index
    %get3A_215 = arith.constant 0 : index
    %get3A_216 = vector.load %arg19[%get3A_214, %get3A_215] : memref<1x128xf32, #tpu.memory_space<vmem>>, vector<1x128xf32>
    %add3A_217 = vector.broadcast %get3A_216 : vector<1x128xf32> to vector<64x128xf32>
    %add3A_218 = arith.addf %dot_general3A_213, %add3A_217 : vector<64x128xf32>
    %get3A_219 = arith.constant 0 : index
    %get3A_220 = arith.constant 0 : index
    %get3A_221 = vector.load %arg20[%get3A_219, %get3A_220] : memref<1x128xf32, #tpu.memory_space<vmem>>, vector<1x128xf32>
    %get3A_222 = arith.constant 0 : index
    %get3A_223 = arith.constant 0 : index
    %get3A_224 = vector.load %arg21[%get3A_222, %get3A_223] : memref<1x128xf32, #tpu.memory_space<vmem>>, vector<1x128xf32>
    %jit3A_225 = arith.constant 0.000000e+00 : f32
    %broadcast_in_dim3A_226 = vector.shape_cast %lt3A_154 : vector<64x1xi1> to vector<64x1xi1>
    %broadcast_in_dim3A_227 = vector.broadcast %broadcast_in_dim3A_226 : vector<64x1xi1> to vector<64x128xi1>
    %broadcast_in_dim3A_228 = vector.broadcast %jit3A_225 : f32 to vector<64x128xf32>
    %select_n3A_229 = arith.select %broadcast_in_dim3A_227, %add3A_218, %broadcast_in_dim3A_228 : vector<64x128xi1>, vector<64x128xf32>
    %reduce_sum3A_230 = arith.constant dense<0.000000e+00> : vector<128xf32>
    %reduce_sum3A_231 = vector.multi_reduction <add>, %select_n3A_229, %reduce_sum3A_230 [0] : vector<64x128xf32> to vector<128xf32>
    %broadcast_in_dim3A_232 = vector.shape_cast %reduce_sum3A_231 : vector<128xf32> to vector<1x128xf32>
    %div3A_233 = vector.broadcast %convert_element_type3A_152 : f32 to vector<1x128xf32>
    %div3A_234 = arith.divf %broadcast_in_dim3A_232, %div3A_233 : vector<1x128xf32>
    %sub3A_235 = vector.broadcast %div3A_234 : vector<1x128xf32> to vector<64x128xf32>
    %sub3A_236 = arith.subf %add3A_218, %sub3A_235 : vector<64x128xf32>
    %jit3A_237 = arith.constant 0.000000e+00 : f32
    %broadcast_in_dim3A_238 = vector.shape_cast %lt3A_154 : vector<64x1xi1> to vector<64x1xi1>
    %broadcast_in_dim3A_239 = vector.broadcast %broadcast_in_dim3A_238 : vector<64x1xi1> to vector<64x128xi1>
    %broadcast_in_dim3A_240 = vector.broadcast %jit3A_237 : f32 to vector<64x128xf32>
    %select_n3A_241 = arith.select %broadcast_in_dim3A_239, %sub3A_236, %broadcast_in_dim3A_240 : vector<64x128xi1>, vector<64x128xf32>
    %mul3A_242 = arith.mulf %select_n3A_241, %select_n3A_241 : vector<64x128xf32>
    %reduce_sum3A_243 = arith.constant dense<0.000000e+00> : vector<128xf32>
    %reduce_sum3A_244 = vector.multi_reduction <add>, %mul3A_242, %reduce_sum3A_243 [0] : vector<64x128xf32> to vector<128xf32>
    %broadcast_in_dim3A_245 = vector.shape_cast %reduce_sum3A_244 : vector<128xf32> to vector<1x128xf32>
    %div3A_246 = vector.broadcast %convert_element_type3A_152 : f32 to vector<1x128xf32>
    %div3A_247 = arith.divf %broadcast_in_dim3A_245, %div3A_246 : vector<1x128xf32>
    %sub3A_248 = vector.broadcast %div3A_234 : vector<1x128xf32> to vector<64x128xf32>
    %sub3A_249 = arith.subf %add3A_218, %sub3A_248 : vector<64x128xf32>
    %add3A_250 = arith.constant 9.99999974E-6 : f32
    %add3A_251 = vector.broadcast %add3A_250 : f32 to vector<1x128xf32>
    %add3A_252 = arith.addf %div3A_247, %add3A_251 : vector<1x128xf32>
    %sqrt3A_253 = math.sqrt %add3A_252 : vector<1x128xf32>
    %div3A_254 = vector.broadcast %sqrt3A_253 : vector<1x128xf32> to vector<64x128xf32>
    %div3A_255 = arith.divf %sub3A_249, %div3A_254 : vector<64x128xf32>
    %mul3A_256 = vector.broadcast %get3A_221 : vector<1x128xf32> to vector<64x128xf32>
    %mul3A_257 = arith.mulf %div3A_255, %mul3A_256 : vector<64x128xf32>
    %add3A_258 = vector.broadcast %get3A_224 : vector<1x128xf32> to vector<64x128xf32>
    %add3A_259 = arith.addf %mul3A_257, %add3A_258 : vector<64x128xf32>
    %max3A_260 = arith.constant 0.000000e+00 : f32
    %max3A_261 = vector.broadcast %max3A_260 : f32 to vector<64x128xf32>
    %max3A_262 = arith.maximumf %add3A_259, %max3A_261 : vector<64x128xf32>
    %swap3A = arith.constant 0 : index
    %swap3A_263 = arith.constant 0 : index
    %swap3A_264 = vector.load %arg23[%swap3A, %swap3A_263] : memref<64x128xf32, #tpu.memory_space<vmem>>, vector<64x128xf32>
    tpu.vector_store %arg23[%swap3A, %swap3A_263], %max3A_262 {strides = array<i32>} : memref<64x128xf32, #tpu.memory_space<vmem>>, vector<64x128xf32>,
    %dot_general3A_265 = arith.constant dense<0.000000e+00> : vector<10000x128xf32>
    %dot_general3A_266 = tpu.matmul %convert_element_type3A_136, %max3A_262, %dot_general3A_265 {dimension_numbers = #tpu.dot_dimension_numbers<[0], [0], [1], [1], [0, 1, 1, 1], [], []>, precision = #tpu.contract_precision<fp32>, transpose_lhs_hint = false} : vector<64x10000xf32>, vector<64x128xf32>, vector<10000x128xf32> -> vector<10000x128xf32>
    %add3A_267 = arith.addf %max3A_130, %dot_general3A_266 : vector<10000x128xf32>
    %slice3A_268 = vector.extract_strided_slice %add3A_267 {offsets = [0, 0], sizes = [10000, 64], strides = [1, 1]} : vector<10000x128xf32> to vector<10000x64xf32>
    %slice3A_269 = vector.extract_strided_slice %add3A_267 {offsets = [0, 64], sizes = [10000, 64], strides = [1, 1]} : vector<10000x128xf32> to vector<10000x64xf32>
    %concatenate3A_270 = tpu.concatenate %slice3A_268, %slice3A_269 in 0 : vector<10000x64xf32>, vector<10000x64xf32> -> vector<20000x64xf32>
    %swap3A_271 = arith.constant 0 : index
    %swap3A_272 = arith.constant 0 : index
    %swap3A_273 = vector.load %arg22[%swap3A_271, %swap3A_272] : memref<20000x64xf32, #tpu.memory_space<vmem>>, vector<20000x64xf32>
    tpu.vector_store %arg22[%swap3A_271, %swap3A_272], %concatenate3A_270 {strides = array<i32>} : memref<20000x64xf32, #tpu.memory_space<vmem>>, vector<20000x64xf32>,
    return
  }
}

module attributes {stable_mosaic.version = 14 : i64} {
  func.func @body(%arg0: memref<20000x64xf32, #tpu.memory_space<vmem>>, %arg1: memref<2x10000x64xf32, #tpu.memory_space<vmem>>, %arg2: memref<1x1xf32, #tpu.memory_space<vmem>>, %arg3: memref<128x256xf32, #tpu.memory_space<vmem>>, %arg4: memref<1x256xf32, #tpu.memory_space<vmem>>, %arg5: memref<1x256xf32, #tpu.memory_space<vmem>>, %arg6: memref<1x256xf32, #tpu.memory_space<vmem>>, %arg7: memref<256x128xf32, #tpu.memory_space<vmem>>, %arg8: memref<1x128xf32, #tpu.memory_space<vmem>>, %arg9: memref<1x128xf32, #tpu.memory_space<vmem>>, %arg10: memref<1x128xf32, #tpu.memory_space<vmem>>, %arg11: memref<10000x128xf32, #tpu.memory_space<vmem>>) attributes {dimension_semantics = [], scalar_prefetch = 0 : i64, scratch_operands = 0 : i64, tpu.core_type = #tpu.core_type<tc>} {
    %get3A = arith.constant 0 : index
    %get3A_0 = arith.constant 0 : index
    %get3A_1 = vector.load %arg2[%get3A, %get3A_0] : memref<1x1xf32, #tpu.memory_space<vmem>>, vector<1x1xf32>
    %get3A_2 = vector.extract %get3A_1[0, 0] : f32 from vector<1x1xf32>
    %add3A = arith.constant 1.000000e+00 : f32
    %add3A_3 = arith.addf %add3A, %get3A_2 : f32
    %get3A_4 = arith.constant 0 : index
    %get3A_5 = arith.constant 0 : index
    %get3A_6 = vector.load %arg0[%get3A_4, %get3A_5] : memref<20000x64xf32, #tpu.memory_space<vmem>>, vector<20000x64xf32>
    %slice3A = vector.extract_strided_slice %get3A_6 {offsets = [0, 0], sizes = [10000, 64], strides = [1, 1]} : vector<20000x64xf32> to vector<10000x64xf32>
    %mul3A = vector.broadcast %add3A_3 : f32 to vector<10000x64xf32>
    %mul3A_7 = arith.mulf %mul3A, %slice3A : vector<10000x64xf32>
    %get3A_8 = arith.constant 0 : index
    %get3A_9 = arith.constant 0 : index
    %get3A_10 = arith.constant 0 : index
    %get3A_11 = vector.load %arg1[%get3A_8, %get3A_9, %get3A_10] : memref<2x10000x64xf32, #tpu.memory_space<vmem>>, vector<1x10000x64xf32>
    %get3A_12 = vector.shape_cast %get3A_11 : vector<1x10000x64xf32> to vector<10000x64xf32>
    %add3A_13 = arith.addf %mul3A_7, %get3A_12 : vector<10000x64xf32>
    %slice3A_14 = vector.extract_strided_slice %get3A_6 {offsets = [10000, 0], sizes = [10000, 64], strides = [1, 1]} : vector<20000x64xf32> to vector<10000x64xf32>
    %mul3A_15 = vector.broadcast %add3A_3 : f32 to vector<10000x64xf32>
    %mul3A_16 = arith.mulf %mul3A_15, %slice3A_14 : vector<10000x64xf32>
    %get3A_17 = arith.constant 1 : index
    %get3A_18 = arith.constant 0 : index
    %get3A_19 = arith.constant 0 : index
    %get3A_20 = vector.load %arg1[%get3A_17, %get3A_18, %get3A_19] : memref<2x10000x64xf32, #tpu.memory_space<vmem>>, vector<1x10000x64xf32>
    %get3A_21 = vector.shape_cast %get3A_20 : vector<1x10000x64xf32> to vector<10000x64xf32>
    %add3A_22 = arith.addf %mul3A_16, %get3A_21 : vector<10000x64xf32>
    %concatenate3A = tpu.concatenate %add3A_13, %add3A_22 in 1 : vector<10000x64xf32>, vector<10000x64xf32> -> vector<10000x128xf32>
    %get3A_23 = arith.constant 0 : index
    %get3A_24 = arith.constant 0 : index
    %get3A_25 = vector.load %arg3[%get3A_23, %get3A_24] : memref<128x256xf32, #tpu.memory_space<vmem>>, vector<128x256xf32>
    %dot_general3A = arith.constant dense<0.000000e+00> : vector<10000x256xf32>
    %dot_general3A_26 = tpu.matmul %concatenate3A, %get3A_25, %dot_general3A {dimension_numbers = #tpu.dot_dimension_numbers<[1], [0], [0], [1], [0, 0, 1, 1], [], []>, transpose_lhs_hint = false} : vector<10000x128xf32>, vector<128x256xf32>, vector<10000x256xf32> -> vector<10000x256xf32>
    %get3A_27 = arith.constant 0 : index
    %get3A_28 = arith.constant 0 : index
    %get3A_29 = vector.load %arg4[%get3A_27, %get3A_28] : memref<1x256xf32, #tpu.memory_space<vmem>>, vector<1x256xf32>
    %add3A_30 = vector.broadcast %get3A_29 : vector<1x256xf32> to vector<10000x256xf32>
    %add3A_31 = arith.addf %dot_general3A_26, %add3A_30 : vector<10000x256xf32>
    %get3A_32 = arith.constant 0 : index
    %get3A_33 = arith.constant 0 : index
    %get3A_34 = vector.load %arg5[%get3A_32, %get3A_33] : memref<1x256xf32, #tpu.memory_space<vmem>>, vector<1x256xf32>
    %get3A_35 = arith.constant 0 : index
    %get3A_36 = arith.constant 0 : index
    %get3A_37 = vector.load %arg6[%get3A_35, %get3A_36] : memref<1x256xf32, #tpu.memory_space<vmem>>, vector<1x256xf32>
    %reduce_sum3A = arith.constant dense<0.000000e+00> : vector<256xf32>
    %reduce_sum3A_38 = vector.multi_reduction <add>, %add3A_31, %reduce_sum3A [0] : vector<10000x256xf32> to vector<256xf32>
    %div3A = arith.constant 1.000000e+04 : f32
    %div3A_39 = vector.broadcast %div3A : f32 to vector<256xf32>
    %div3A_40 = arith.divf %reduce_sum3A_38, %div3A_39 : vector<256xf32>
    %jit3A = arith.constant 0 : i32
    %reduce_sum3A_41 = arith.constant dense<0.000000e+00> : vector<256xf32>
    %reduce_sum3A_42 = vector.multi_reduction <add>, %add3A_31, %reduce_sum3A_41 [0] : vector<10000x256xf32> to vector<256xf32>
    %broadcast_in_dim3A = vector.shape_cast %reduce_sum3A_42 : vector<256xf32> to vector<1x256xf32>
    %div3A_43 = arith.constant 1.000000e+04 : f32
    %div3A_44 = vector.broadcast %div3A_43 : f32 to vector<1x256xf32>
    %div3A_45 = arith.divf %broadcast_in_dim3A, %div3A_44 : vector<1x256xf32>
    %sub3A = vector.broadcast %div3A_45 : vector<1x256xf32> to vector<10000x256xf32>
    %sub3A_46 = arith.subf %add3A_31, %sub3A : vector<10000x256xf32>
    %square3A = arith.mulf %sub3A_46, %sub3A_46 : vector<10000x256xf32>
    %convert_element_type3A = arith.sitofp %jit3A : i32 to f32
    %sub3A_47 = arith.constant 1.000000e+04 : f32
    %sub3A_48 = arith.subf %sub3A_47, %convert_element_type3A : f32
    %reduce_sum3A_49 = arith.constant dense<0.000000e+00> : vector<256xf32>
    %reduce_sum3A_50 = vector.multi_reduction <add>, %square3A, %reduce_sum3A_49 [0] : vector<10000x256xf32> to vector<256xf32>
    %div3A_51 = vector.broadcast %sub3A_48 : f32 to vector<256xf32>
    %div3A_52 = arith.divf %reduce_sum3A_50, %div3A_51 : vector<256xf32>
    %gt3A = arith.constant 0.000000e+00 : f32
    %gt3A_53 = arith.cmpf ogt, %sub3A_48, %gt3A : f32
    %jit3A_54 = arith.constant 0x7FC00000 : f32
    %broadcast_in_dim3A_55 = vector.broadcast %jit3A_54 : f32 to vector<256xf32>
    %select_n3A = arith.select %gt3A_53, %div3A_52, %broadcast_in_dim3A_55 : vector<256xf32>
    %broadcast_in_dim3A_56 = vector.shape_cast %div3A_40 : vector<256xf32> to vector<1x256xf32>
    %sub3A_57 = vector.broadcast %broadcast_in_dim3A_56 : vector<1x256xf32> to vector<10000x256xf32>
    %sub3A_58 = arith.subf %add3A_31, %sub3A_57 : vector<10000x256xf32>
    %add3A_59 = arith.constant 9.99999974E-6 : f32
    %add3A_60 = vector.broadcast %add3A_59 : f32 to vector<256xf32>
    %add3A_61 = arith.addf %select_n3A, %add3A_60 : vector<256xf32>
    %sqrt3A = math.sqrt %add3A_61 : vector<256xf32>
    %broadcast_in_dim3A_62 = vector.shape_cast %sqrt3A : vector<256xf32> to vector<1x256xf32>
    %div3A_63 = vector.broadcast %broadcast_in_dim3A_62 : vector<1x256xf32> to vector<10000x256xf32>
    %div3A_64 = arith.divf %sub3A_58, %div3A_63 : vector<10000x256xf32>
    %mul3A_65 = vector.broadcast %get3A_34 : vector<1x256xf32> to vector<10000x256xf32>
    %mul3A_66 = arith.mulf %div3A_64, %mul3A_65 : vector<10000x256xf32>
    %add3A_67 = vector.broadcast %get3A_37 : vector<1x256xf32> to vector<10000x256xf32>
    %add3A_68 = arith.addf %mul3A_66, %add3A_67 : vector<10000x256xf32>
    %max3A = arith.constant 0.000000e+00 : f32
    %max3A_69 = vector.broadcast %max3A : f32 to vector<10000x256xf32>
    %max3A_70 = arith.maximumf %add3A_68, %max3A_69 : vector<10000x256xf32>
    %get3A_71 = arith.constant 0 : index
    %get3A_72 = arith.constant 0 : index
    %get3A_73 = vector.load %arg7[%get3A_71, %get3A_72] : memref<256x128xf32, #tpu.memory_space<vmem>>, vector<256x128xf32>
    %dot_general3A_74 = arith.constant dense<0.000000e+00> : vector<10000x128xf32>
    %dot_general3A_75 = tpu.matmul %max3A_70, %get3A_73, %dot_general3A_74 {dimension_numbers = #tpu.dot_dimension_numbers<[1], [0], [0], [1], [0, 0, 1, 1], [], []>, transpose_lhs_hint = false} : vector<10000x256xf32>, vector<256x128xf32>, vector<10000x128xf32> -> vector<10000x128xf32>
    %get3A_76 = arith.constant 0 : index
    %get3A_77 = arith.constant 0 : index
    %get3A_78 = vector.load %arg8[%get3A_76, %get3A_77] : memref<1x128xf32, #tpu.memory_space<vmem>>, vector<1x128xf32>
    %add3A_79 = vector.broadcast %get3A_78 : vector<1x128xf32> to vector<10000x128xf32>
    %add3A_80 = arith.addf %dot_general3A_75, %add3A_79 : vector<10000x128xf32>
    %get3A_81 = arith.constant 0 : index
    %get3A_82 = arith.constant 0 : index
    %get3A_83 = vector.load %arg9[%get3A_81, %get3A_82] : memref<1x128xf32, #tpu.memory_space<vmem>>, vector<1x128xf32>
    %get3A_84 = arith.constant 0 : index
    %get3A_85 = arith.constant 0 : index
    %get3A_86 = vector.load %arg10[%get3A_84, %get3A_85] : memref<1x128xf32, #tpu.memory_space<vmem>>, vector<1x128xf32>
    %reduce_sum3A_87 = arith.constant dense<0.000000e+00> : vector<128xf32>
    %reduce_sum3A_88 = vector.multi_reduction <add>, %add3A_80, %reduce_sum3A_87 [0] : vector<10000x128xf32> to vector<128xf32>
    %div3A_89 = arith.constant 1.000000e+04 : f32
    %div3A_90 = vector.broadcast %div3A_89 : f32 to vector<128xf32>
    %div3A_91 = arith.divf %reduce_sum3A_88, %div3A_90 : vector<128xf32>
    %jit3A_92 = arith.constant 0 : i32
    %reduce_sum3A_93 = arith.constant dense<0.000000e+00> : vector<128xf32>
    %reduce_sum3A_94 = vector.multi_reduction <add>, %add3A_80, %reduce_sum3A_93 [0] : vector<10000x128xf32> to vector<128xf32>
    %broadcast_in_dim3A_95 = vector.shape_cast %reduce_sum3A_94 : vector<128xf32> to vector<1x128xf32>
    %div3A_96 = arith.constant 1.000000e+04 : f32
    %div3A_97 = vector.broadcast %div3A_96 : f32 to vector<1x128xf32>
    %div3A_98 = arith.divf %broadcast_in_dim3A_95, %div3A_97 : vector<1x128xf32>
    %sub3A_99 = vector.broadcast %div3A_98 : vector<1x128xf32> to vector<10000x128xf32>
    %sub3A_100 = arith.subf %add3A_80, %sub3A_99 : vector<10000x128xf32>
    %square3A_101 = arith.mulf %sub3A_100, %sub3A_100 : vector<10000x128xf32>
    %convert_element_type3A_102 = arith.sitofp %jit3A_92 : i32 to f32
    %sub3A_103 = arith.constant 1.000000e+04 : f32
    %sub3A_104 = arith.subf %sub3A_103, %convert_element_type3A_102 : f32
    %reduce_sum3A_105 = arith.constant dense<0.000000e+00> : vector<128xf32>
    %reduce_sum3A_106 = vector.multi_reduction <add>, %square3A_101, %reduce_sum3A_105 [0] : vector<10000x128xf32> to vector<128xf32>
    %div3A_107 = vector.broadcast %sub3A_104 : f32 to vector<128xf32>
    %div3A_108 = arith.divf %reduce_sum3A_106, %div3A_107 : vector<128xf32>
    %gt3A_109 = arith.constant 0.000000e+00 : f32
    %gt3A_110 = arith.cmpf ogt, %sub3A_104, %gt3A_109 : f32
    %jit3A_111 = arith.constant 0x7FC00000 : f32
    %broadcast_in_dim3A_112 = vector.broadcast %jit3A_111 : f32 to vector<128xf32>
    %select_n3A_113 = arith.select %gt3A_110, %div3A_108, %broadcast_in_dim3A_112 : vector<128xf32>
    %broadcast_in_dim3A_114 = vector.shape_cast %div3A_91 : vector<128xf32> to vector<1x128xf32>
    %sub3A_115 = vector.broadcast %broadcast_in_dim3A_114 : vector<1x128xf32> to vector<10000x128xf32>
    %sub3A_116 = arith.subf %add3A_80, %sub3A_115 : vector<10000x128xf32>
    %add3A_117 = arith.constant 9.99999974E-6 : f32
    %add3A_118 = vector.broadcast %add3A_117 : f32 to vector<128xf32>
    %add3A_119 = arith.addf %select_n3A_113, %add3A_118 : vector<128xf32>
    %sqrt3A_120 = math.sqrt %add3A_119 : vector<128xf32>
    %broadcast_in_dim3A_121 = vector.shape_cast %sqrt3A_120 : vector<128xf32> to vector<1x128xf32>
    %div3A_122 = vector.broadcast %broadcast_in_dim3A_121 : vector<1x128xf32> to vector<10000x128xf32>
    %div3A_123 = arith.divf %sub3A_116, %div3A_122 : vector<10000x128xf32>
    %mul3A_124 = vector.broadcast %get3A_83 : vector<1x128xf32> to vector<10000x128xf32>
    %mul3A_125 = arith.mulf %div3A_123, %mul3A_124 : vector<10000x128xf32>
    %add3A_126 = vector.broadcast %get3A_86 : vector<1x128xf32> to vector<10000x128xf32>
    %add3A_127 = arith.addf %mul3A_125, %add3A_126 : vector<10000x128xf32>
    %swap3A = arith.constant 0 : index
    %swap3A_128 = arith.constant 0 : index
    %swap3A_129 = vector.load %arg11[%swap3A, %swap3A_128] : memref<10000x128xf32, #tpu.memory_space<vmem>>, vector<10000x128xf32>
    tpu.vector_store %arg11[%swap3A, %swap3A_128], %add3A_127 {strides = array<i32>} : memref<10000x128xf32, #tpu.memory_space<vmem>>, vector<10000x128xf32>,
    return
  }
}

</mosaic_0001>

<sc_bundles>
// kernel: gather_offload_async_start.1
scs
__scs_entry_jumppad:
0x0: {  	(pc) =	sbr.rel $0x88, $3  }
0x1: {  	(tag) =	ssettag $0x0;
	lr =	simm.s32 $0x1  }
0x2: {  	[smem:$0x3F68] =	sst lr;
	_ =	strace $0xD0000000  }
0x3: {  	_ = 	snop  }
0x4: {  	_ = 	snop  }
0x5: {  	_ = 	snop  }
0x6: {  	_ = 	snop  }
0x7: {  	_ = 	snop  }
__scs_overlays_trampoline_lowered:
0x8: {  	[smem:$0x3F77] =	sst s0  }
0x9: {  	[smem:$0x3F78] =	sst s1  }
0xa: {  	[smem:$0x3F79] =	sst s2  }
0xb: {  	[smem:$0x3F7A] =	sst s3  }
0xc: {  	[smem:$0x3F7B] =	sst s4  }
0xd: {  	[smem:$0x3F7C] =	sst s5  }
0xe: {  	[smem:$0x3F7D] =	sst s6  }
0xf: {  	[smem:$0x3F7E] =	sst s7  }
0x10: {  	[smem:$0x3F7F] =	sst s8  }
0x11: {  	[smem:$0x3F80] =	sst s9;
	s0 =	simm.s32 @!p0 $0x0  }
0x12: {  	s1 =	sld [smem:$0x3F66];
	s0 =	simm.s32 @p0 $0x1  }
0x13: {  	[smem:$0x3F81] =	sst s0;
	s0 =	simm.s32 @!p1 $0x0  }
0x14: {  	s2 =	sld [smem:$0x3F65];
	s0 =	simm.s32 @p1 $0x1  }
0x15: {  	[smem:$0x3F82] =	sst s0;
	s0 =	simm.s32 @!p2 $0x0  }
0x16: {  	s3 =	sld [smem:$0x3FDB];
	s0 =	simm.s32 @p2 $0x1  }
0x17: {  	s4 =	simm.s32 $0x1BF5;
	[smem:$0x3F84] =	sst s0  }
0x18: {  	s0 =	sld [smem:$0x3F67];
	_ =	swait.ge [sflag:s4], $0x0  }
0x19: {  	s7 =	sld [smem:$0x3F68]  }
0x1a: {  	s8 =	sadd.s32 $0xFFFFE003, lr  }
0x1b: {  	s9 =	sadd.s32 $0xFFFFFEF7, lr;
	s5 =	simm.s32 $0xFFFFFFFF;
	p2 =	slt.u32 s8, $0xFFFFF086  }
0x1c: {  	p1 =	slt.u32 s9, $0xF7A;
	s5 =	simm.s32 @!p2 $0x0  }
0x1d: {  	s5 =	simm.s32 @p1 $0x1;
	p0 =	seq.s32 s7, s2  }
0x1e: {  	s7 =	smul.u32 @!p0 $0xF7A, s2;
	p2 =	seq.s32 @!p0 s5, $0x0  }
0x1f: {  	s9 =	smul.u32 $0xF7A, s1;
	s8 =	simm.s32 @!p0 $0x1BF5;
	p2 =	por !p2, p0  }
0x20: {  	[sflag:s8] =	ssyncset.s32 @!p0 $0xFFFFF086;
	s6 =	sadd.s32 @!p0 s3, s7;
	s7 =	simm.s32 @!p0 $0x108  }
0x21: {  	s3 =	sadd.s32 s3, s9;
	s6 =	sadd.s32 @!p0 $0x88, s6;
	s7 =	simm.s32 @p2 $0x1082  }
0x22: {  	[simem:s7], [sflag:s8] =	dma.local @!p0 [hbm:s6], $0xF7A  }
0x23: {  	s9 =	sor.u32 $0xD0000000, s2;
	s6 =	simm.s32 $0x108;
	_ =	swait.ge @!p0 [sflag:s8], $0x0  }
0x24: {  	s3 =	sadd.s32 $0x88, s3;
	s6 =	simm.s32 @!p1 $0x1082;
	[sflag:s4] =	ssyncset.s32 $0xFFFFF086  }
0x25: {  	[simem:s6], [sflag:s4] =	dma.local [hbm:s3], $0xF7A  }
0x26: {  	[smem:$0x3F68] =	sst s1;
	(tag) =	ssettag s2;
	_ =	strace s9  }
0x27: {  	s1 =	sld [smem:$0x3F78]  }
0x28: {  	s2 =	sld [smem:$0x3F79]  }
0x29: {  	s4 =	sld [smem:$0x3F7B]  }
0x2a: {  	p0 =	seq.s32 s5, $0x0;
	s5 =	sld [smem:$0x3F7C]  }
0x2b: {  	s6 =	sld [smem:$0x3F7D]  }
0x2c: {  	s7 =	sld [smem:$0x3F7E]  }
0x2d: {  	s3 =	simm.s32 $0x108;
	s8 =	sld [smem:$0x3F7F]  }
0x2e: {  	s3 =	simm.s32 @!p0 $0x1082;
	s9 =	sld [smem:$0x3F80]  }
0x2f: {  	lr =	sadd.s32 s0, s3;
	s0 =	sld [smem:$0x3F77]  }
0x30: {  	s3 =	sld [smem:$0x3F7A]  }
0x31: {  	[smem:$0x3F83] =	sst s10  }
0x32: {  	s10 =	sld [smem:$0x3F81];
	_ =	sdelay $0x3  }
0x33: {  	p0 =	seq.s32 s10, $0x1;
	s10 =	sld [smem:$0x3F83];
	_ =	sdelay $0x3  }
0x34: {  	[smem:$0x3F83] =	sst s10  }
0x35: {  	s10 =	sld [smem:$0x3F82];
	_ =	sdelay $0x3  }
0x36: {  	p1 =	seq.s32 s10, $0x1;
	s10 =	sld [smem:$0x3F83];
	_ =	sdelay $0x3  }
0x37: {  	[smem:$0x3F83] =	sst s10  }
0x38: {  	s10 =	sld [smem:$0x3F84]  }
0x39: {  	_ = 	snop;
	(pc) =	sbr.ind lr, $3  }
0x3a: {  	_ = 	snop  }
0x3b: {  	_ = 	snop  }
0x3c: {  	p2 =	seq.s32 s10, $0x1;
	s10 =	sld [smem:$0x3F83]  }
0x3d: {  	_ =	shalt  }
0x3e: {  	_ =	shalt  }
0x3f: {  	_ =	shalt  }
0x40: {  	_ =	shalt  }
0x41: {  	_ =	shalt  }
0x42: {  	_ =	shalt  }
0x43: {  	_ =	shalt  }
0x44: {  	_ =	shalt  }
0x45: {  	_ =	shalt  }
0x46: {  	_ =	shalt  }
0x47: {  	_ =	shalt  }
0x48: {  	_ =	shalt  }
0x49: {  	_ =	shalt  }
0x4a: {  	_ =	shalt  }
0x4b: {  	_ =	shalt  }
0x4c: {  	_ =	shalt  }
0x4d: {  	_ =	shalt  }
0x4e: {  	_ =	shalt  }
0x4f: {  	_ =	shalt  }
0x50: {  	_ =	shalt  }
0x51: {  	_ =	shalt  }
0x52: {  	_ =	shalt  }
0x53: {  	_ =	shalt  }
0x54: {  	_ =	shalt  }
0x55: {  	_ =	shalt  }
0x56: {  	_ =	shalt  }
0x57: {  	_ =	shalt  }
0x58: {  	_ =	shalt  }
0x59: {  	_ =	shalt  }
0x5a: {  	_ =	shalt  }
0x5b: {  	_ =	shalt  }
0x5c: {  	_ =	shalt  }
0x5d: {  	_ =	shalt  }
0x5e: {  	_ =	shalt  }
0x5f: {  	_ =	shalt  }
0x60: {  	_ =	shalt  }
0x61: {  	_ =	shalt  }
0x62: {  	_ =	shalt  }
0x63: {  	_ =	shalt  }
0x64: {  	_ =	shalt  }
0x65: {  	_ =	shalt  }
0x66: {  	_ =	shalt  }
0x67: {  	_ =	shalt  }
0x68: {  	_ =	shalt  }
0x69: {  	_ =	shalt  }
0x6a: {  	_ =	shalt  }
0x6b: {  	_ =	shalt  }
0x6c: {  	_ =	shalt  }
0x6d: {  	_ =	shalt  }
0x6e: {  	_ =	shalt  }
0x6f: {  	_ =	shalt  }
0x70: {  	_ =	shalt  }
0x71: {  	_ =	shalt  }
0x72: {  	_ =	shalt  }
0x73: {  	_ =	shalt  }
0x74: {  	_ =	shalt  }
0x75: {  	_ =	shalt  }
0x76: {  	_ =	shalt  }
0x77: {  	_ =	shalt  }
0x78: {  	_ =	shalt  }
0x79: {  	_ =	shalt  }
0x7a: {  	_ =	shalt  }
0x7b: {  	_ =	shalt  }
0x7c: {  	_ =	shalt  }
0x7d: {  	_ =	shalt  }
0x7e: {  	_ =	shalt  }
0x7f: {  	_ =	shalt  }
0x80: {  	_ =	shalt  }
0x81: {  	_ =	shalt  }
0x82: {  	_ =	shalt  }
0x83: {  	_ =	shalt  }
0x84: {  	_ =	shalt  }
0x85: {  	_ =	shalt  }
0x86: {  	_ =	shalt  }
0x87: {  	_ =	shalt  }
.Lfunc_end0:
.L_simem_size_0:
called_computation.1_lowered:
.L_overlay_start_0:
0x88: {  	s2 =	sld [smem:$0x3FD9]  }
0x89: {  	s3 =	sld [smem:$0x3FFE];
	_ =	sdelay $0x1  }
0x8a: {  	s1 =	srdreg.scid  }
0x8b: {  	s0 =	sand.u32 $0x1, s1  }
0x8c: {  	s16 =	sshll.u32 s0, $0xA;
	s2 =	sadd.s32 s3, s2  }
0x8d: {  	s2 =	sadd.s32 s2, s16  }
0x8e: {  	[smem:$0x3F8F] =	sst s2  }
0x8f: {  	_ = 	snop  }
0x90: {  	(tm) =	ssettm $0x1  }
0x91: {  	s17 =	sld [smem:$0x3FFB];
	_ =	sdelay $0x3  }
0x92: {  	_ =	strace s17  }
0x93: {  	s2 =	sld [smem:$0x3FFC];
	_ =	sdelay $0x3  }
0x94: {  	_ =	strace s2  }
0x95: {  	s2 =	sld [smem:$0x3FFD];
	_ =	sdelay $0x3  }
0x96: {  	_ =	strace s2  }
0x97: {  	_ =	strace $0x8FFFFFFF  }
0x98: {  	s18 =	sld [smem:$0x3FDB];
	_ =	sdelay $0x1  }
0x99: {  	s19 =	simm.s32 $_scs_section_size  }
0x9a: {  	s4 =	simm.s32 $_size__tile_overlayer_lowered;
	s5 =	simm.s32 $_tile_overlayer_lowered  }
0x9b: {  	s22 =	simm.s32 $0x1BFF;
	s21 =	sshll.u32 s5, $0x1;
	s2 =	sadd.s32 s19, s18  }
0x9c: {  	s6 =	simm.s32 $0x0;
	s20 =	sshll.u32 s4, $0x1;
	s4 =	sadd.s32 s21, s2  }
0x9d: {  	[timem:s6], [sflag:s22] =	dma.local [hbm:s4], s20  }
0x9e: {  	_ =	swait.ge [sflag:s22], s20  }
0x9f: {  	s3 =	ssub.s32 $0x0, s20;
	[sflag:s22] =	ssyncset.done $0x0  }
0xa0: {  	[sflag:s22] =	ssyncadd.s32 s3;
	_ =	sdelay $0x1  }
0xa1: {  	s23 =	simm.s32 $0x1B8B  }
0xa2: {  	_ =	swait.ge [sflag:s23], $0x1  }
0xa3: {  	[sflag:s23] =	ssyncset.done $0x0  }
0xa4: {  	s25 =	simm.s32 $0x1B8E;
	s24 =	sld [smem:$0x3FFE];
	[sflag:s23] =	ssyncadd.s32 $0xFFFFFFFF  }
0xa5: {  	s26 =	simm.s32 $execute0_lowered;
	[smem:$0x3FD2] =	sst s25  }
0xa6: {  	s4 =	sshll.u32 s26, $0x1;
	_ =	strace $0x8000004C;
	[dreg:$0x1] =	wrdreg $0xFFFFFFFF  }
0xa7: {  	s28 =	simm.s32 $_size_execute0_lowered;
	s2 =	sadd.s32 s2, s4;
	[dreg:$0x0] =	wrdreg $0x0  }
0xa8: {  	s4 =	sshll.u32 s28, $0x1;
	[dreg:$0x2] =	wrdreg s2  }
0xa9: {  	[dreg:$0x3] =	wrdreg s4  }
0xaa: {  	[dreg:$0x4] =	wrdreg $0xC0  }
0xab: {  	_ =	task [dreg:s6], $0x5FFFF  }
0xac: {  	[dreg:$0x1] =	wrdreg $0xFFFFFFFF  }
0xad: {  	[dreg:$0x0] =	wrdreg $0x60  }
0xae: {  	[dreg:$0x2] =	wrdreg s24  }
0xaf: {  	[dreg:$0x3] =	wrdreg $0x9  }
0xb0: {  	_ =	task.clear_ibuf [dreg:s6], $0x4FFFF;
	_ =	strace $0x9000004C  }
0xb1: {  	s29 =	simm.s32 $0x9;
	_ =	strace $0x8000004E  }
0xb2: {  	_ =	swait.ge [sflag:s29], $0x1  }
0xb3: {  	[sflag:s29] =	ssyncadd.s32 $0xFFFFFFFF  }
0xb4: {  	_ =	strace $0x9000004E  }
0xb5: {  	_ =	sfence  }
0xb6: {  	s30 =	sld [smem:$0x0];
	_ =	sdelay $0x2  }
0xb7: {  	s31 =	sshll.u32 s1, $0xD;
	s1 =	sshrl.u32 s1, $0x2  }
0xb8: {  	s3 =	sand.u32 $0x4000, s31;
	s1 =	sadd.s32 s1, s30  }
0xb9: {  	s0 =	sor.u32 s3, s0;
	s1 =	sshll.u32 s1, $0x11  }
0xba: {  	s0 =	sor.u32 s1, s0  }
0xbb: {  	s0 =	sadd.s32 $0x8F2B, s0  }
0xbc: {  	[sflag:s0] =	ssyncadd.remote.s32 $0x1  }
0xbd: {  	_ =	sfence.sel $0xFFFF  }
0xbe: {  	[dreg:$0x0] =	wrdreg $0xFFFFFFFF;
	(pc) =	sbr.abs _section_cstart, $3  }
0xbf: {  	[dreg:$0x1] =	wrdreg $0xFFFFFFFF  }
0xc0: {  	_ =	task.clear_ibuf [dreg:s6], $0x2FFFF;
	_ =	strace $0x9FFFFFFF  }
0xc1: {  	(tm) =	ssettm $0x7FFFFFFF  }
tec
execute0_lowered:
.L_overlay_start_1:
0x0: {  	(tag) =	ssettag $0x1  }
0x1: {  	s8 =	rddreg [dreg:$0x0]  }
0x2: {  	s0 =	rddreg [dreg:$0x1];
	_ =	strace $0x8000004D;
	s1 =	stileid.u32  }
0x3: {  	s3 =	srdreg.scid;
	s4 =	simm.s32 $0x1;
	s7 =	simm.s32 $0x1  }
0x4: {  	s9 =	simm.s32 $0x1;
	s10 =	simm.s32 $0x3;
	s13 =	simm.s32 $0x0  }
0x5: {  	s12 =	simm.s32 $0x0;
	s5 =	sand.u32 $0x1, s3;
	s6 =	sshll.u32 s1, $0x1  }
0x6: {  	s2 =	sadd.s32 $0xC400, s8;
	s3 =	sadd.s32 $0x16200, s8;
	s5 =	sor.u32 s6, s5  }
.Ltmp0:
0x7: {  	[sflag:s4] =	ssyncpa.u1 $0x0;
	p0 =	slt.u32 s5, $0x9;
	(pc) =	sbr.rel .LBB2_1-.Ltmp0, $4  }
0x8: {  	s6 =	simm.s32 $0x2;
	s7 =	simm.s32 @!p0 $0x0;
	p0 =	sne.s32 s5, $0x8  }
0x9: {  	[sflag:s6] =	ssyncpa.u1 $0x0;
	s5 =	smul.u32 $0x1F40, s5;
	s9 =	simm.s32 @!p0 $0x0  }
0xa: {  	s8 =	sadd.s32 $0x2600, s8;
	[sflag:s10] =	ssyncpa.u1 $0x0;
	s7 =	sadd.s32 s9, s7  }
0xb: {  	vm0 =	vmmov $0xffff;
	s10 =	simm.s32 $0x0;
	s11 =	smov.u32 s5;
	s9 =	sadd.s32 $0x1, s7  }
.LBB2_4:
0xc: {  	v2 =	vnsel vm1, $0x0, v2  }
0xd: {  	vm1 =	vgt.s32 v0, $0x0;
	v2 =	vmin.u32 v2, $0x4E1FF  }
0xe: {  	v0 =	vnsel vm1, $0x0, v0  }
0xf: {  	v0 =	vmin.u32 v0, $0x4E1FF  }
0x10: {  	[tilespmem:s18], [sflag:$0x1] =	stream.indirect_vreg.gather [hbm4b:s2+s10], $0x1, v1, vm0, $0x4038;
	[tilespmem:$0x7D00] =	vst v63  }
0x11: {  	(ifvalue) =	ssetifvalue $0x7FFFFFFF  }
0x12: {  	[tilespmem:s15], [sflag:$0x1] =	stream.indirect_vreg.gather [hbm4b:s2+s10], $0x1, v2, vm0, $0x4038;
	[tilespmem:$0x7D00] =	vst v63  }
0x13: {  	s29 =	sadd.s32 $0x10, s15;
	(ifvalue) =	ssetifvalue $0x7FFFFFFF  }
0x14: {  	[tilespmem:s29], [sflag:$0x1] =	stream.indirect_vreg.gather [hbm4b:s2+s10], $0x1, v0, vm0, $0x4038;
	[tilespmem:$0x7D00] =	vst v63  }
0x15: {  	_ =	swait.ge [sflag:s4], $0x1F40  }
0x16: {  	s30 =	sshrl.u32 s13, $0x3;
	[sflag:s4] =	ssyncset.done $0x0  }
0x17: {  	s31 =	sand.u32 $0x7, s13;
	s15 =	sadd.s32 s8, s30;
	[sflag:s4] =	ssyncadd.s32 $0xFFFFE0C0  }
0x18: {  	[hbm4b:s15+s31] =	stream.linear.scatter [tilespmem:s14], [sflag:$0x3], $0x1F40, $0x38;
	[tilespmem:$0x7D00] =	vst v63  }
.LBB2_5:
0x19: {  	s15 =	sadd.s32 $0x3E800, s11  }
0x1a: {  	p1 =	sgt.s32 s15, $0x4E1FF  }
0x1b: {  	s15 =	smov.u32 @p1 s5;
	p1 =	sne.s32 s12, s9  }
.Ltmp1:
0x1c: {  	p0 =	slt.u32 s12, $0x2;
	(pc) =	sbr.rel @!p1 .LBB2_6-.Ltmp1, $4  }
0x1d: {  	s14 =	simm.s32 @!p0 $0x3  }
0x1e: {  	_ =	swait.ge @!p0 [sflag:s14], $0x1F40  }
0x1f: {  	s16 =	sadd.s32 $0x1, s12;
	s13 =	smov.u32 s11;
	[sflag:s14] =	ssyncset.done @!p0 $0x0  }
0x20: {  	s12 =	smov.u32 s16;
	s11 =	smov.u32 s15;
	[sflag:s14] =	ssyncadd.s32 @!p0 $0xFFFFE0C0  }
.LBB2_1:
0x21: {  	p0 =	sge.u32 s12, s7  }
0x22: {  	s14 =	sxor.u32 @!p0 $0x1, s12  }
0x23: {  	s14 =	smul.u32 @!p0 $0x7D00, s14  }
0x24: {  	s31 =	sadd.s32 $0xFFFFFFFF, s12;
	s15 =	sshrl.u32 @!p0 s11, $0x3  }
0x25: {  	s16 =	sand.u32 @!p0 $0x7, s11;
	s15 =	sadd.s32 @!p0 s3, s15;
	s14 =	sshra.s32 @!p0 s14, $0x2  }
0x26: {  	[tilespmem:s14], [sflag:$0x2] =	stream.linear.gather @!p0 [hbm4b:s15+s16], $0x1F40, $0x38;
	[tilespmem:$0x7D00] =	vst v63  }
0x27: {  	p0 =	sge.u32 s31, s7  }
.Ltmp2:
0x28: {  	_ = 	snop;
	(pc) =	sbr.rel @p0 .LBB2_5-.Ltmp2, $1  }
0x29: {  	_ =	sdelay $0x3  }
0x2a: {  	s14 =	sand.u32 $0x1, s12  }
0x2b: {  	_ =	swait.ge [sflag:s6], $0x1F40;
	p0 =	seq.s32 s14, $0x1;
	s14 =	simm.s32 $0x1F40  }
0x2c: {  	[sflag:s6] =	ssyncset.done $0x0;
	s14 =	simm.s32 @!p0 $0x0  }
0x2d: {  	[sflag:s6] =	ssyncadd.s32 $0xFFFFE0C0;
	(ifvalue) =	ssetifvalue $0x7FFFFFFF;
	v0 =	vld.msk [tilespmem:s14+$0x0 ss:$0x1], $0xffff;
	_ =	sdelay $0x4  }
0x2e: {  	s15 =	sadd.s32 $0x10, s14;
	vm1 =	vgt.s32 v0, $0x0  }
0x2f: {  	v2 =	vld.msk [tilespmem:s15+$0x0 ss:$0x1], $0xffff;
	v1 =	vnsel vm1, $0x0, v0  }
0x30: {  	v1 =	vmin.u32 v1, $0x4E1FF;
	_ =	sdelay $0x2  }
0x31: {  	s17 =	simm.s32 $0x20;
	s14 =	sadd.s32 $0x3E80, s14;
	s16 =	sadd.s32 $0x10, s15  }
0x32: {  	s15 =	sadd.s32 $0x10, s14;
	s18 =	smov.u32 s14;
	v0 =	vld.msk [tilespmem:s16+$0x0 ss:$0x1], $0xffff;
	vm1 =	vgt.s32 v2, $0x0;
	(ifvalue) =	ssetifvalue $0x7FFFFFFF  }
.LBB2_3:
0x33: {  	[tilespmem:s18], [sflag:$0x1] =	stream.indirect_vreg.gather [hbm4b:s2+s10], $0x1, v1, vm0, $0x4038;
	[tilespmem:$0x7D00] =	vst v63  }
0x34: {  	s17 =	sadd.s32 $0x10, s17  }
0x35: {  	v2 =	vnsel vm1, $0x0, v2;
	p0 =	slt.u32 s17, $0x1F30  }
.Ltmp3:
0x36: {  	s18 =	smov.u32 s15;
	v1 =	vmin.u32 v2, $0x4E1FF;
	(pc) =	sbr.rel @p0 .LBB2_3-.Ltmp3, $3  }
0x37: {  	_ =	sdelay $0x1  }
0x38: {  	s16 =	sadd.s32 $0x10, s16  }
0x39: {  	vm1 =	vgt.s32 v0, $0x0;
	s15 =	sadd.s32 $0x10, s15;
	v2 =	vmov v0;
	(ifvalue) =	ssetifvalue $0x7FFFFFFF;
	v0 =	vld.msk [tilespmem:s16+$0x0 ss:$0x1], $0xffff  }
.Ltmp4:
0x3a: {  	_ = 	snop;
	(pc) =	sbr.rel .LBB2_4-.Ltmp4, $1  }
0x3b: {  	_ =	sdelay $0x3  }
.LBB2_6:
0x3c: {  	_ =	sfence.sel $0x180000  }
0x3d: {  	s2 =	simm.s32 $0x2;
	[bflag:$0x0] =	sbarrier.arrive $0xFFFF  }
0x3e: {  	s30 =	simm.s32 $0x3;
	[sflag:s2] =	ssyncpa.u1 $0x1  }
0x3f: {  	s31 =	simm.s32 $0x1;
	[sflag:s30] =	ssyncpa.u1 $0x1  }
0x40: {  	[sflag:s31] =	ssyncpa.u1 $0x1  }
0x41: {  	p0 =	sne.s32 s1, $0x0;
	_ =	strace $0x9000004D  }
0x42: {  	s0 =	sadd.s32 @!p0 $0x100000, s0;
	[bflag:$0x2] =	sbarrier.arrive $0xFFFF  }
0x43: {  	[sflag:s0] =	ssyncadd.tile.s32 @!p0 $0x1;
	_ =	shalt  }
.Lfunc_end2:
_tile_overlayer_lowered:
.L_overlay_start_2:
0x44: {  	(tag) =	ssettag $0x2  }
0x45: {  	s0 =	rddreg [dreg:$0x0];
	s2 =	stileid.u32  }
0x46: {  	s1 =	rddreg [dreg:$0x1];
	p0 =	sne.s32 s2, $0x0  }
0x47: {  	s3 =	rddreg [dreg:$0x2];
	[bflag:$0x3] =	sbarrier.arrive $0xFFFF;
	s2 =	simm.s32 @!p0 $0x1C01  }
0x48: {  	[timem:s3], [sflag:s2] =	dma.local @!p0 [hbm:s0], s1  }
0x49: {  	s0 =	simm.s32 @!p0 $0x1  }
0x4a: {  	_ =	swait.ge @!p0 [sflag:s0], s1  }
0x4b: {  	s1 =	ssub.s32 @!p0 $0x0, s1;
	[sflag:s0] =	ssyncset.done @!p0 $0x0  }
0x4c: {  	[sflag:s0] =	ssyncadd.s32 @!p0 s1  }
0x4d: {  	[bflag:$0x3] =	sbarrier.arrive $0xFFFF  }
0x4e: {  	_ =	shalt  }

// kernel: gather_offload_async_start.2
scs
__scs_entry_jumppad:
0x0: {  	(pc) =	sbr.rel $0x88, $3  }
0x1: {  	(tag) =	ssettag $0x0;
	lr =	simm.s32 $0x1  }
0x2: {  	[smem:$0x3F68] =	sst lr;
	_ =	strace $0xD0000000  }
0x3: {  	_ = 	snop  }
0x4: {  	_ = 	snop  }
0x5: {  	_ = 	snop  }
0x6: {  	_ = 	snop  }
0x7: {  	_ = 	snop  }
__scs_overlays_trampoline_lowered:
0x8: {  	[smem:$0x3F77] =	sst s0  }
0x9: {  	[smem:$0x3F78] =	sst s1  }
0xa: {  	[smem:$0x3F79] =	sst s2  }
0xb: {  	[smem:$0x3F7A] =	sst s3  }
0xc: {  	[smem:$0x3F7B] =	sst s4  }
0xd: {  	[smem:$0x3F7C] =	sst s5  }
0xe: {  	[smem:$0x3F7D] =	sst s6  }
0xf: {  	[smem:$0x3F7E] =	sst s7  }
0x10: {  	[smem:$0x3F7F] =	sst s8  }
0x11: {  	[smem:$0x3F80] =	sst s9;
	s0 =	simm.s32 @!p0 $0x0  }
0x12: {  	s1 =	sld [smem:$0x3F66];
	s0 =	simm.s32 @p0 $0x1  }
0x13: {  	[smem:$0x3F81] =	sst s0;
	s0 =	simm.s32 @!p1 $0x0  }
0x14: {  	s2 =	sld [smem:$0x3F65];
	s0 =	simm.s32 @p1 $0x1  }
0x15: {  	[smem:$0x3F82] =	sst s0;
	s0 =	simm.s32 @!p2 $0x0  }
0x16: {  	s3 =	sld [smem:$0x3FDB];
	s0 =	simm.s32 @p2 $0x1  }
0x17: {  	s4 =	simm.s32 $0x1BF5;
	[smem:$0x3F84] =	sst s0  }
0x18: {  	s0 =	sld [smem:$0x3F67];
	_ =	swait.ge [sflag:s4], $0x0  }
0x19: {  	s7 =	sld [smem:$0x3F68]  }
0x1a: {  	s8 =	sadd.s32 $0xFFFFE003, lr  }
0x1b: {  	s9 =	sadd.s32 $0xFFFFFEF7, lr;
	s5 =	simm.s32 $0xFFFFFFFF;
	p2 =	slt.u32 s8, $0xFFFFF086  }
0x1c: {  	p1 =	slt.u32 s9, $0xF7A;
	s5 =	simm.s32 @!p2 $0x0  }
0x1d: {  	s5 =	simm.s32 @p1 $0x1;
	p0 =	seq.s32 s7, s2  }
0x1e: {  	s7 =	smul.u32 @!p0 $0xF7A, s2;
	p2 =	seq.s32 @!p0 s5, $0x0  }
0x1f: {  	s9 =	smul.u32 $0xF7A, s1;
	s8 =	simm.s32 @!p0 $0x1BF5;
	p2 =	por !p2, p0  }
0x20: {  	[sflag:s8] =	ssyncset.s32 @!p0 $0xFFFFF086;
	s6 =	sadd.s32 @!p0 s3, s7;
	s7 =	simm.s32 @!p0 $0x108  }
0x21: {  	s3 =	sadd.s32 s3, s9;
	s6 =	sadd.s32 @!p0 $0x88, s6;
	s7 =	simm.s32 @p2 $0x1082  }
0x22: {  	[simem:s7], [sflag:s8] =	dma.local @!p0 [hbm:s6], $0xF7A  }
0x23: {  	s9 =	sor.u32 $0xD0000000, s2;
	s6 =	simm.s32 $0x108;
	_ =	swait.ge @!p0 [sflag:s8], $0x0  }
0x24: {  	s3 =	sadd.s32 $0x88, s3;
	s6 =	simm.s32 @!p1 $0x1082;
	[sflag:s4] =	ssyncset.s32 $0xFFFFF086  }
0x25: {  	[simem:s6], [sflag:s4] =	dma.local [hbm:s3], $0xF7A  }
0x26: {  	[smem:$0x3F68] =	sst s1;
	(tag) =	ssettag s2;
	_ =	strace s9  }
0x27: {  	s1 =	sld [smem:$0x3F78]  }
0x28: {  	s2 =	sld [smem:$0x3F79]  }
0x29: {  	s4 =	sld [smem:$0x3F7B]  }
0x2a: {  	p0 =	seq.s32 s5, $0x0;
	s5 =	sld [smem:$0x3F7C]  }
0x2b: {  	s6 =	sld [smem:$0x3F7D]  }
0x2c: {  	s7 =	sld [smem:$0x3F7E]  }
0x2d: {  	s3 =	simm.s32 $0x108;
	s8 =	sld [smem:$0x3F7F]  }
0x2e: {  	s3 =	simm.s32 @!p0 $0x1082;
	s9 =	sld [smem:$0x3F80]  }
0x2f: {  	lr =	sadd.s32 s0, s3;
	s0 =	sld [smem:$0x3F77]  }
0x30: {  	s3 =	sld [smem:$0x3F7A]  }
0x31: {  	[smem:$0x3F83] =	sst s10  }
0x32: {  	s10 =	sld [smem:$0x3F81];
	_ =	sdelay $0x3  }
0x33: {  	p0 =	seq.s32 s10, $0x1;
	s10 =	sld [smem:$0x3F83];
	_ =	sdelay $0x3  }
0x34: {  	[smem:$0x3F83] =	sst s10  }
0x35: {  	s10 =	sld [smem:$0x3F82];
	_ =	sdelay $0x3  }
0x36: {  	p1 =	seq.s32 s10, $0x1;
	s10 =	sld [smem:$0x3F83];
	_ =	sdelay $0x3  }
0x37: {  	[smem:$0x3F83] =	sst s10  }
0x38: {  	s10 =	sld [smem:$0x3F84]  }
0x39: {  	_ = 	snop;
	(pc) =	sbr.ind lr, $3  }
0x3a: {  	_ = 	snop  }
0x3b: {  	_ = 	snop  }
0x3c: {  	p2 =	seq.s32 s10, $0x1;
	s10 =	sld [smem:$0x3F83]  }
0x3d: {  	_ =	shalt  }
0x3e: {  	_ =	shalt  }
0x3f: {  	_ =	shalt  }
0x40: {  	_ =	shalt  }
0x41: {  	_ =	shalt  }
0x42: {  	_ =	shalt  }
0x43: {  	_ =	shalt  }
0x44: {  	_ =	shalt  }
0x45: {  	_ =	shalt  }
0x46: {  	_ =	shalt  }
0x47: {  	_ =	shalt  }
0x48: {  	_ =	shalt  }
0x49: {  	_ =	shalt  }
0x4a: {  	_ =	shalt  }
0x4b: {  	_ =	shalt  }
0x4c: {  	_ =	shalt  }
0x4d: {  	_ =	shalt  }
0x4e: {  	_ =	shalt  }
0x4f: {  	_ =	shalt  }
0x50: {  	_ =	shalt  }
0x51: {  	_ =	shalt  }
0x52: {  	_ =	shalt  }
0x53: {  	_ =	shalt  }
0x54: {  	_ =	shalt  }
0x55: {  	_ =	shalt  }
0x56: {  	_ =	shalt  }
0x57: {  	_ =	shalt  }
0x58: {  	_ =	shalt  }
0x59: {  	_ =	shalt  }
0x5a: {  	_ =	shalt  }
0x5b: {  	_ =	shalt  }
0x5c: {  	_ =	shalt  }
0x5d: {  	_ =	shalt  }
0x5e: {  	_ =	shalt  }
0x5f: {  	_ =	shalt  }
0x60: {  	_ =	shalt  }
0x61: {  	_ =	shalt  }
0x62: {  	_ =	shalt  }
0x63: {  	_ =	shalt  }
0x64: {  	_ =	shalt  }
0x65: {  	_ =	shalt  }
0x66: {  	_ =	shalt  }
0x67: {  	_ =	shalt  }
0x68: {  	_ =	shalt  }
0x69: {  	_ =	shalt  }
0x6a: {  	_ =	shalt  }
0x6b: {  	_ =	shalt  }
0x6c: {  	_ =	shalt  }
0x6d: {  	_ =	shalt  }
0x6e: {  	_ =	shalt  }
0x6f: {  	_ =	shalt  }
0x70: {  	_ =	shalt  }
0x71: {  	_ =	shalt  }
0x72: {  	_ =	shalt  }
0x73: {  	_ =	shalt  }
0x74: {  	_ =	shalt  }
0x75: {  	_ =	shalt  }
0x76: {  	_ =	shalt  }
0x77: {  	_ =	shalt  }
0x78: {  	_ =	shalt  }
0x79: {  	_ =	shalt  }
0x7a: {  	_ =	shalt  }
0x7b: {  	_ =	shalt  }
0x7c: {  	_ =	shalt  }
0x7d: {  	_ =	shalt  }
0x7e: {  	_ =	shalt  }
0x7f: {  	_ =	shalt  }
0x80: {  	_ =	shalt  }
0x81: {  	_ =	shalt  }
0x82: {  	_ =	shalt  }
0x83: {  	_ =	shalt  }
0x84: {  	_ =	shalt  }
0x85: {  	_ =	shalt  }
0x86: {  	_ =	shalt  }
0x87: {  	_ =	shalt  }
.Lfunc_end0:
.L_simem_size_0:
called_computation.2_lowered:
.L_overlay_start_0:
0x88: {  	s2 =	sld [smem:$0x3FD9]  }
0x89: {  	s3 =	sld [smem:$0x3FFE];
	_ =	sdelay $0x1  }
0x8a: {  	s1 =	srdreg.scid  }
0x8b: {  	s0 =	sand.u32 $0x1, s1  }
0x8c: {  	s16 =	sshll.u32 s0, $0xA;
	s2 =	sadd.s32 s3, s2  }
0x8d: {  	s2 =	sadd.s32 s2, s16  }
0x8e: {  	[smem:$0x3F8F] =	sst s2  }
0x8f: {  	_ = 	snop  }
0x90: {  	(tm) =	ssettm $0x1  }
0x91: {  	s17 =	sld [smem:$0x3FFB];
	_ =	sdelay $0x3  }
0x92: {  	_ =	strace s17  }
0x93: {  	s2 =	sld [smem:$0x3FFC];
	_ =	sdelay $0x3  }
0x94: {  	_ =	strace s2  }
0x95: {  	s2 =	sld [smem:$0x3FFD];
	_ =	sdelay $0x3  }
0x96: {  	_ =	strace s2  }
0x97: {  	_ =	strace $0x8FFFFFFF  }
0x98: {  	s18 =	sld [smem:$0x3FDB];
	_ =	sdelay $0x1  }
0x99: {  	s19 =	simm.s32 $_scs_section_size  }
0x9a: {  	s4 =	simm.s32 $_size__tile_overlayer_lowered;
	s5 =	simm.s32 $_tile_overlayer_lowered  }
0x9b: {  	s22 =	simm.s32 $0x1BFF;
	s21 =	sshll.u32 s5, $0x1;
	s2 =	sadd.s32 s19, s18  }
0x9c: {  	s6 =	simm.s32 $0x0;
	s20 =	sshll.u32 s4, $0x1;
	s4 =	sadd.s32 s21, s2  }
0x9d: {  	[timem:s6], [sflag:s22] =	dma.local [hbm:s4], s20  }
0x9e: {  	_ =	swait.ge [sflag:s22], s20  }
0x9f: {  	s3 =	ssub.s32 $0x0, s20;
	[sflag:s22] =	ssyncset.done $0x0  }
0xa0: {  	[sflag:s22] =	ssyncadd.s32 s3;
	_ =	sdelay $0x1  }
0xa1: {  	s23 =	simm.s32 $0x1B8B  }
0xa2: {  	_ =	swait.ge [sflag:s23], $0x1  }
0xa3: {  	[sflag:s23] =	ssyncset.done $0x0  }
0xa4: {  	s25 =	simm.s32 $0x1B8E;
	s24 =	sld [smem:$0x3FFE];
	[sflag:s23] =	ssyncadd.s32 $0xFFFFFFFF  }
0xa5: {  	s26 =	simm.s32 $execute0_lowered;
	[smem:$0x3FD2] =	sst s25  }
0xa6: {  	s4 =	sshll.u32 s26, $0x1;
	_ =	strace $0x80000049;
	[dreg:$0x1] =	wrdreg $0xFFFFFFFF  }
0xa7: {  	s28 =	simm.s32 $_size_execute0_lowered;
	s2 =	sadd.s32 s2, s4;
	[dreg:$0x0] =	wrdreg $0x0  }
0xa8: {  	s4 =	sshll.u32 s28, $0x1;
	[dreg:$0x2] =	wrdreg s2  }
0xa9: {  	[dreg:$0x3] =	wrdreg s4  }
0xaa: {  	[dreg:$0x4] =	wrdreg $0xC0  }
0xab: {  	_ =	task [dreg:s6], $0x5FFFF  }
0xac: {  	[dreg:$0x1] =	wrdreg $0xFFFFFFFF  }
0xad: {  	[dreg:$0x0] =	wrdreg $0x60  }
0xae: {  	[dreg:$0x2] =	wrdreg s24  }
0xaf: {  	[dreg:$0x3] =	wrdreg $0x9  }
0xb0: {  	_ =	task.clear_ibuf [dreg:s6], $0x4FFFF;
	_ =	strace $0x90000049  }
0xb1: {  	s29 =	simm.s32 $0x9;
	_ =	strace $0x8000004B  }
0xb2: {  	_ =	swait.ge [sflag:s29], $0x1  }
0xb3: {  	[sflag:s29] =	ssyncadd.s32 $0xFFFFFFFF  }
0xb4: {  	_ =	strace $0x9000004B  }
0xb5: {  	_ =	sfence  }
0xb6: {  	s30 =	sld [smem:$0x0];
	_ =	sdelay $0x2  }
0xb7: {  	s31 =	sshll.u32 s1, $0xD;
	s1 =	sshrl.u32 s1, $0x2  }
0xb8: {  	s3 =	sand.u32 $0x4000, s31;
	s1 =	sadd.s32 s1, s30  }
0xb9: {  	s0 =	sor.u32 s3, s0;
	s1 =	sshll.u32 s1, $0x11  }
0xba: {  	s0 =	sor.u32 s1, s0  }
0xbb: {  	s0 =	sadd.s32 $0x8F2B, s0  }
0xbc: {  	[sflag:s0] =	ssyncadd.remote.s32 $0x1  }
0xbd: {  	_ =	sfence.sel $0xFFFF  }
0xbe: {  	[dreg:$0x0] =	wrdreg $0xFFFFFFFF;
	(pc) =	sbr.abs _section_cstart, $3  }
0xbf: {  	[dreg:$0x1] =	wrdreg $0xFFFFFFFF  }
0xc0: {  	_ =	task.clear_ibuf [dreg:s6], $0x2FFFF;
	_ =	strace $0x9FFFFFFF  }
0xc1: {  	(tm) =	ssettm $0x7FFFFFFF  }
tec
execute0_lowered:
.L_overlay_start_1:
0x0: {  	(tag) =	ssettag $0x1  }
0x1: {  	s8 =	rddreg [dreg:$0x0]  }
0x2: {  	s0 =	rddreg [dreg:$0x1];
	_ =	strace $0x8000004A;
	s1 =	stileid.u32  }
0x3: {  	s3 =	srdreg.scid;
	s4 =	simm.s32 $0x1;
	s7 =	simm.s32 $0x1  }
0x4: {  	s9 =	simm.s32 $0x1;
	s10 =	simm.s32 $0x3;
	s13 =	simm.s32 $0x0  }
0x5: {  	s12 =	simm.s32 $0x0;
	s5 =	sand.u32 $0x1, s3;
	s6 =	sshll.u32 s1, $0x1  }
0x6: {  	s2 =	sadd.s32 $0x20000, s8;
	s3 =	sadd.s32 $0x16200, s8;
	s5 =	sor.u32 s6, s5  }
.Ltmp0:
0x7: {  	[sflag:s4] =	ssyncpa.u1 $0x0;
	p0 =	slt.u32 s5, $0x9;
	(pc) =	sbr.rel .LBB2_1-.Ltmp0, $4  }
0x8: {  	s6 =	simm.s32 $0x2;
	s7 =	simm.s32 @!p0 $0x0;
	p0 =	sne.s32 s5, $0x8  }
0x9: {  	[sflag:s6] =	ssyncpa.u1 $0x0;
	s5 =	smul.u32 $0x1F40, s5;
	s9 =	simm.s32 @!p0 $0x0  }
0xa: {  	s8 =	sadd.s32 $0x2600, s8;
	[sflag:s10] =	ssyncpa.u1 $0x0;
	s7 =	sadd.s32 s9, s7  }
0xb: {  	vm0 =	vmmov $0xffff;
	s10 =	simm.s32 $0x0;
	s11 =	smov.u32 s5;
	s9 =	sadd.s32 $0x1, s7  }
.LBB2_4:
0xc: {  	v2 =	vnsel vm1, $0x0, v2  }
0xd: {  	vm1 =	vgt.s32 v0, $0x0;
	v2 =	vmin.u32 v2, $0x4E1FF  }
0xe: {  	v0 =	vnsel vm1, $0x0, v0  }
0xf: {  	v0 =	vmin.u32 v0, $0x4E1FF  }
0x10: {  	[tilespmem:s18], [sflag:$0x1] =	stream.indirect_vreg.gather [hbm4b:s2+s10], $0x1, v1, vm0, $0x4038;
	[tilespmem:$0x7D00] =	vst v63  }
0x11: {  	(ifvalue) =	ssetifvalue $0x7FFFFFFF  }
0x12: {  	[tilespmem:s15], [sflag:$0x1] =	stream.indirect_vreg.gather [hbm4b:s2+s10], $0x1, v2, vm0, $0x4038;
	[tilespmem:$0x7D00] =	vst v63  }
0x13: {  	s29 =	sadd.s32 $0x10, s15;
	(ifvalue) =	ssetifvalue $0x7FFFFFFF  }
0x14: {  	[tilespmem:s29], [sflag:$0x1] =	stream.indirect_vreg.gather [hbm4b:s2+s10], $0x1, v0, vm0, $0x4038;
	[tilespmem:$0x7D00] =	vst v63  }
0x15: {  	_ =	swait.ge [sflag:s4], $0x1F40  }
0x16: {  	s30 =	sshrl.u32 s13, $0x3;
	[sflag:s4] =	ssyncset.done $0x0  }
0x17: {  	s31 =	sand.u32 $0x7, s13;
	s15 =	sadd.s32 s8, s30;
	[sflag:s4] =	ssyncadd.s32 $0xFFFFE0C0  }
0x18: {  	[hbm4b:s15+s31] =	stream.linear.scatter [tilespmem:s14], [sflag:$0x3], $0x1F40, $0x38;
	[tilespmem:$0x7D00] =	vst v63  }
.LBB2_5:
0x19: {  	s15 =	sadd.s32 $0x3E800, s11  }
0x1a: {  	p1 =	sgt.s32 s15, $0x4E1FF  }
0x1b: {  	s15 =	smov.u32 @p1 s5;
	p1 =	sne.s32 s12, s9  }
.Ltmp1:
0x1c: {  	p0 =	slt.u32 s12, $0x2;
	(pc) =	sbr.rel @!p1 .LBB2_6-.Ltmp1, $4  }
0x1d: {  	s14 =	simm.s32 @!p0 $0x3  }
0x1e: {  	_ =	swait.ge @!p0 [sflag:s14], $0x1F40  }
0x1f: {  	s16 =	sadd.s32 $0x1, s12;
	s13 =	smov.u32 s11;
	[sflag:s14] =	ssyncset.done @!p0 $0x0  }
0x20: {  	s12 =	smov.u32 s16;
	s11 =	smov.u32 s15;
	[sflag:s14] =	ssyncadd.s32 @!p0 $0xFFFFE0C0  }
.LBB2_1:
0x21: {  	p0 =	sge.u32 s12, s7  }
0x22: {  	s14 =	sxor.u32 @!p0 $0x1, s12  }
0x23: {  	s14 =	smul.u32 @!p0 $0x7D00, s14  }
0x24: {  	s31 =	sadd.s32 $0xFFFFFFFF, s12;
	s15 =	sshrl.u32 @!p0 s11, $0x3  }
0x25: {  	s16 =	sand.u32 @!p0 $0x7, s11;
	s15 =	sadd.s32 @!p0 s3, s15;
	s14 =	sshra.s32 @!p0 s14, $0x2  }
0x26: {  	[tilespmem:s14], [sflag:$0x2] =	stream.linear.gather @!p0 [hbm4b:s15+s16], $0x1F40, $0x38;
	[tilespmem:$0x7D00] =	vst v63  }
0x27: {  	p0 =	sge.u32 s31, s7  }
.Ltmp2:
0x28: {  	_ = 	snop;
	(pc) =	sbr.rel @p0 .LBB2_5-.Ltmp2, $1  }
0x29: {  	_ =	sdelay $0x3  }
0x2a: {  	s14 =	sand.u32 $0x1, s12  }
0x2b: {  	_ =	swait.ge [sflag:s6], $0x1F40;
	p0 =	seq.s32 s14, $0x1;
	s14 =	simm.s32 $0x1F40  }
0x2c: {  	[sflag:s6] =	ssyncset.done $0x0;
	s14 =	simm.s32 @!p0 $0x0  }
0x2d: {  	[sflag:s6] =	ssyncadd.s32 $0xFFFFE0C0;
	(ifvalue) =	ssetifvalue $0x7FFFFFFF;
	v0 =	vld.msk [tilespmem:s14+$0x0 ss:$0x1], $0xffff;
	_ =	sdelay $0x4  }
0x2e: {  	s15 =	sadd.s32 $0x10, s14;
	vm1 =	vgt.s32 v0, $0x0  }
0x2f: {  	v2 =	vld.msk [tilespmem:s15+$0x0 ss:$0x1], $0xffff;
	v1 =	vnsel vm1, $0x0, v0  }
0x30: {  	v1 =	vmin.u32 v1, $0x4E1FF;
	_ =	sdelay $0x2  }
0x31: {  	s17 =	simm.s32 $0x20;
	s14 =	sadd.s32 $0x3E80, s14;
	s16 =	sadd.s32 $0x10, s15  }
0x32: {  	s15 =	sadd.s32 $0x10, s14;
	s18 =	smov.u32 s14;
	v0 =	vld.msk [tilespmem:s16+$0x0 ss:$0x1], $0xffff;
	vm1 =	vgt.s32 v2, $0x0;
	(ifvalue) =	ssetifvalue $0x7FFFFFFF  }
.LBB2_3:
0x33: {  	[tilespmem:s18], [sflag:$0x1] =	stream.indirect_vreg.gather [hbm4b:s2+s10], $0x1, v1, vm0, $0x4038;
	[tilespmem:$0x7D00] =	vst v63  }
0x34: {  	s17 =	sadd.s32 $0x10, s17  }
0x35: {  	v2 =	vnsel vm1, $0x0, v2;
	p0 =	slt.u32 s17, $0x1F30  }
.Ltmp3:
0x36: {  	s18 =	smov.u32 s15;
	v1 =	vmin.u32 v2, $0x4E1FF;
	(pc) =	sbr.rel @p0 .LBB2_3-.Ltmp3, $3  }
0x37: {  	_ =	sdelay $0x1  }
0x38: {  	s16 =	sadd.s32 $0x10, s16  }
0x39: {  	vm1 =	vgt.s32 v0, $0x0;
	s15 =	sadd.s32 $0x10, s15;
	v2 =	vmov v0;
	(ifvalue) =	ssetifvalue $0x7FFFFFFF;
	v0 =	vld.msk [tilespmem:s16+$0x0 ss:$0x1], $0xffff  }
.Ltmp4:
0x3a: {  	_ = 	snop;
	(pc) =	sbr.rel .LBB2_4-.Ltmp4, $1  }
0x3b: {  	_ =	sdelay $0x3  }
.LBB2_6:
0x3c: {  	_ =	sfence.sel $0x180000  }
0x3d: {  	s2 =	simm.s32 $0x2;
	[bflag:$0x0] =	sbarrier.arrive $0xFFFF  }
0x3e: {  	s30 =	simm.s32 $0x3;
	[sflag:s2] =	ssyncpa.u1 $0x1  }
0x3f: {  	s31 =	simm.s32 $0x1;
	[sflag:s30] =	ssyncpa.u1 $0x1  }
0x40: {  	[sflag:s31] =	ssyncpa.u1 $0x1  }
0x41: {  	p0 =	sne.s32 s1, $0x0;
	_ =	strace $0x9000004A  }
0x42: {  	s0 =	sadd.s32 @!p0 $0x100000, s0;
	[bflag:$0x2] =	sbarrier.arrive $0xFFFF  }
0x43: {  	[sflag:s0] =	ssyncadd.tile.s32 @!p0 $0x1;
	_ =	shalt  }
.Lfunc_end2:
_tile_overlayer_lowered:
.L_overlay_start_2:
0x44: {  	(tag) =	ssettag $0x2  }
0x45: {  	s0 =	rddreg [dreg:$0x0];
	s2 =	stileid.u32  }
0x46: {  	s1 =	rddreg [dreg:$0x1];
	p0 =	sne.s32 s2, $0x0  }
0x47: {  	s3 =	rddreg [dreg:$0x2];
	[bflag:$0x3] =	sbarrier.arrive $0xFFFF;
	s2 =	simm.s32 @!p0 $0x1C01  }
0x48: {  	[timem:s3], [sflag:s2] =	dma.local @!p0 [hbm:s0], s1  }
0x49: {  	s0 =	simm.s32 @!p0 $0x1  }
0x4a: {  	_ =	swait.ge @!p0 [sflag:s0], s1  }
0x4b: {  	s1 =	ssub.s32 @!p0 $0x0, s1;
	[sflag:s0] =	ssyncset.done @!p0 $0x0  }
0x4c: {  	[sflag:s0] =	ssyncadd.s32 @!p0 s1  }
0x4d: {  	[bflag:$0x3] =	sbarrier.arrive $0xFFFF  }
0x4e: {  	_ =	shalt  }

// kernel: gather_offload_async_start
scs
__scs_entry_jumppad:
0x0: {  	(pc) =	sbr.rel $0x88, $3  }
0x1: {  	(tag) =	ssettag $0x0;
	lr =	simm.s32 $0x1  }
0x2: {  	[smem:$0x3F68] =	sst lr;
	_ =	strace $0xD0000000  }
0x3: {  	_ = 	snop  }
0x4: {  	_ = 	snop  }
0x5: {  	_ = 	snop  }
0x6: {  	_ = 	snop  }
0x7: {  	_ = 	snop  }
__scs_overlays_trampoline_lowered:
0x8: {  	[smem:$0x3F77] =	sst s0  }
0x9: {  	[smem:$0x3F78] =	sst s1  }
0xa: {  	[smem:$0x3F79] =	sst s2  }
0xb: {  	[smem:$0x3F7A] =	sst s3  }
0xc: {  	[smem:$0x3F7B] =	sst s4  }
0xd: {  	[smem:$0x3F7C] =	sst s5  }
0xe: {  	[smem:$0x3F7D] =	sst s6  }
0xf: {  	[smem:$0x3F7E] =	sst s7  }
0x10: {  	[smem:$0x3F7F] =	sst s8  }
0x11: {  	[smem:$0x3F80] =	sst s9;
	s0 =	simm.s32 @!p0 $0x0  }
0x12: {  	s1 =	sld [smem:$0x3F66];
	s0 =	simm.s32 @p0 $0x1  }
0x13: {  	[smem:$0x3F81] =	sst s0;
	s0 =	simm.s32 @!p1 $0x0  }
0x14: {  	s2 =	sld [smem:$0x3F65];
	s0 =	simm.s32 @p1 $0x1  }
0x15: {  	[smem:$0x3F82] =	sst s0;
	s0 =	simm.s32 @!p2 $0x0  }
0x16: {  	s3 =	sld [smem:$0x3FDB];
	s0 =	simm.s32 @p2 $0x1  }
0x17: {  	s4 =	simm.s32 $0x1BF5;
	[smem:$0x3F84] =	sst s0  }
0x18: {  	s0 =	sld [smem:$0x3F67];
	_ =	swait.ge [sflag:s4], $0x0  }
0x19: {  	s7 =	sld [smem:$0x3F68]  }
0x1a: {  	s8 =	sadd.s32 $0xFFFFE003, lr  }
0x1b: {  	s9 =	sadd.s32 $0xFFFFFEF7, lr;
	s5 =	simm.s32 $0xFFFFFFFF;
	p2 =	slt.u32 s8, $0xFFFFF086  }
0x1c: {  	p1 =	slt.u32 s9, $0xF7A;
	s5 =	simm.s32 @!p2 $0x0  }
0x1d: {  	s5 =	simm.s32 @p1 $0x1;
	p0 =	seq.s32 s7, s2  }
0x1e: {  	s7 =	smul.u32 @!p0 $0xF7A, s2;
	p2 =	seq.s32 @!p0 s5, $0x0  }
0x1f: {  	s9 =	smul.u32 $0xF7A, s1;
	s8 =	simm.s32 @!p0 $0x1BF5;
	p2 =	por !p2, p0  }
0x20: {  	[sflag:s8] =	ssyncset.s32 @!p0 $0xFFFFF086;
	s6 =	sadd.s32 @!p0 s3, s7;
	s7 =	simm.s32 @!p0 $0x108  }
0x21: {  	s3 =	sadd.s32 s3, s9;
	s6 =	sadd.s32 @!p0 $0x88, s6;
	s7 =	simm.s32 @p2 $0x1082  }
0x22: {  	[simem:s7], [sflag:s8] =	dma.local @!p0 [hbm:s6], $0xF7A  }
0x23: {  	s9 =	sor.u32 $0xD0000000, s2;
	s6 =	simm.s32 $0x108;
	_ =	swait.ge @!p0 [sflag:s8], $0x0  }
0x24: {  	s3 =	sadd.s32 $0x88, s3;
	s6 =	simm.s32 @!p1 $0x1082;
	[sflag:s4] =	ssyncset.s32 $0xFFFFF086  }
0x25: {  	[simem:s6], [sflag:s4] =	dma.local [hbm:s3], $0xF7A  }
0x26: {  	[smem:$0x3F68] =	sst s1;
	(tag) =	ssettag s2;
	_ =	strace s9  }
0x27: {  	s1 =	sld [smem:$0x3F78]  }
0x28: {  	s2 =	sld [smem:$0x3F79]  }
0x29: {  	s4 =	sld [smem:$0x3F7B]  }
0x2a: {  	p0 =	seq.s32 s5, $0x0;
	s5 =	sld [smem:$0x3F7C]  }
0x2b: {  	s6 =	sld [smem:$0x3F7D]  }
0x2c: {  	s7 =	sld [smem:$0x3F7E]  }
0x2d: {  	s3 =	simm.s32 $0x108;
	s8 =	sld [smem:$0x3F7F]  }
0x2e: {  	s3 =	simm.s32 @!p0 $0x1082;
	s9 =	sld [smem:$0x3F80]  }
0x2f: {  	lr =	sadd.s32 s0, s3;
	s0 =	sld [smem:$0x3F77]  }
0x30: {  	s3 =	sld [smem:$0x3F7A]  }
0x31: {  	[smem:$0x3F83] =	sst s10  }
0x32: {  	s10 =	sld [smem:$0x3F81];
	_ =	sdelay $0x3  }
0x33: {  	p0 =	seq.s32 s10, $0x1;
	s10 =	sld [smem:$0x3F83];
	_ =	sdelay $0x3  }
0x34: {  	[smem:$0x3F83] =	sst s10  }
0x35: {  	s10 =	sld [smem:$0x3F82];
	_ =	sdelay $0x3  }
0x36: {  	p1 =	seq.s32 s10, $0x1;
	s10 =	sld [smem:$0x3F83];
	_ =	sdelay $0x3  }
0x37: {  	[smem:$0x3F83] =	sst s10  }
0x38: {  	s10 =	sld [smem:$0x3F84]  }
0x39: {  	_ = 	snop;
	(pc) =	sbr.ind lr, $3  }
0x3a: {  	_ = 	snop  }
0x3b: {  	_ = 	snop  }
0x3c: {  	p2 =	seq.s32 s10, $0x1;
	s10 =	sld [smem:$0x3F83]  }
0x3d: {  	_ =	shalt  }
0x3e: {  	_ =	shalt  }
0x3f: {  	_ =	shalt  }
0x40: {  	_ =	shalt  }
0x41: {  	_ =	shalt  }
0x42: {  	_ =	shalt  }
0x43: {  	_ =	shalt  }
0x44: {  	_ =	shalt  }
0x45: {  	_ =	shalt  }
0x46: {  	_ =	shalt  }
0x47: {  	_ =	shalt  }
0x48: {  	_ =	shalt  }
0x49: {  	_ =	shalt  }
0x4a: {  	_ =	shalt  }
0x4b: {  	_ =	shalt  }
0x4c: {  	_ =	shalt  }
0x4d: {  	_ =	shalt  }
0x4e: {  	_ =	shalt  }
0x4f: {  	_ =	shalt  }
0x50: {  	_ =	shalt  }
0x51: {  	_ =	shalt  }
0x52: {  	_ =	shalt  }
0x53: {  	_ =	shalt  }
0x54: {  	_ =	shalt  }
0x55: {  	_ =	shalt  }
0x56: {  	_ =	shalt  }
0x57: {  	_ =	shalt  }
0x58: {  	_ =	shalt  }
0x59: {  	_ =	shalt  }
0x5a: {  	_ =	shalt  }
0x5b: {  	_ =	shalt  }
0x5c: {  	_ =	shalt  }
0x5d: {  	_ =	shalt  }
0x5e: {  	_ =	shalt  }
0x5f: {  	_ =	shalt  }
0x60: {  	_ =	shalt  }
0x61: {  	_ =	shalt  }
0x62: {  	_ =	shalt  }
0x63: {  	_ =	shalt  }
0x64: {  	_ =	shalt  }
0x65: {  	_ =	shalt  }
0x66: {  	_ =	shalt  }
0x67: {  	_ =	shalt  }
0x68: {  	_ =	shalt  }
0x69: {  	_ =	shalt  }
0x6a: {  	_ =	shalt  }
0x6b: {  	_ =	shalt  }
0x6c: {  	_ =	shalt  }
0x6d: {  	_ =	shalt  }
0x6e: {  	_ =	shalt  }
0x6f: {  	_ =	shalt  }
0x70: {  	_ =	shalt  }
0x71: {  	_ =	shalt  }
0x72: {  	_ =	shalt  }
0x73: {  	_ =	shalt  }
0x74: {  	_ =	shalt  }
0x75: {  	_ =	shalt  }
0x76: {  	_ =	shalt  }
0x77: {  	_ =	shalt  }
0x78: {  	_ =	shalt  }
0x79: {  	_ =	shalt  }
0x7a: {  	_ =	shalt  }
0x7b: {  	_ =	shalt  }
0x7c: {  	_ =	shalt  }
0x7d: {  	_ =	shalt  }
0x7e: {  	_ =	shalt  }
0x7f: {  	_ =	shalt  }
0x80: {  	_ =	shalt  }
0x81: {  	_ =	shalt  }
0x82: {  	_ =	shalt  }
0x83: {  	_ =	shalt  }
0x84: {  	_ =	shalt  }
0x85: {  	_ =	shalt  }
0x86: {  	_ =	shalt  }
0x87: {  	_ =	shalt  }
.Lfunc_end0:
.L_simem_size_0:
called_computation_lowered:
.L_overlay_start_0:
0x88: {  	s2 =	sld [smem:$0x3FD9]  }
0x89: {  	s3 =	sld [smem:$0x3FFE];
	_ =	sdelay $0x1  }
0x8a: {  	s1 =	srdreg.scid  }
0x8b: {  	s0 =	sand.u32 $0x1, s1  }
0x8c: {  	s16 =	sshll.u32 s0, $0xA;
	s2 =	sadd.s32 s3, s2  }
0x8d: {  	s2 =	sadd.s32 s2, s16  }
0x8e: {  	[smem:$0x3F8F] =	sst s2  }
0x8f: {  	_ = 	snop  }
0x90: {  	(tm) =	ssettm $0x1  }
0x91: {  	s17 =	sld [smem:$0x3FFB];
	_ =	sdelay $0x3  }
0x92: {  	_ =	strace s17  }
0x93: {  	s2 =	sld [smem:$0x3FFC];
	_ =	sdelay $0x3  }
0x94: {  	_ =	strace s2  }
0x95: {  	s2 =	sld [smem:$0x3FFD];
	_ =	sdelay $0x3  }
0x96: {  	_ =	strace s2  }
0x97: {  	_ =	strace $0x8FFFFFFF  }
0x98: {  	s18 =	sld [smem:$0x3FDB];
	_ =	sdelay $0x1  }
0x99: {  	s19 =	simm.s32 $_scs_section_size  }
0x9a: {  	s4 =	simm.s32 $_size__tile_overlayer_lowered;
	s5 =	simm.s32 $_tile_overlayer_lowered  }
0x9b: {  	s22 =	simm.s32 $0x1BFF;
	s21 =	sshll.u32 s5, $0x1;
	s2 =	sadd.s32 s19, s18  }
0x9c: {  	s6 =	simm.s32 $0x0;
	s20 =	sshll.u32 s4, $0x1;
	s4 =	sadd.s32 s21, s2  }
0x9d: {  	[timem:s6], [sflag:s22] =	dma.local [hbm:s4], s20  }
0x9e: {  	_ =	swait.ge [sflag:s22], s20  }
0x9f: {  	s3 =	ssub.s32 $0x0, s20;
	[sflag:s22] =	ssyncset.done $0x0  }
0xa0: {  	[sflag:s22] =	ssyncadd.s32 s3;
	_ =	sdelay $0x1  }
0xa1: {  	s23 =	simm.s32 $0x1B8B  }
0xa2: {  	_ =	swait.ge [sflag:s23], $0x1  }
0xa3: {  	[sflag:s23] =	ssyncset.done $0x0  }
0xa4: {  	s25 =	simm.s32 $0x1B8E;
	s24 =	sld [smem:$0x3FFE];
	[sflag:s23] =	ssyncadd.s32 $0xFFFFFFFF  }
0xa5: {  	s26 =	simm.s32 $execute0_lowered;
	[smem:$0x3FD2] =	sst s25  }
0xa6: {  	s4 =	sshll.u32 s26, $0x1;
	_ =	strace $0x80000046;
	[dreg:$0x1] =	wrdreg $0xFFFFFFFF  }
0xa7: {  	s28 =	simm.s32 $_size_execute0_lowered;
	s2 =	sadd.s32 s2, s4;
	[dreg:$0x0] =	wrdreg $0x0  }
0xa8: {  	s4 =	sshll.u32 s28, $0x1;
	[dreg:$0x2] =	wrdreg s2  }
0xa9: {  	[dreg:$0x3] =	wrdreg s4  }
0xaa: {  	[dreg:$0x4] =	wrdreg $0xC0  }
0xab: {  	_ =	task [dreg:s6], $0x5FFFF  }
0xac: {  	[dreg:$0x1] =	wrdreg $0xFFFFFFFF  }
0xad: {  	[dreg:$0x0] =	wrdreg $0x60  }
0xae: {  	[dreg:$0x2] =	wrdreg s24  }
0xaf: {  	[dreg:$0x3] =	wrdreg $0x9  }
0xb0: {  	_ =	task.clear_ibuf [dreg:s6], $0x4FFFF;
	_ =	strace $0x90000046  }
0xb1: {  	s29 =	simm.s32 $0x9;
	_ =	strace $0x80000048  }
0xb2: {  	_ =	swait.ge [sflag:s29], $0x1  }
0xb3: {  	[sflag:s29] =	ssyncadd.s32 $0xFFFFFFFF  }
0xb4: {  	_ =	strace $0x90000048  }
0xb5: {  	_ =	sfence  }
0xb6: {  	s30 =	sld [smem:$0x0];
	_ =	sdelay $0x2  }
0xb7: {  	s31 =	sshll.u32 s1, $0xD;
	s1 =	sshrl.u32 s1, $0x2  }
0xb8: {  	s3 =	sand.u32 $0x4000, s31;
	s1 =	sadd.s32 s1, s30  }
0xb9: {  	s0 =	sor.u32 s3, s0;
	s1 =	sshll.u32 s1, $0x11  }
0xba: {  	s0 =	sor.u32 s1, s0  }
0xbb: {  	s0 =	sadd.s32 $0x8F2B, s0  }
0xbc: {  	[sflag:s0] =	ssyncadd.remote.s32 $0x1  }
0xbd: {  	_ =	sfence.sel $0xFFFF  }
0xbe: {  	[dreg:$0x0] =	wrdreg $0xFFFFFFFF;
	(pc) =	sbr.abs _section_cstart, $3  }
0xbf: {  	[dreg:$0x1] =	wrdreg $0xFFFFFFFF  }
0xc0: {  	_ =	task.clear_ibuf [dreg:s6], $0x2FFFF;
	_ =	strace $0x9FFFFFFF  }
0xc1: {  	(tm) =	ssettm $0x7FFFFFFF  }
tec
execute0_lowered:
.L_overlay_start_1:
0x0: {  	(tag) =	ssettag $0x1  }
0x1: {  	s8 =	rddreg [dreg:$0x0]  }
0x2: {  	s0 =	rddreg [dreg:$0x1];
	_ =	strace $0x80000047;
	s1 =	stileid.u32  }
0x3: {  	s3 =	srdreg.scid;
	s4 =	simm.s32 $0x1;
	s7 =	simm.s32 $0x1  }
0x4: {  	s9 =	simm.s32 $0x1;
	s10 =	simm.s32 $0x3;
	s13 =	simm.s32 $0x0  }
0x5: {  	s12 =	simm.s32 $0x0;
	s5 =	sand.u32 $0x1, s3;
	s6 =	sshll.u32 s1, $0x1  }
0x6: {  	s2 =	sadd.s32 $0x2600, s8;
	s3 =	sadd.s32 $0x16200, s8;
	s5 =	sor.u32 s6, s5  }
.Ltmp0:
0x7: {  	[sflag:s4] =	ssyncpa.u1 $0x0;
	p0 =	slt.u32 s5, $0x9;
	(pc) =	sbr.rel .LBB2_1-.Ltmp0, $4  }
0x8: {  	s6 =	simm.s32 $0x2;
	s7 =	simm.s32 @!p0 $0x0;
	p0 =	sne.s32 s5, $0x8  }
0x9: {  	[sflag:s6] =	ssyncpa.u1 $0x0;
	s5 =	smul.u32 $0x1F40, s5;
	s9 =	simm.s32 @!p0 $0x0  }
0xa: {  	s8 =	sadd.s32 $0x7A000, s8;
	[sflag:s10] =	ssyncpa.u1 $0x0;
	s7 =	sadd.s32 s9, s7  }
0xb: {  	vm0 =	vmmov $0xffff;
	s10 =	simm.s32 $0x0;
	s11 =	smov.u32 s5;
	s9 =	sadd.s32 $0x1, s7  }
.LBB2_4:
0xc: {  	v2 =	vnsel vm1, $0x0, v2  }
0xd: {  	vm1 =	vgt.s32 v0, $0x0;
	v2 =	vmin.u32 v2, $0x4E1FF  }
0xe: {  	v0 =	vnsel vm1, $0x0, v0  }
0xf: {  	v0 =	vmin.u32 v0, $0x4E1FF  }
0x10: {  	[tilespmem:s18], [sflag:$0x1] =	stream.indirect_vreg.gather [hbm4b:s2+s10], $0x1, v1, vm0, $0x4038;
	[tilespmem:$0x7D00] =	vst v63  }
0x11: {  	(ifvalue) =	ssetifvalue $0x7FFFFFFF  }
0x12: {  	[tilespmem:s15], [sflag:$0x1] =	stream.indirect_vreg.gather [hbm4b:s2+s10], $0x1, v2, vm0, $0x4038;
	[tilespmem:$0x7D00] =	vst v63  }
0x13: {  	s29 =	sadd.s32 $0x10, s15;
	(ifvalue) =	ssetifvalue $0x7FFFFFFF  }
0x14: {  	[tilespmem:s29], [sflag:$0x1] =	stream.indirect_vreg.gather [hbm4b:s2+s10], $0x1, v0, vm0, $0x4038;
	[tilespmem:$0x7D00] =	vst v63  }
0x15: {  	_ =	swait.ge [sflag:s4], $0x1F40  }
0x16: {  	s30 =	sshrl.u32 s13, $0x3;
	[sflag:s4] =	ssyncset.done $0x0  }
0x17: {  	s31 =	sand.u32 $0x7, s13;
	s15 =	sadd.s32 s8, s30;
	[sflag:s4] =	ssyncadd.s32 $0xFFFFE0C0  }
0x18: {  	[hbm4b:s15+s31] =	stream.linear.scatter [tilespmem:s14], [sflag:$0x3], $0x1F40, $0x38;
	[tilespmem:$0x7D00] =	vst v63  }
.LBB2_5:
0x19: {  	s15 =	sadd.s32 $0x3E800, s11  }
0x1a: {  	p1 =	sgt.s32 s15, $0x4E1FF  }
0x1b: {  	s15 =	smov.u32 @p1 s5;
	p1 =	sne.s32 s12, s9  }
.Ltmp1:
0x1c: {  	p0 =	slt.u32 s12, $0x2;
	(pc) =	sbr.rel @!p1 .LBB2_6-.Ltmp1, $4  }
0x1d: {  	s14 =	simm.s32 @!p0 $0x3  }
0x1e: {  	_ =	swait.ge @!p0 [sflag:s14], $0x1F40  }
0x1f: {  	s16 =	sadd.s32 $0x1, s12;
	s13 =	smov.u32 s11;
	[sflag:s14] =	ssyncset.done @!p0 $0x0  }
0x20: {  	s12 =	smov.u32 s16;
	s11 =	smov.u32 s15;
	[sflag:s14] =	ssyncadd.s32 @!p0 $0xFFFFE0C0  }
.LBB2_1:
0x21: {  	p0 =	sge.u32 s12, s7  }
0x22: {  	s14 =	sxor.u32 @!p0 $0x1, s12  }
0x23: {  	s14 =	smul.u32 @!p0 $0x7D00, s14  }
0x24: {  	s31 =	sadd.s32 $0xFFFFFFFF, s12;
	s15 =	sshrl.u32 @!p0 s11, $0x3  }
0x25: {  	s16 =	sand.u32 @!p0 $0x7, s11;
	s15 =	sadd.s32 @!p0 s3, s15;
	s14 =	sshra.s32 @!p0 s14, $0x2  }
0x26: {  	[tilespmem:s14], [sflag:$0x2] =	stream.linear.gather @!p0 [hbm4b:s15+s16], $0x1F40, $0x38;
	[tilespmem:$0x7D00] =	vst v63  }
0x27: {  	p0 =	sge.u32 s31, s7  }
.Ltmp2:
0x28: {  	_ = 	snop;
	(pc) =	sbr.rel @p0 .LBB2_5-.Ltmp2, $1  }
0x29: {  	_ =	sdelay $0x3  }
0x2a: {  	s14 =	sand.u32 $0x1, s12  }
0x2b: {  	_ =	swait.ge [sflag:s6], $0x1F40;
	p0 =	seq.s32 s14, $0x1;
	s14 =	simm.s32 $0x1F40  }
0x2c: {  	[sflag:s6] =	ssyncset.done $0x0;
	s14 =	simm.s32 @!p0 $0x0  }
0x2d: {  	[sflag:s6] =	ssyncadd.s32 $0xFFFFE0C0;
	(ifvalue) =	ssetifvalue $0x7FFFFFFF;
	v0 =	vld.msk [tilespmem:s14+$0x0 ss:$0x1], $0xffff;
	_ =	sdelay $0x4  }
0x2e: {  	s15 =	sadd.s32 $0x10, s14;
	vm1 =	vgt.s32 v0, $0x0  }
0x2f: {  	v2 =	vld.msk [tilespmem:s15+$0x0 ss:$0x1], $0xffff;
	v1 =	vnsel vm1, $0x0, v0  }
0x30: {  	v1 =	vmin.u32 v1, $0x4E1FF;
	_ =	sdelay $0x2  }
0x31: {  	s17 =	simm.s32 $0x20;
	s14 =	sadd.s32 $0x3E80, s14;
	s16 =	sadd.s32 $0x10, s15  }
0x32: {  	s15 =	sadd.s32 $0x10, s14;
	s18 =	smov.u32 s14;
	v0 =	vld.msk [tilespmem:s16+$0x0 ss:$0x1], $0xffff;
	vm1 =	vgt.s32 v2, $0x0;
	(ifvalue) =	ssetifvalue $0x7FFFFFFF  }
.LBB2_3:
0x33: {  	[tilespmem:s18], [sflag:$0x1] =	stream.indirect_vreg.gather [hbm4b:s2+s10], $0x1, v1, vm0, $0x4038;
	[tilespmem:$0x7D00] =	vst v63  }
0x34: {  	s17 =	sadd.s32 $0x10, s17  }
0x35: {  	v2 =	vnsel vm1, $0x0, v2;
	p0 =	slt.u32 s17, $0x1F30  }
.Ltmp3:
0x36: {  	s18 =	smov.u32 s15;
	v1 =	vmin.u32 v2, $0x4E1FF;
	(pc) =	sbr.rel @p0 .LBB2_3-.Ltmp3, $3  }
0x37: {  	_ =	sdelay $0x1  }
0x38: {  	s16 =	sadd.s32 $0x10, s16  }
0x39: {  	vm1 =	vgt.s32 v0, $0x0;
	s15 =	sadd.s32 $0x10, s15;
	v2 =	vmov v0;
	(ifvalue) =	ssetifvalue $0x7FFFFFFF;
	v0 =	vld.msk [tilespmem:s16+$0x0 ss:$0x1], $0xffff  }
.Ltmp4:
0x3a: {  	_ = 	snop;
	(pc) =	sbr.rel .LBB2_4-.Ltmp4, $1  }
0x3b: {  	_ =	sdelay $0x3  }
.LBB2_6:
0x3c: {  	_ =	sfence.sel $0x180000  }
0x3d: {  	s2 =	simm.s32 $0x2;
	[bflag:$0x0] =	sbarrier.arrive $0xFFFF  }
0x3e: {  	s30 =	simm.s32 $0x3;
	[sflag:s2] =	ssyncpa.u1 $0x1  }
0x3f: {  	s31 =	simm.s32 $0x1;
	[sflag:s30] =	ssyncpa.u1 $0x1  }
0x40: {  	[sflag:s31] =	ssyncpa.u1 $0x1  }
0x41: {  	p0 =	sne.s32 s1, $0x0;
	_ =	strace $0x90000047  }
0x42: {  	s0 =	sadd.s32 @!p0 $0x100000, s0;
	[bflag:$0x2] =	sbarrier.arrive $0xFFFF  }
0x43: {  	[sflag:s0] =	ssyncadd.tile.s32 @!p0 $0x1;
	_ =	shalt  }
.Lfunc_end2:
_tile_overlayer_lowered:
.L_overlay_start_2:
0x44: {  	(tag) =	ssettag $0x2  }
0x45: {  	s0 =	rddreg [dreg:$0x0];
	s2 =	stileid.u32  }
0x46: {  	s1 =	rddreg [dreg:$0x1];
	p0 =	sne.s32 s2, $0x0  }
0x47: {  	s3 =	rddreg [dreg:$0x2];
	[bflag:$0x3] =	sbarrier.arrive $0xFFFF;
	s2 =	simm.s32 @!p0 $0x1C01  }
0x48: {  	[timem:s3], [sflag:s2] =	dma.local @!p0 [hbm:s0], s1  }
0x49: {  	s0 =	simm.s32 @!p0 $0x1  }
0x4a: {  	_ =	swait.ge @!p0 [sflag:s0], s1  }
0x4b: {  	s1 =	ssub.s32 @!p0 $0x0, s1;
	[sflag:s0] =	ssyncset.done @!p0 $0x0  }
0x4c: {  	[sflag:s0] =	ssyncadd.s32 @!p0 s1  }
0x4d: {  	[bflag:$0x3] =	sbarrier.arrive $0xFFFF  }
0x4e: {  	_ =	shalt  }

// kernel: kernel.12.cloned.1.call-start
scs
__scs_entry_jumppad:
0x0: {  	(pc) =	sbr.rel $0x88, $3  }
0x1: {  	(tag) =	ssettag $0x0;
	lr =	simm.s32 $0x1  }
0x2: {  	[smem:$0x3F68] =	sst lr;
	_ =	strace $0xD0000000  }
0x3: {  	_ = 	snop  }
0x4: {  	_ = 	snop  }
0x5: {  	_ = 	snop  }
0x6: {  	_ = 	snop  }
0x7: {  	_ = 	snop  }
__scs_overlays_trampoline_lowered:
0x8: {  	[smem:$0x3F77] =	sst s0  }
0x9: {  	[smem:$0x3F78] =	sst s1  }
0xa: {  	[smem:$0x3F79] =	sst s2  }
0xb: {  	[smem:$0x3F7A] =	sst s3  }
0xc: {  	[smem:$0x3F7B] =	sst s4  }
0xd: {  	[smem:$0x3F7C] =	sst s5  }
0xe: {  	[smem:$0x3F7D] =	sst s6  }
0xf: {  	[smem:$0x3F7E] =	sst s7  }
0x10: {  	[smem:$0x3F7F] =	sst s8  }
0x11: {  	[smem:$0x3F80] =	sst s9;
	s0 =	simm.s32 @!p0 $0x0  }
0x12: {  	s1 =	sld [smem:$0x3F66];
	s0 =	simm.s32 @p0 $0x1  }
0x13: {  	[smem:$0x3F81] =	sst s0;
	s0 =	simm.s32 @!p1 $0x0  }
0x14: {  	s2 =	sld [smem:$0x3F65];
	s0 =	simm.s32 @p1 $0x1  }
0x15: {  	[smem:$0x3F82] =	sst s0;
	s0 =	simm.s32 @!p2 $0x0  }
0x16: {  	s3 =	sld [smem:$0x3FDB];
	s0 =	simm.s32 @p2 $0x1  }
0x17: {  	s4 =	simm.s32 $0x1BF5;
	[smem:$0x3F84] =	sst s0  }
0x18: {  	s0 =	sld [smem:$0x3F67];
	_ =	swait.ge [sflag:s4], $0x0  }
0x19: {  	s7 =	sld [smem:$0x3F68]  }
0x1a: {  	s8 =	sadd.s32 $0xFFFFE003, lr  }
0x1b: {  	s9 =	sadd.s32 $0xFFFFFEF7, lr;
	s5 =	simm.s32 $0xFFFFFFFF;
	p2 =	slt.u32 s8, $0xFFFFF086  }
0x1c: {  	p1 =	slt.u32 s9, $0xF7A;
	s5 =	simm.s32 @!p2 $0x0  }
0x1d: {  	s5 =	simm.s32 @p1 $0x1;
	p0 =	seq.s32 s7, s2  }
0x1e: {  	s7 =	smul.u32 @!p0 $0xF7A, s2;
	p2 =	seq.s32 @!p0 s5, $0x0  }
0x1f: {  	s9 =	smul.u32 $0xF7A, s1;
	s8 =	simm.s32 @!p0 $0x1BF5;
	p2 =	por !p2, p0  }
0x20: {  	[sflag:s8] =	ssyncset.s32 @!p0 $0xFFFFF086;
	s6 =	sadd.s32 @!p0 s3, s7;
	s7 =	simm.s32 @!p0 $0x108  }
0x21: {  	s3 =	sadd.s32 s3, s9;
	s6 =	sadd.s32 @!p0 $0x88, s6;
	s7 =	simm.s32 @p2 $0x1082  }
0x22: {  	[simem:s7], [sflag:s8] =	dma.local @!p0 [hbm:s6], $0xF7A  }
0x23: {  	s9 =	sor.u32 $0xD0000000, s2;
	s6 =	simm.s32 $0x108;
	_ =	swait.ge @!p0 [sflag:s8], $0x0  }
0x24: {  	s3 =	sadd.s32 $0x88, s3;
	s6 =	simm.s32 @!p1 $0x1082;
	[sflag:s4] =	ssyncset.s32 $0xFFFFF086  }
0x25: {  	[simem:s6], [sflag:s4] =	dma.local [hbm:s3], $0xF7A  }
0x26: {  	[smem:$0x3F68] =	sst s1;
	(tag) =	ssettag s2;
	_ =	strace s9  }
0x27: {  	s1 =	sld [smem:$0x3F78]  }
0x28: {  	s2 =	sld [smem:$0x3F79]  }
0x29: {  	s4 =	sld [smem:$0x3F7B]  }
0x2a: {  	p0 =	seq.s32 s5, $0x0;
	s5 =	sld [smem:$0x3F7C]  }
0x2b: {  	s6 =	sld [smem:$0x3F7D]  }
0x2c: {  	s7 =	sld [smem:$0x3F7E]  }
0x2d: {  	s3 =	simm.s32 $0x108;
	s8 =	sld [smem:$0x3F7F]  }
0x2e: {  	s3 =	simm.s32 @!p0 $0x1082;
	s9 =	sld [smem:$0x3F80]  }
0x2f: {  	lr =	sadd.s32 s0, s3;
	s0 =	sld [smem:$0x3F77]  }
0x30: {  	s3 =	sld [smem:$0x3F7A]  }
0x31: {  	[smem:$0x3F83] =	sst s10  }
0x32: {  	s10 =	sld [smem:$0x3F81];
	_ =	sdelay $0x3  }
0x33: {  	p0 =	seq.s32 s10, $0x1;
	s10 =	sld [smem:$0x3F83];
	_ =	sdelay $0x3  }
0x34: {  	[smem:$0x3F83] =	sst s10  }
0x35: {  	s10 =	sld [smem:$0x3F82];
	_ =	sdelay $0x3  }
0x36: {  	p1 =	seq.s32 s10, $0x1;
	s10 =	sld [smem:$0x3F83];
	_ =	sdelay $0x3  }
0x37: {  	[smem:$0x3F83] =	sst s10  }
0x38: {  	s10 =	sld [smem:$0x3F84]  }
0x39: {  	_ = 	snop;
	(pc) =	sbr.ind lr, $3  }
0x3a: {  	_ = 	snop  }
0x3b: {  	_ = 	snop  }
0x3c: {  	p2 =	seq.s32 s10, $0x1;
	s10 =	sld [smem:$0x3F83]  }
0x3d: {  	_ =	shalt  }
0x3e: {  	_ =	shalt  }
0x3f: {  	_ =	shalt  }
0x40: {  	_ =	shalt  }
0x41: {  	_ =	shalt  }
0x42: {  	_ =	shalt  }
0x43: {  	_ =	shalt  }
0x44: {  	_ =	shalt  }
0x45: {  	_ =	shalt  }
0x46: {  	_ =	shalt  }
0x47: {  	_ =	shalt  }
0x48: {  	_ =	shalt  }
0x49: {  	_ =	shalt  }
0x4a: {  	_ =	shalt  }
0x4b: {  	_ =	shalt  }
0x4c: {  	_ =	shalt  }
0x4d: {  	_ =	shalt  }
0x4e: {  	_ =	shalt  }
0x4f: {  	_ =	shalt  }
0x50: {  	_ =	shalt  }
0x51: {  	_ =	shalt  }
0x52: {  	_ =	shalt  }
0x53: {  	_ =	shalt  }
0x54: {  	_ =	shalt  }
0x55: {  	_ =	shalt  }
0x56: {  	_ =	shalt  }
0x57: {  	_ =	shalt  }
0x58: {  	_ =	shalt  }
0x59: {  	_ =	shalt  }
0x5a: {  	_ =	shalt  }
0x5b: {  	_ =	shalt  }
0x5c: {  	_ =	shalt  }
0x5d: {  	_ =	shalt  }
0x5e: {  	_ =	shalt  }
0x5f: {  	_ =	shalt  }
0x60: {  	_ =	shalt  }
0x61: {  	_ =	shalt  }
0x62: {  	_ =	shalt  }
0x63: {  	_ =	shalt  }
0x64: {  	_ =	shalt  }
0x65: {  	_ =	shalt  }
0x66: {  	_ =	shalt  }
0x67: {  	_ =	shalt  }
0x68: {  	_ =	shalt  }
0x69: {  	_ =	shalt  }
0x6a: {  	_ =	shalt  }
0x6b: {  	_ =	shalt  }
0x6c: {  	_ =	shalt  }
0x6d: {  	_ =	shalt  }
0x6e: {  	_ =	shalt  }
0x6f: {  	_ =	shalt  }
0x70: {  	_ =	shalt  }
0x71: {  	_ =	shalt  }
0x72: {  	_ =	shalt  }
0x73: {  	_ =	shalt  }
0x74: {  	_ =	shalt  }
0x75: {  	_ =	shalt  }
0x76: {  	_ =	shalt  }
0x77: {  	_ =	shalt  }
0x78: {  	_ =	shalt  }
0x79: {  	_ =	shalt  }
0x7a: {  	_ =	shalt  }
0x7b: {  	_ =	shalt  }
0x7c: {  	_ =	shalt  }
0x7d: {  	_ =	shalt  }
0x7e: {  	_ =	shalt  }
0x7f: {  	_ =	shalt  }
0x80: {  	_ =	shalt  }
0x81: {  	_ =	shalt  }
0x82: {  	_ =	shalt  }
0x83: {  	_ =	shalt  }
0x84: {  	_ =	shalt  }
0x85: {  	_ =	shalt  }
0x86: {  	_ =	shalt  }
0x87: {  	_ =	shalt  }
.Lfunc_end0:
.L_simem_size_0:
called_computation.4_lowered:
.L_overlay_start_0:
0x88: {  	s2 =	sld [smem:$0x3FD9]  }
0x89: {  	s3 =	sld [smem:$0x3FFE];
	_ =	sdelay $0x1  }
0x8a: {  	s1 =	srdreg.scid  }
0x8b: {  	s0 =	sand.u32 $0x1, s1  }
0x8c: {  	s17 =	sshll.u32 s0, $0xA;
	s2 =	sadd.s32 s3, s2  }
0x8d: {  	s2 =	sadd.s32 s2, s17  }
0x8e: {  	[smem:$0x3F8F] =	sst s2  }
0x8f: {  	_ = 	snop  }
0x90: {  	s2 =	sld [smem:$0x3FD0];
	(tm) =	ssettm $0x1  }
0x91: {  	s18 =	sld [smem:$0x3FFB];
	_ =	sdelay $0x3  }
0x92: {  	_ =	strace s18  }
0x93: {  	s3 =	sld [smem:$0x3FFC];
	_ =	sdelay $0x3  }
0x94: {  	_ =	strace s3  }
0x95: {  	s3 =	sld [smem:$0x3FFD];
	_ =	sdelay $0x3  }
0x96: {  	_ =	strace s3  }
0x97: {  	_ =	strace $0x8FFFFFFF  }
0x98: {  	s19 =	sld [smem:$0x3FDB];
	_ =	sdelay $0x1  }
0x99: {  	s4 =	simm.s32 $_scs_section_size  }
0x9a: {  	s5 =	simm.s32 $_size__tile_overlayer_lowered;
	s6 =	simm.s32 $_tile_overlayer_lowered  }
0x9b: {  	s22 =	simm.s32 $0x1BFF;
	s21 =	sshll.u32 s6, $0x1;
	s3 =	sadd.s32 s4, s19  }
0x9c: {  	s7 =	simm.s32 $0x0;
	s20 =	sshll.u32 s5, $0x1;
	s5 =	sadd.s32 s21, s3  }
0x9d: {  	[timem:s7], [sflag:s22] =	dma.local [hbm:s5], s20  }
0x9e: {  	_ =	swait.ge [sflag:s22], s20  }
0x9f: {  	s4 =	ssub.s32 $0x0, s20;
	[sflag:s22] =	ssyncset.done $0x0  }
0xa0: {  	[sflag:s22] =	ssyncadd.s32 s4;
	_ =	sdelay $0x1  }
0xa1: {  	s23 =	simm.s32 $0x1B8B  }
0xa2: {  	_ =	swait.ge [sflag:s23], $0x1  }
0xa3: {  	[sflag:s23] =	ssyncset.done $0x0  }
0xa4: {  	s25 =	simm.s32 $0x1B8E;
	s24 =	sld [smem:$0x3FFE];
	[sflag:s23] =	ssyncadd.s32 $0xFFFFFFFF  }
0xa5: {  	s26 =	simm.s32 $execute0_lowered;
	[smem:$0x3FD2] =	sst s25  }
0xa6: {  	s5 =	sshll.u32 s26, $0x1;
	_ =	strace $0x80000052;
	[dreg:$0x1] =	wrdreg $0xFFFFFFFF  }
0xa7: {  	s28 =	simm.s32 $_size_execute0_lowered;
	s3 =	sadd.s32 s3, s5;
	[dreg:$0x0] =	wrdreg $0x0  }
0xa8: {  	s5 =	sshll.u32 s28, $0x1;
	[dreg:$0x2] =	wrdreg s3  }
0xa9: {  	[dreg:$0x3] =	wrdreg s5  }
0xaa: {  	[dreg:$0x4] =	wrdreg $0xC0  }
0xab: {  	_ =	task [dreg:s7], $0x5FFFF  }
0xac: {  	[dreg:$0x1] =	wrdreg $0xFFFFFFFF  }
0xad: {  	[dreg:$0x0] =	wrdreg $0x60  }
0xae: {  	[dreg:$0x2] =	wrdreg s2  }
0xaf: {  	[dreg:$0x3] =	wrdreg s24  }
0xb0: {  	[dreg:$0x4] =	wrdreg $0xC4900  }
0xb1: {  	[dreg:$0x5] =	wrdreg $0x9  }
0xb2: {  	_ =	task.clear_ibuf [dreg:s7], $0x6FFFF;
	_ =	strace $0x90000052  }
0xb3: {  	s29 =	simm.s32 $0x9;
	_ =	strace $0x80000054  }
0xb4: {  	_ =	swait.ge [sflag:s29], $0x1  }
0xb5: {  	[sflag:s29] =	ssyncadd.s32 $0xFFFFFFFF  }
0xb6: {  	_ =	strace $0x90000054  }
0xb7: {  	_ =	sfence  }
0xb8: {  	s30 =	sld [smem:$0x0];
	_ =	sdelay $0x2  }
0xb9: {  	s31 =	sshll.u32 s1, $0xD;
	s1 =	sshrl.u32 s1, $0x2  }
0xba: {  	s3 =	sand.u32 $0x4000, s31;
	s1 =	sadd.s32 s1, s30  }
0xbb: {  	s0 =	sor.u32 s3, s0;
	s1 =	sshll.u32 s1, $0x11  }
0xbc: {  	s0 =	sor.u32 s1, s0  }
0xbd: {  	s0 =	sadd.s32 $0x8F2B, s0  }
0xbe: {  	[sflag:s0] =	ssyncadd.remote.s32 $0x1  }
0xbf: {  	_ =	sfence.sel $0xFFFF  }
0xc0: {  	[dreg:$0x0] =	wrdreg $0xFFFFFFFF;
	(pc) =	sbr.abs _section_cstart, $3  }
0xc1: {  	[dreg:$0x1] =	wrdreg $0xFFFFFFFF  }
0xc2: {  	_ =	task.clear_ibuf [dreg:s7], $0x2FFFF;
	_ =	strace $0x9FFFFFFF  }
0xc3: {  	(tm) =	ssettm $0x7FFFFFFF  }
tec
execute0_lowered:
.L_overlay_start_1:
0x0: {  	(tag) =	ssettag $0x1  }
0x1: {  	s1 =	rddreg [dreg:$0x0]  }
0x2: {  	s2 =	srdreg.scid;
	s9 =	rddreg [dreg:$0x1]  }
0x3: {  	s0 =	stileid.u32;
	s4 =	rddreg [dreg:$0x2];
	s5 =	simm.s32 $0x0  }
0x4: {  	s18 =	simm.s32 $0x3;
	s19 =	simm.s32 $0x4E20;
	s20 =	simm.s32 $0x50  }
0x5: {  	s21 =	simm.s32 $0x9C40;
	s22 =	simm.s32 $0x1;
	s23 =	simm.s32 $0xB040  }
0x6: {  	s24 =	simm.s32 $0x2;
	s25 =	simm.s32 $0xC440;
	s26 =	simm.s32 $0x0  }
0x7: {  	s2 =	sand.u32 $0x1, s2;
	s3 =	smul.u32 $0x4E20, s0;
	[smem:$0x7FF] =	sst s5  }
0x8: {  	s11 =	smul.u32 $0x9E00, s0;
	s14 =	sadd.s32 $0xC1400, s9;
	s16 =	sadd.s32 $0x94200, s4  }
0x9: {  	p0 =	seq.s32 s0, $0xF;
	s6 =	smul.u32 $0x4E200, s2;
	_ =	strace $0x80000053  }
0xa: {  	s10 =	ssub.s32 $0x2, s2;
	s2 =	smul.u32 $0x9C400, s2;
	s8 =	sshrl.u32 s11, $0x3  }
0xb: {  	s13 =	sshrl.u32 s10, $0x1;
	s17 =	sadd.s32 s11, s4;
	s7 =	sadd.s32 s3, s6  }
0xc: {  	s6 =	sadd.s32 $0x2600, s9;
	s8 =	sadd.s32 s8, s9;
	s15 =	ssub.s32 s10, s13  }
0xd: {  	s30 =	sadd.s32 s11, s2;
	s2 =	sshrl.u32 s2, $0x3;
	s17 =	sshrl.u32 @!p0 s17, $0x3  }
0xe: {  	s7 =	sshrl.u32 s7, $0x3;
	s8 =	sadd.s32 $0xC400, s8;
	s31 =	sshrl.u32 s30, $0x3  }
0xf: {  	s2 =	sadd.s32 s14, s2;
	s12 =	sadd.s32 s7, s9;
	s7 =	sadd.s32 $0x20800, s9  }
0x10: {  	s9 =	sadd.s32 $0x1EC40, s9;
	s13 =	sadd.s32 $0x12840, s2;
	s2 =	sshll.u32 @!p0 s0, $0x6  }
0x11: {  	s10 =	sadd.s32 $0x9A000, s12;
	s11 =	sadd.s32 $0xADA00, s12;
	s12 =	sadd.s32 s14, s31  }
0x12: {  	s14 =	smax.u32 s15, $0x1;
	s15 =	sshrl.u32 @p0 s16, $0x3;
	s16 =	sor.u32 @!p0 $0x1C03, s2  }
.LBB2_1:
0x13: {  	s2 =	simm.s32 @p0 $0x1FC3  }
0x14: {  	[spmem:s15], [sflag:s2] =	dma.local @p0 [hbm:s9], $0x1040  }
0x15: {  	s2 =	simm.s32 @p0 $0x3  }
0x16: {  	_ =	swait.ge @p0 [sflag:s2], $0x1040  }
0x17: {  	[sflag:s2] =	ssyncset.done @p0 $0x0  }
0x18: {  	[sflag:s2] =	ssyncadd.s32 @p0 $0xFFFFEFC0;
	s2 =	simm.s32 @!p0 $0x3  }
0x19: {  	[spmem:s17], [sflag:s16] =	dma.local @!p0 [hbm:s8], $0x13C0  }
0x1a: {  	_ =	swait.ge @!p0 [sflag:s2], $0x13C0  }
0x1b: {  	[sflag:s2] =	ssyncset.done @!p0 $0x0  }
0x1c: {  	[sflag:s2] =	ssyncadd.s32 @!p0 $0xFFFFEC40  }
0x1d: {  	[tilespmem:s5], [sflag:$0x3] =	stream.linear.gather [hbm4b:s10+s5], $0x4E20, $0x38;
	[tilespmem:$0x160D0] =	vst v63  }
0x1e: {  	_ =	swait.ge [sflag:s18], $0x4E20  }
0x1f: {  	[sflag:s18] =	ssyncset.done $0x0  }
0x20: {  	[sflag:s18] =	ssyncadd.s32 $0xFFFFB1E0  }
0x21: {  	[tilespmem:s19], [sflag:$0x3] =	stream.linear.gather [hbm4b:s11+s5], $0x4E20, $0x38;
	[tilespmem:$0x160D0] =	vst v63  }
0x22: {  	_ =	swait.ge [sflag:s18], $0x4E20  }
0x23: {  	[sflag:s18] =	ssyncset.done $0x0  }
0x24: {  	[sflag:s18] =	ssyncadd.s32 $0xFFFFB1E0  }
0x25: {  	s28 =	simm.s32 $0x0;
	[bflag:$0x0] =	sbarrier.arrive $0xFFFF  }
.LBB2_2:
0x26: {  	s2 =	smul.u32 $0x50, s28;
	_ =	sdelay $0x1  }
0x27: {  	[tilespmem:s21], [sflag:$0x1] =	stream.indirect.gather [hbm4b:s1+s20], $0x40, s2, s20, $0xb8;
	[tilespmem:$0x160D0] =	vst v63  }
0x28: {  	_ =	swait.ge [sflag:s22], $0x1400  }
0x29: {  	[sflag:s22] =	ssyncset.done $0x0  }
0x2a: {  	s29 =	sadd.s32 $0x4E20, s2;
	[sflag:s22] =	ssyncadd.s32 $0xFFFFEC00  }
0x2b: {  	[tilespmem:s23], [sflag:$0x2] =	stream.indirect.gather [hbm4b:s7+s20], $0x40, s29, s20, $0xb8;
	[tilespmem:$0x160D0] =	vst v63  }
0x2c: {  	s2 =	sadd.s32 s3, s2;
	_ =	swait.ge [sflag:s24], $0x1400  }
0x2d: {  	s2 =	sshrl.u32 s2, $0x3;
	[sflag:s24] =	ssyncset.done $0x0  }
0x2e: {  	s2 =	sadd.s32 s6, s2;
	[sflag:s24] =	ssyncadd.s32 $0xFFFFEC00  }
0x2f: {  	[tilespmem:s25], [sflag:$0x3] =	stream.linear.gather [hbm4b:s2+s5], $0x50, $0x38;
	[tilespmem:$0x160D0] =	vst v63  }
0x30: {  	_ =	swait.ge [sflag:s18], $0x50  }
0x31: {  	[sflag:s18] =	ssyncset.done $0x0  }
0x32: {  	s29 =	simm.s32 $0x9C80;
	[sflag:s18] =	ssyncadd.s32 $0xFFFFFFB0  }
0x33: {  	s30 =	simm.s32 $0xB080;
	v0 =	vld [tilespmem:s29+$0xFFFFFFC0]  }
0x34: {  	v1 =	vld [tilespmem:s30+$0xFFFFFFC0];
	_ =	sdelay $0x4  }
0x35: {  	v0 =	vadd.f32 v1, v0;
	_ =	sdelay $0x1  }
0x36: {  	v0 =	vmax.f32 v0, $0.0e+00  }
0x37: {  	[tilespmem:s29+$0xFFFFFFC0] =	vst v0;
	v0 =	vld [tilespmem:s29+$0xFFFFFFD0]  }
0x38: {  	v1 =	vld [tilespmem:s30+$0xFFFFFFD0];
	_ =	sdelay $0x4  }
0x39: {  	v0 =	vadd.f32 v1, v0;
	_ =	sdelay $0x1  }
0x3a: {  	v0 =	vmax.f32 v0, $0.0e+00  }
0x3b: {  	[tilespmem:s29+$0xFFFFFFD0] =	vst v0;
	v0 =	vld [tilespmem:s29+$0xFFFFFFE0]  }
0x3c: {  	v1 =	vld [tilespmem:s30+$0xFFFFFFE0];
	_ =	sdelay $0x4  }
0x3d: {  	v0 =	vadd.f32 v1, v0;
	_ =	sdelay $0x1  }
0x3e: {  	v0 =	vmax.f32 v0, $0.0e+00  }
0x3f: {  	[tilespmem:s29+$0xFFFFFFE0] =	vst v0;
	v0 =	vld [tilespmem:s29+$0xFFFFFFF0]  }
0x40: {  	v1 =	vld [tilespmem:s30+$0xFFFFFFF0];
	_ =	sdelay $0x4  }
0x41: {  	v0 =	vadd.f32 v1, v0;
	_ =	sdelay $0x1  }
0x42: {  	v0 =	vmax.f32 v0, $0.0e+00  }
0x43: {  	[tilespmem:s29+$0xFFFFFFF0] =	vst v0;
	v0 =	vld [tilespmem:s29+$0x0]  }
0x44: {  	v1 =	vld [tilespmem:s30+$0x0];
	_ =	sdelay $0x4  }
0x45: {  	v0 =	vadd.f32 v1, v0;
	_ =	sdelay $0x1  }
0x46: {  	v0 =	vmax.f32 v0, $0.0e+00  }
0x47: {  	[tilespmem:s29+$0x0] =	vst v0;
	v0 =	vld [tilespmem:s29+$0x10]  }
0x48: {  	v1 =	vld [tilespmem:s30+$0x10];
	_ =	sdelay $0x4  }
0x49: {  	v0 =	vadd.f32 v1, v0;
	_ =	sdelay $0x1  }
0x4a: {  	v0 =	vmax.f32 v0, $0.0e+00  }
0x4b: {  	[tilespmem:s29+$0x10] =	vst v0;
	v0 =	vld [tilespmem:s29+$0x20]  }
0x4c: {  	v1 =	vld [tilespmem:s30+$0x20];
	_ =	sdelay $0x4  }
0x4d: {  	v0 =	vadd.f32 v1, v0;
	_ =	sdelay $0x1  }
0x4e: {  	v0 =	vmax.f32 v0, $0.0e+00  }
0x4f: {  	[tilespmem:s29+$0x20] =	vst v0;
	v0 =	vld [tilespmem:s29+$0x30]  }
0x50: {  	v1 =	vld [tilespmem:s30+$0x30];
	_ =	sdelay $0x4  }
0x51: {  	v0 =	vadd.f32 v1, v0;
	_ =	sdelay $0x1  }
0x52: {  	s31 =	simm.s32 $0x0;
	s2 =	simm.s32 $0x9D00;
	v0 =	vmax.f32 v0, $0.0e+00  }
.LBB2_3:
0x53: {  	v1 =	vld [tilespmem:s2+$0xFFFFFFC0];
	[tilespmem:s29+$0x30] =	vst v0;
	s30 =	sadd.s32 $0x80, s30;
	s29 =	smov.u32 s2  }
0x54: {  	s31 =	sadd.s32 $0x2, s31;
	v0 =	vld [tilespmem:s30+$0xFFFFFFC0]  }
0x55: {  	p1 =	slt.u32 s31, $0x4E;
	_ =	sdelay $0x3  }
0x56: {  	v0 =	vadd.f32 v0, v1;
	_ =	sdelay $0x1  }
0x57: {  	v0 =	vmax.f32 v0, $0.0e+00  }
0x58: {  	[tilespmem:s2+$0xFFFFFFC0] =	vst v0;
	v0 =	vld [tilespmem:s2+$0xFFFFFFD0]  }
0x59: {  	v1 =	vld [tilespmem:s30+$0xFFFFFFD0];
	_ =	sdelay $0x4  }
0x5a: {  	v0 =	vadd.f32 v1, v0;
	_ =	sdelay $0x1  }
0x5b: {  	v0 =	vmax.f32 v0, $0.0e+00  }
0x5c: {  	[tilespmem:s2+$0xFFFFFFD0] =	vst v0;
	v0 =	vld [tilespmem:s2+$0xFFFFFFE0]  }
0x5d: {  	v1 =	vld [tilespmem:s30+$0xFFFFFFE0];
	_ =	sdelay $0x4  }
0x5e: {  	v0 =	vadd.f32 v1, v0;
	_ =	sdelay $0x1  }
0x5f: {  	v0 =	vmax.f32 v0, $0.0e+00  }
0x60: {  	[tilespmem:s2+$0xFFFFFFE0] =	vst v0;
	v0 =	vld [tilespmem:s2+$0xFFFFFFF0]  }
0x61: {  	v1 =	vld [tilespmem:s30+$0xFFFFFFF0];
	_ =	sdelay $0x4  }
0x62: {  	v0 =	vadd.f32 v1, v0;
	_ =	sdelay $0x1  }
0x63: {  	v0 =	vmax.f32 v0, $0.0e+00  }
0x64: {  	[tilespmem:s2+$0xFFFFFFF0] =	vst v0;
	v0 =	vld [tilespmem:s2+$0x0]  }
0x65: {  	v1 =	vld [tilespmem:s30+$0x0];
	_ =	sdelay $0x4  }
0x66: {  	v0 =	vadd.f32 v1, v0;
	_ =	sdelay $0x1  }
0x67: {  	v0 =	vmax.f32 v0, $0.0e+00  }
0x68: {  	[tilespmem:s2+$0x0] =	vst v0;
	v0 =	vld [tilespmem:s2+$0x10]  }
0x69: {  	v1 =	vld [tilespmem:s30+$0x10];
	_ =	sdelay $0x4  }
0x6a: {  	v0 =	vadd.f32 v1, v0;
	_ =	sdelay $0x1  }
0x6b: {  	v0 =	vmax.f32 v0, $0.0e+00  }
0x6c: {  	[tilespmem:s2+$0x10] =	vst v0;
	v0 =	vld [tilespmem:s2+$0x20]  }
0x6d: {  	v1 =	vld [tilespmem:s30+$0x20];
	_ =	sdelay $0x4  }
0x6e: {  	v0 =	vadd.f32 v1, v0;
	_ =	sdelay $0x1  }
0x6f: {  	v0 =	vmax.f32 v0, $0.0e+00  }
0x70: {  	[tilespmem:s2+$0x20] =	vst v0;
	v0 =	vld [tilespmem:s2+$0x30]  }
0x71: {  	v1 =	vld [tilespmem:s30+$0x30];
	_ =	sdelay $0x2  }
.Ltmp0:
0x72: {  	(pc) =	sbr.rel @p1 .LBB2_3-.Ltmp0, $3  }
0x73: {  	_ = 	snop  }
0x74: {  	v0 =	vadd.f32 v1, v0;
	_ =	sdelay $0x1  }
0x75: {  	s2 =	sadd.s32 $0x80, s2;
	v0 =	vmax.f32 v0, $0.0e+00  }
0x76: {  	s28 =	sadd.s32 $0x1, s28  }
0x77: {  	p1 =	sne.s32 s28, $0xFA  }
.Ltmp1:
0x78: {  	[tilespmem:s29+$0x30] =	vst v0;
	(pc) =	sbr.rel @p1 .LBB2_2-.Ltmp1, $4  }
0x79: {  	[spmem:s4] =	stream.indirect.scatter.add.f32 [tilespmem:s21], [sflag:$0x3], $0x40, s25, s20, $0xb8;
	[tilespmem:$0x160D0] =	vst v63  }
0x7a: {  	_ =	swait.ge [sflag:s18], $0x1400  }
0x7b: {  	[sflag:s18] =	ssyncset.done $0x0  }
0x7c: {  	[sflag:s18] =	ssyncadd.s32 $0xFFFFEC00  }
0x7d: {  	[bflag:$0x0] =	sbarrier.arrive $0xFFFF;
	s2 =	simm.s32 @p0 $0x1FC3  }
0x7e: {  	[hbm:s13], [sflag:s2] =	dma.local @p0 [spmem:s15], $0x1040  }
0x7f: {  	s2 =	simm.s32 @p0 $0x3  }
0x80: {  	s26 =	sadd.s32 $0x1, s26;
	_ =	swait.ge @p0 [sflag:s2], $0x1040  }
0x81: {  	p1 =	sne.s32 s26, s14;
	[sflag:s2] =	ssyncset.done @p0 $0x0  }
.Ltmp2:
0x82: {  	[sflag:s2] =	ssyncadd.s32 @p0 $0xFFFFEFC0;
	s2 =	simm.s32 @!p0 $0x3;
	(pc) =	sbr.rel @p1 .LBB2_1-.Ltmp2, $4  }
0x83: {  	[hbm:s12], [sflag:s16] =	dma.local @!p0 [spmem:s17], $0x13C0  }
0x84: {  	_ =	swait.ge @!p0 [sflag:s2], $0x13C0  }
0x85: {  	[sflag:s2] =	ssyncset.done @!p0 $0x0  }
0x86: {  	[sflag:s2] =	ssyncadd.s32 @!p0 $0xFFFFEC40  }
0x87: {  	_ =	sfence.sel $0x180000  }
0x88: {  	[bflag:$0x0] =	sbarrier.arrive $0xFFFF  }
0x89: {  	_ =	strace $0x90000053  }
0x8a: {  	[bflag:$0x2] =	sbarrier.arrive $0xFFFF  }
0x8b: {  	p0 =	sne.s32 s0, $0x0;
	s0 =	rddreg [dreg:$0x3]  }
0x8c: {  	s0 =	sadd.s32 @!p0 $0x100000, s0  }
0x8d: {  	[sflag:s0] =	ssyncadd.tile.s32 @!p0 $0x1;
	_ =	shalt  }
.Lfunc_end2:
_tile_overlayer_lowered:
.L_overlay_start_2:
0x8e: {  	(tag) =	ssettag $0x2  }
0x8f: {  	s0 =	rddreg [dreg:$0x0];
	s2 =	stileid.u32  }
0x90: {  	s1 =	rddreg [dreg:$0x1];
	p0 =	sne.s32 s2, $0x0  }
0x91: {  	s3 =	rddreg [dreg:$0x2];
	[bflag:$0x3] =	sbarrier.arrive $0xFFFF;
	s2 =	simm.s32 @!p0 $0x1C03  }
0x92: {  	[timem:s3], [sflag:s2] =	dma.local @!p0 [hbm:s0], s1  }
0x93: {  	s0 =	simm.s32 @!p0 $0x3  }
0x94: {  	_ =	swait.ge @!p0 [sflag:s0], s1  }
0x95: {  	s1 =	ssub.s32 @!p0 $0x0, s1;
	[sflag:s0] =	ssyncset.done @!p0 $0x0  }
0x96: {  	[sflag:s0] =	ssyncadd.s32 @!p0 s1  }
0x97: {  	[bflag:$0x3] =	sbarrier.arrive $0xFFFF  }
0x98: {  	_ =	shalt  }

// kernel: kernel.15.cloned.1.call-start
scs
__scs_entry_jumppad:
0x0: {  	(pc) =	sbr.rel $0x88, $3  }
0x1: {  	(tag) =	ssettag $0x0;
	lr =	simm.s32 $0x1  }
0x2: {  	[smem:$0x3F68] =	sst lr;
	_ =	strace $0xD0000000  }
0x3: {  	_ = 	snop  }
0x4: {  	_ = 	snop  }
0x5: {  	_ = 	snop  }
0x6: {  	_ = 	snop  }
0x7: {  	_ = 	snop  }
__scs_overlays_trampoline_lowered:
0x8: {  	[smem:$0x3F77] =	sst s0  }
0x9: {  	[smem:$0x3F78] =	sst s1  }
0xa: {  	[smem:$0x3F79] =	sst s2  }
0xb: {  	[smem:$0x3F7A] =	sst s3  }
0xc: {  	[smem:$0x3F7B] =	sst s4  }
0xd: {  	[smem:$0x3F7C] =	sst s5  }
0xe: {  	[smem:$0x3F7D] =	sst s6  }
0xf: {  	[smem:$0x3F7E] =	sst s7  }
0x10: {  	[smem:$0x3F7F] =	sst s8  }
0x11: {  	[smem:$0x3F80] =	sst s9;
	s0 =	simm.s32 @!p0 $0x0  }
0x12: {  	s1 =	sld [smem:$0x3F66];
	s0 =	simm.s32 @p0 $0x1  }
0x13: {  	[smem:$0x3F81] =	sst s0;
	s0 =	simm.s32 @!p1 $0x0  }
0x14: {  	s2 =	sld [smem:$0x3F65];
	s0 =	simm.s32 @p1 $0x1  }
0x15: {  	[smem:$0x3F82] =	sst s0;
	s0 =	simm.s32 @!p2 $0x0  }
0x16: {  	s3 =	sld [smem:$0x3FDB];
	s0 =	simm.s32 @p2 $0x1  }
0x17: {  	s4 =	simm.s32 $0x1BF5;
	[smem:$0x3F84] =	sst s0  }
0x18: {  	s0 =	sld [smem:$0x3F67];
	_ =	swait.ge [sflag:s4], $0x0  }
0x19: {  	s7 =	sld [smem:$0x3F68]  }
0x1a: {  	s8 =	sadd.s32 $0xFFFFE003, lr  }
0x1b: {  	s9 =	sadd.s32 $0xFFFFFEF7, lr;
	s5 =	simm.s32 $0xFFFFFFFF;
	p2 =	slt.u32 s8, $0xFFFFF086  }
0x1c: {  	p1 =	slt.u32 s9, $0xF7A;
	s5 =	simm.s32 @!p2 $0x0  }
0x1d: {  	s5 =	simm.s32 @p1 $0x1;
	p0 =	seq.s32 s7, s2  }
0x1e: {  	s7 =	smul.u32 @!p0 $0xF7A, s2;
	p2 =	seq.s32 @!p0 s5, $0x0  }
0x1f: {  	s9 =	smul.u32 $0xF7A, s1;
	s8 =	simm.s32 @!p0 $0x1BF5;
	p2 =	por !p2, p0  }
0x20: {  	[sflag:s8] =	ssyncset.s32 @!p0 $0xFFFFF086;
	s6 =	sadd.s32 @!p0 s3, s7;
	s7 =	simm.s32 @!p0 $0x108  }
0x21: {  	s3 =	sadd.s32 s3, s9;
	s6 =	sadd.s32 @!p0 $0x88, s6;
	s7 =	simm.s32 @p2 $0x1082  }
0x22: {  	[simem:s7], [sflag:s8] =	dma.local @!p0 [hbm:s6], $0xF7A  }
0x23: {  	s9 =	sor.u32 $0xD0000000, s2;
	s6 =	simm.s32 $0x108;
	_ =	swait.ge @!p0 [sflag:s8], $0x0  }
0x24: {  	s3 =	sadd.s32 $0x88, s3;
	s6 =	simm.s32 @!p1 $0x1082;
	[sflag:s4] =	ssyncset.s32 $0xFFFFF086  }
0x25: {  	[simem:s6], [sflag:s4] =	dma.local [hbm:s3], $0xF7A  }
0x26: {  	[smem:$0x3F68] =	sst s1;
	(tag) =	ssettag s2;
	_ =	strace s9  }
0x27: {  	s1 =	sld [smem:$0x3F78]  }
0x28: {  	s2 =	sld [smem:$0x3F79]  }
0x29: {  	s4 =	sld [smem:$0x3F7B]  }
0x2a: {  	p0 =	seq.s32 s5, $0x0;
	s5 =	sld [smem:$0x3F7C]  }
0x2b: {  	s6 =	sld [smem:$0x3F7D]  }
0x2c: {  	s7 =	sld [smem:$0x3F7E]  }
0x2d: {  	s3 =	simm.s32 $0x108;
	s8 =	sld [smem:$0x3F7F]  }
0x2e: {  	s3 =	simm.s32 @!p0 $0x1082;
	s9 =	sld [smem:$0x3F80]  }
0x2f: {  	lr =	sadd.s32 s0, s3;
	s0 =	sld [smem:$0x3F77]  }
0x30: {  	s3 =	sld [smem:$0x3F7A]  }
0x31: {  	[smem:$0x3F83] =	sst s10  }
0x32: {  	s10 =	sld [smem:$0x3F81];
	_ =	sdelay $0x3  }
0x33: {  	p0 =	seq.s32 s10, $0x1;
	s10 =	sld [smem:$0x3F83];
	_ =	sdelay $0x3  }
0x34: {  	[smem:$0x3F83] =	sst s10  }
0x35: {  	s10 =	sld [smem:$0x3F82];
	_ =	sdelay $0x3  }
0x36: {  	p1 =	seq.s32 s10, $0x1;
	s10 =	sld [smem:$0x3F83];
	_ =	sdelay $0x3  }
0x37: {  	[smem:$0x3F83] =	sst s10  }
0x38: {  	s10 =	sld [smem:$0x3F84]  }
0x39: {  	_ = 	snop;
	(pc) =	sbr.ind lr, $3  }
0x3a: {  	_ = 	snop  }
0x3b: {  	_ = 	snop  }
0x3c: {  	p2 =	seq.s32 s10, $0x1;
	s10 =	sld [smem:$0x3F83]  }
0x3d: {  	_ =	shalt  }
0x3e: {  	_ =	shalt  }
0x3f: {  	_ =	shalt  }
0x40: {  	_ =	shalt  }
0x41: {  	_ =	shalt  }
0x42: {  	_ =	shalt  }
0x43: {  	_ =	shalt  }
0x44: {  	_ =	shalt  }
0x45: {  	_ =	shalt  }
0x46: {  	_ =	shalt  }
0x47: {  	_ =	shalt  }
0x48: {  	_ =	shalt  }
0x49: {  	_ =	shalt  }
0x4a: {  	_ =	shalt  }
0x4b: {  	_ =	shalt  }
0x4c: {  	_ =	shalt  }
0x4d: {  	_ =	shalt  }
0x4e: {  	_ =	shalt  }
0x4f: {  	_ =	shalt  }
0x50: {  	_ =	shalt  }
0x51: {  	_ =	shalt  }
0x52: {  	_ =	shalt  }
0x53: {  	_ =	shalt  }
0x54: {  	_ =	shalt  }
0x55: {  	_ =	shalt  }
0x56: {  	_ =	shalt  }
0x57: {  	_ =	shalt  }
0x58: {  	_ =	shalt  }
0x59: {  	_ =	shalt  }
0x5a: {  	_ =	shalt  }
0x5b: {  	_ =	shalt  }
0x5c: {  	_ =	shalt  }
0x5d: {  	_ =	shalt  }
0x5e: {  	_ =	shalt  }
0x5f: {  	_ =	shalt  }
0x60: {  	_ =	shalt  }
0x61: {  	_ =	shalt  }
0x62: {  	_ =	shalt  }
0x63: {  	_ =	shalt  }
0x64: {  	_ =	shalt  }
0x65: {  	_ =	shalt  }
0x66: {  	_ =	shalt  }
0x67: {  	_ =	shalt  }
0x68: {  	_ =	shalt  }
0x69: {  	_ =	shalt  }
0x6a: {  	_ =	shalt  }
0x6b: {  	_ =	shalt  }
0x6c: {  	_ =	shalt  }
0x6d: {  	_ =	shalt  }
0x6e: {  	_ =	shalt  }
0x6f: {  	_ =	shalt  }
0x70: {  	_ =	shalt  }
0x71: {  	_ =	shalt  }
0x72: {  	_ =	shalt  }
0x73: {  	_ =	shalt  }
0x74: {  	_ =	shalt  }
0x75: {  	_ =	shalt  }
0x76: {  	_ =	shalt  }
0x77: {  	_ =	shalt  }
0x78: {  	_ =	shalt  }
0x79: {  	_ =	shalt  }
0x7a: {  	_ =	shalt  }
0x7b: {  	_ =	shalt  }
0x7c: {  	_ =	shalt  }
0x7d: {  	_ =	shalt  }
0x7e: {  	_ =	shalt  }
0x7f: {  	_ =	shalt  }
0x80: {  	_ =	shalt  }
0x81: {  	_ =	shalt  }
0x82: {  	_ =	shalt  }
0x83: {  	_ =	shalt  }
0x84: {  	_ =	shalt  }
0x85: {  	_ =	shalt  }
0x86: {  	_ =	shalt  }
0x87: {  	_ =	shalt  }
.Lfunc_end0:
.L_simem_size_0:
called_computation.5_lowered:
.L_overlay_start_0:
0x88: {  	s2 =	sld [smem:$0x3FD9]  }
0x89: {  	s3 =	sld [smem:$0x3FFE];
	_ =	sdelay $0x1  }
0x8a: {  	s1 =	srdreg.scid  }
0x8b: {  	s0 =	sand.u32 $0x1, s1  }
0x8c: {  	s17 =	sshll.u32 s0, $0xA;
	s2 =	sadd.s32 s3, s2  }
0x8d: {  	s2 =	sadd.s32 s2, s17  }
0x8e: {  	[smem:$0x3F8F] =	sst s2  }
0x8f: {  	_ = 	snop  }
0x90: {  	s2 =	sld [smem:$0x3FD0];
	(tm) =	ssettm $0x1  }
0x91: {  	s18 =	sld [smem:$0x3FFB];
	_ =	sdelay $0x3  }
0x92: {  	_ =	strace s18  }
0x93: {  	s3 =	sld [smem:$0x3FFC];
	_ =	sdelay $0x3  }
0x94: {  	_ =	strace s3  }
0x95: {  	s3 =	sld [smem:$0x3FFD];
	_ =	sdelay $0x3  }
0x96: {  	_ =	strace s3  }
0x97: {  	_ =	strace $0x8FFFFFFF  }
0x98: {  	s19 =	sld [smem:$0x3FDB];
	_ =	sdelay $0x1  }
0x99: {  	s4 =	simm.s32 $_scs_section_size  }
0x9a: {  	s5 =	simm.s32 $_size__tile_overlayer_lowered;
	s6 =	simm.s32 $_tile_overlayer_lowered  }
0x9b: {  	s22 =	simm.s32 $0x1BFF;
	s21 =	sshll.u32 s6, $0x1;
	s3 =	sadd.s32 s4, s19  }
0x9c: {  	s7 =	simm.s32 $0x0;
	s20 =	sshll.u32 s5, $0x1;
	s5 =	sadd.s32 s21, s3  }
0x9d: {  	[timem:s7], [sflag:s22] =	dma.local [hbm:s5], s20  }
0x9e: {  	_ =	swait.ge [sflag:s22], s20  }
0x9f: {  	s4 =	ssub.s32 $0x0, s20;
	[sflag:s22] =	ssyncset.done $0x0  }
0xa0: {  	[sflag:s22] =	ssyncadd.s32 s4;
	_ =	sdelay $0x1  }
0xa1: {  	s23 =	simm.s32 $0x1B8B  }
0xa2: {  	_ =	swait.ge [sflag:s23], $0x1  }
0xa3: {  	[sflag:s23] =	ssyncset.done $0x0  }
0xa4: {  	s25 =	simm.s32 $0x1B8E;
	s24 =	sld [smem:$0x3FFE];
	[sflag:s23] =	ssyncadd.s32 $0xFFFFFFFF  }
0xa5: {  	s26 =	simm.s32 $execute0_lowered;
	[smem:$0x3FD2] =	sst s25  }
0xa6: {  	s5 =	sshll.u32 s26, $0x1;
	_ =	strace $0x80000055;
	[dreg:$0x1] =	wrdreg $0xFFFFFFFF  }
0xa7: {  	s28 =	simm.s32 $_size_execute0_lowered;
	s3 =	sadd.s32 s3, s5;
	[dreg:$0x0] =	wrdreg $0x0  }
0xa8: {  	s5 =	sshll.u32 s28, $0x1;
	[dreg:$0x2] =	wrdreg s3  }
0xa9: {  	[dreg:$0x3] =	wrdreg s5  }
0xaa: {  	[dreg:$0x4] =	wrdreg $0xC0  }
0xab: {  	_ =	task [dreg:s7], $0x5FFFF  }
0xac: {  	[dreg:$0x1] =	wrdreg $0xFFFFFFFF  }
0xad: {  	[dreg:$0x0] =	wrdreg $0x60  }
0xae: {  	[dreg:$0x2] =	wrdreg s2  }
0xaf: {  	[dreg:$0x3] =	wrdreg s24  }
0xb0: {  	[dreg:$0x4] =	wrdreg $0xC4900  }
0xb1: {  	[dreg:$0x5] =	wrdreg $0x9  }
0xb2: {  	_ =	task.clear_ibuf [dreg:s7], $0x6FFFF;
	_ =	strace $0x90000055  }
0xb3: {  	s29 =	simm.s32 $0x9;
	_ =	strace $0x80000057  }
0xb4: {  	_ =	swait.ge [sflag:s29], $0x1  }
0xb5: {  	[sflag:s29] =	ssyncadd.s32 $0xFFFFFFFF  }
0xb6: {  	_ =	strace $0x90000057  }
0xb7: {  	_ =	sfence  }
0xb8: {  	s30 =	sld [smem:$0x0];
	_ =	sdelay $0x2  }
0xb9: {  	s31 =	sshll.u32 s1, $0xD;
	s1 =	sshrl.u32 s1, $0x2  }
0xba: {  	s3 =	sand.u32 $0x4000, s31;
	s1 =	sadd.s32 s1, s30  }
0xbb: {  	s0 =	sor.u32 s3, s0;
	s1 =	sshll.u32 s1, $0x11  }
0xbc: {  	s0 =	sor.u32 s1, s0  }
0xbd: {  	s0 =	sadd.s32 $0x8F2B, s0  }
0xbe: {  	[sflag:s0] =	ssyncadd.remote.s32 $0x1  }
0xbf: {  	_ =	sfence.sel $0xFFFF  }
0xc0: {  	[dreg:$0x0] =	wrdreg $0xFFFFFFFF;
	(pc) =	sbr.abs _section_cstart, $3  }
0xc1: {  	[dreg:$0x1] =	wrdreg $0xFFFFFFFF  }
0xc2: {  	_ =	task.clear_ibuf [dreg:s7], $0x2FFFF;
	_ =	strace $0x9FFFFFFF  }
0xc3: {  	(tm) =	ssettm $0x7FFFFFFF  }
tec
execute0_lowered:
.L_overlay_start_1:
0x0: {  	(tag) =	ssettag $0x1  }
0x1: {  	s1 =	rddreg [dreg:$0x0]  }
0x2: {  	s2 =	srdreg.scid;
	s9 =	rddreg [dreg:$0x1]  }
0x3: {  	s0 =	stileid.u32;
	s4 =	rddreg [dreg:$0x2];
	s5 =	simm.s32 $0x0  }
0x4: {  	s18 =	simm.s32 $0x3;
	s19 =	simm.s32 $0x4E20;
	s20 =	simm.s32 $0x50  }
0x5: {  	s21 =	simm.s32 $0x9C40;
	s22 =	simm.s32 $0x1;
	s23 =	simm.s32 $0xB040  }
0x6: {  	s24 =	simm.s32 $0x2;
	s25 =	simm.s32 $0xC440;
	s26 =	simm.s32 $0x0  }
0x7: {  	s2 =	sand.u32 $0x1, s2;
	s3 =	smul.u32 $0x4E20, s0;
	[smem:$0x7FF] =	sst s5  }
0x8: {  	s11 =	smul.u32 $0x9E00, s0;
	s14 =	sadd.s32 $0xC1400, s9;
	s16 =	sadd.s32 $0x94200, s4  }
0x9: {  	p0 =	seq.s32 s0, $0xF;
	s6 =	smul.u32 $0x4E200, s2;
	_ =	strace $0x80000056  }
0xa: {  	s10 =	ssub.s32 $0x2, s2;
	s2 =	smul.u32 $0x9C400, s2;
	s8 =	sshrl.u32 s11, $0x3  }
0xb: {  	s13 =	sshrl.u32 s10, $0x1;
	s17 =	sadd.s32 s11, s4;
	s7 =	sadd.s32 s3, s6  }
0xc: {  	s6 =	sadd.s32 $0x2600, s9;
	s8 =	sadd.s32 s8, s9;
	s15 =	ssub.s32 s10, s13  }
0xd: {  	s30 =	sadd.s32 s11, s2;
	s2 =	sshrl.u32 s2, $0x3;
	s17 =	sshrl.u32 @!p0 s17, $0x3  }
0xe: {  	s7 =	sshrl.u32 s7, $0x3;
	s8 =	sadd.s32 $0xC400, s8;
	s31 =	sshrl.u32 s30, $0x3  }
0xf: {  	s2 =	sadd.s32 s14, s2;
	s12 =	sadd.s32 s7, s9;
	s7 =	sadd.s32 $0xE8600, s9  }
0x10: {  	s9 =	sadd.s32 $0x1EC40, s9;
	s13 =	sadd.s32 $0x12840, s2;
	s2 =	sshll.u32 @!p0 s0, $0x6  }
0x11: {  	s10 =	sadd.s32 $0x9A000, s12;
	s11 =	sadd.s32 $0xADA00, s12;
	s12 =	sadd.s32 s14, s31  }
0x12: {  	s14 =	smax.u32 s15, $0x1;
	s15 =	sshrl.u32 @p0 s16, $0x3;
	s16 =	sor.u32 @!p0 $0x1C03, s2  }
.LBB2_1:
0x13: {  	s2 =	simm.s32 @p0 $0x1FC3  }
0x14: {  	[spmem:s15], [sflag:s2] =	dma.local @p0 [hbm:s9], $0x1040  }
0x15: {  	s2 =	simm.s32 @p0 $0x3  }
0x16: {  	_ =	swait.ge @p0 [sflag:s2], $0x1040  }
0x17: {  	[sflag:s2] =	ssyncset.done @p0 $0x0  }
0x18: {  	[sflag:s2] =	ssyncadd.s32 @p0 $0xFFFFEFC0;
	s2 =	simm.s32 @!p0 $0x3  }
0x19: {  	[spmem:s17], [sflag:s16] =	dma.local @!p0 [hbm:s8], $0x13C0  }
0x1a: {  	_ =	swait.ge @!p0 [sflag:s2], $0x13C0  }
0x1b: {  	[sflag:s2] =	ssyncset.done @!p0 $0x0  }
0x1c: {  	[sflag:s2] =	ssyncadd.s32 @!p0 $0xFFFFEC40  }
0x1d: {  	[tilespmem:s5], [sflag:$0x3] =	stream.linear.gather [hbm4b:s10+s5], $0x4E20, $0x38;
	[tilespmem:$0x160D0] =	vst v63  }
0x1e: {  	_ =	swait.ge [sflag:s18], $0x4E20  }
0x1f: {  	[sflag:s18] =	ssyncset.done $0x0  }
0x20: {  	[sflag:s18] =	ssyncadd.s32 $0xFFFFB1E0  }
0x21: {  	[tilespmem:s19], [sflag:$0x3] =	stream.linear.gather [hbm4b:s11+s5], $0x4E20, $0x38;
	[tilespmem:$0x160D0] =	vst v63  }
0x22: {  	_ =	swait.ge [sflag:s18], $0x4E20  }
0x23: {  	[sflag:s18] =	ssyncset.done $0x0  }
0x24: {  	[sflag:s18] =	ssyncadd.s32 $0xFFFFB1E0  }
0x25: {  	s28 =	simm.s32 $0x0;
	[bflag:$0x0] =	sbarrier.arrive $0xFFFF  }
.LBB2_2:
0x26: {  	s2 =	smul.u32 $0x50, s28;
	_ =	sdelay $0x1  }
0x27: {  	[tilespmem:s21], [sflag:$0x1] =	stream.indirect.gather [hbm4b:s1+s20], $0x40, s2, s20, $0xb8;
	[tilespmem:$0x160D0] =	vst v63  }
0x28: {  	_ =	swait.ge [sflag:s22], $0x1400  }
0x29: {  	[sflag:s22] =	ssyncset.done $0x0  }
0x2a: {  	s29 =	sadd.s32 $0x4E20, s2;
	[sflag:s22] =	ssyncadd.s32 $0xFFFFEC00  }
0x2b: {  	[tilespmem:s23], [sflag:$0x2] =	stream.indirect.gather [hbm4b:s7+s20], $0x40, s29, s20, $0xb8;
	[tilespmem:$0x160D0] =	vst v63  }
0x2c: {  	s2 =	sadd.s32 s3, s2;
	_ =	swait.ge [sflag:s24], $0x1400  }
0x2d: {  	s2 =	sshrl.u32 s2, $0x3;
	[sflag:s24] =	ssyncset.done $0x0  }
0x2e: {  	s2 =	sadd.s32 s6, s2;
	[sflag:s24] =	ssyncadd.s32 $0xFFFFEC00  }
0x2f: {  	[tilespmem:s25], [sflag:$0x3] =	stream.linear.gather [hbm4b:s2+s5], $0x50, $0x38;
	[tilespmem:$0x160D0] =	vst v63  }
0x30: {  	_ =	swait.ge [sflag:s18], $0x50  }
0x31: {  	[sflag:s18] =	ssyncset.done $0x0  }
0x32: {  	s29 =	simm.s32 $0x9C80;
	[sflag:s18] =	ssyncadd.s32 $0xFFFFFFB0  }
0x33: {  	s30 =	simm.s32 $0xB080;
	v0 =	vld [tilespmem:s29+$0xFFFFFFC0]  }
0x34: {  	v1 =	vld [tilespmem:s30+$0xFFFFFFC0];
	_ =	sdelay $0x4  }
0x35: {  	v0 =	vadd.f32 v1, v0;
	_ =	sdelay $0x1  }
0x36: {  	v0 =	vmax.f32 v0, $0.0e+00  }
0x37: {  	[tilespmem:s29+$0xFFFFFFC0] =	vst v0;
	v0 =	vld [tilespmem:s29+$0xFFFFFFD0]  }
0x38: {  	v1 =	vld [tilespmem:s30+$0xFFFFFFD0];
	_ =	sdelay $0x4  }
0x39: {  	v0 =	vadd.f32 v1, v0;
	_ =	sdelay $0x1  }
0x3a: {  	v0 =	vmax.f32 v0, $0.0e+00  }
0x3b: {  	[tilespmem:s29+$0xFFFFFFD0] =	vst v0;
	v0 =	vld [tilespmem:s29+$0xFFFFFFE0]  }
0x3c: {  	v1 =	vld [tilespmem:s30+$0xFFFFFFE0];
	_ =	sdelay $0x4  }
0x3d: {  	v0 =	vadd.f32 v1, v0;
	_ =	sdelay $0x1  }
0x3e: {  	v0 =	vmax.f32 v0, $0.0e+00  }
0x3f: {  	[tilespmem:s29+$0xFFFFFFE0] =	vst v0;
	v0 =	vld [tilespmem:s29+$0xFFFFFFF0]  }
0x40: {  	v1 =	vld [tilespmem:s30+$0xFFFFFFF0];
	_ =	sdelay $0x4  }
0x41: {  	v0 =	vadd.f32 v1, v0;
	_ =	sdelay $0x1  }
0x42: {  	v0 =	vmax.f32 v0, $0.0e+00  }
0x43: {  	[tilespmem:s29+$0xFFFFFFF0] =	vst v0;
	v0 =	vld [tilespmem:s29+$0x0]  }
0x44: {  	v1 =	vld [tilespmem:s30+$0x0];
	_ =	sdelay $0x4  }
0x45: {  	v0 =	vadd.f32 v1, v0;
	_ =	sdelay $0x1  }
0x46: {  	v0 =	vmax.f32 v0, $0.0e+00  }
0x47: {  	[tilespmem:s29+$0x0] =	vst v0;
	v0 =	vld [tilespmem:s29+$0x10]  }
0x48: {  	v1 =	vld [tilespmem:s30+$0x10];
	_ =	sdelay $0x4  }
0x49: {  	v0 =	vadd.f32 v1, v0;
	_ =	sdelay $0x1  }
0x4a: {  	v0 =	vmax.f32 v0, $0.0e+00  }
0x4b: {  	[tilespmem:s29+$0x10] =	vst v0;
	v0 =	vld [tilespmem:s29+$0x20]  }
0x4c: {  	v1 =	vld [tilespmem:s30+$0x20];
	_ =	sdelay $0x4  }
0x4d: {  	v0 =	vadd.f32 v1, v0;
	_ =	sdelay $0x1  }
0x4e: {  	v0 =	vmax.f32 v0, $0.0e+00  }
0x4f: {  	[tilespmem:s29+$0x20] =	vst v0;
	v0 =	vld [tilespmem:s29+$0x30]  }
0x50: {  	v1 =	vld [tilespmem:s30+$0x30];
	_ =	sdelay $0x4  }
0x51: {  	v0 =	vadd.f32 v1, v0;
	_ =	sdelay $0x1  }
0x52: {  	s31 =	simm.s32 $0x0;
	s2 =	simm.s32 $0x9D00;
	v0 =	vmax.f32 v0, $0.0e+00  }
.LBB2_3:
0x53: {  	v1 =	vld [tilespmem:s2+$0xFFFFFFC0];
	[tilespmem:s29+$0x30] =	vst v0;
	s30 =	sadd.s32 $0x80, s30;
	s29 =	smov.u32 s2  }
0x54: {  	s31 =	sadd.s32 $0x2, s31;
	v0 =	vld [tilespmem:s30+$0xFFFFFFC0]  }
0x55: {  	p1 =	slt.u32 s31, $0x4E;
	_ =	sdelay $0x3  }
0x56: {  	v0 =	vadd.f32 v0, v1;
	_ =	sdelay $0x1  }
0x57: {  	v0 =	vmax.f32 v0, $0.0e+00  }
0x58: {  	[tilespmem:s2+$0xFFFFFFC0] =	vst v0;
	v0 =	vld [tilespmem:s2+$0xFFFFFFD0]  }
0x59: {  	v1 =	vld [tilespmem:s30+$0xFFFFFFD0];
	_ =	sdelay $0x4  }
0x5a: {  	v0 =	vadd.f32 v1, v0;
	_ =	sdelay $0x1  }
0x5b: {  	v0 =	vmax.f32 v0, $0.0e+00  }
0x5c: {  	[tilespmem:s2+$0xFFFFFFD0] =	vst v0;
	v0 =	vld [tilespmem:s2+$0xFFFFFFE0]  }
0x5d: {  	v1 =	vld [tilespmem:s30+$0xFFFFFFE0];
	_ =	sdelay $0x4  }
0x5e: {  	v0 =	vadd.f32 v1, v0;
	_ =	sdelay $0x1  }
0x5f: {  	v0 =	vmax.f32 v0, $0.0e+00  }
0x60: {  	[tilespmem:s2+$0xFFFFFFE0] =	vst v0;
	v0 =	vld [tilespmem:s2+$0xFFFFFFF0]  }
0x61: {  	v1 =	vld [tilespmem:s30+$0xFFFFFFF0];
	_ =	sdelay $0x4  }
0x62: {  	v0 =	vadd.f32 v1, v0;
	_ =	sdelay $0x1  }
0x63: {  	v0 =	vmax.f32 v0, $0.0e+00  }
0x64: {  	[tilespmem:s2+$0xFFFFFFF0] =	vst v0;
	v0 =	vld [tilespmem:s2+$0x0]  }
0x65: {  	v1 =	vld [tilespmem:s30+$0x0];
	_ =	sdelay $0x4  }
0x66: {  	v0 =	vadd.f32 v1, v0;
	_ =	sdelay $0x1  }
0x67: {  	v0 =	vmax.f32 v0, $0.0e+00  }
0x68: {  	[tilespmem:s2+$0x0] =	vst v0;
	v0 =	vld [tilespmem:s2+$0x10]  }
0x69: {  	v1 =	vld [tilespmem:s30+$0x10];
	_ =	sdelay $0x4  }
0x6a: {  	v0 =	vadd.f32 v1, v0;
	_ =	sdelay $0x1  }
0x6b: {  	v0 =	vmax.f32 v0, $0.0e+00  }
0x6c: {  	[tilespmem:s2+$0x10] =	vst v0;
	v0 =	vld [tilespmem:s2+$0x20]  }
0x6d: {  	v1 =	vld [tilespmem:s30+$0x20];
	_ =	sdelay $0x4  }
0x6e: {  	v0 =	vadd.f32 v1, v0;
	_ =	sdelay $0x1  }
0x6f: {  	v0 =	vmax.f32 v0, $0.0e+00  }
0x70: {  	[tilespmem:s2+$0x20] =	vst v0;
	v0 =	vld [tilespmem:s2+$0x30]  }
0x71: {  	v1 =	vld [tilespmem:s30+$0x30];
	_ =	sdelay $0x2  }
.Ltmp0:
0x72: {  	(pc) =	sbr.rel @p1 .LBB2_3-.Ltmp0, $3  }
0x73: {  	_ = 	snop  }
0x74: {  	v0 =	vadd.f32 v1, v0;
	_ =	sdelay $0x1  }
0x75: {  	s2 =	sadd.s32 $0x80, s2;
	v0 =	vmax.f32 v0, $0.0e+00  }
0x76: {  	s28 =	sadd.s32 $0x1, s28  }
0x77: {  	p1 =	sne.s32 s28, $0xFA  }
.Ltmp1:
0x78: {  	[tilespmem:s29+$0x30] =	vst v0;
	(pc) =	sbr.rel @p1 .LBB2_2-.Ltmp1, $4  }
0x79: {  	[spmem:s4] =	stream.indirect.scatter.add.f32 [tilespmem:s21], [sflag:$0x3], $0x40, s25, s20, $0xb8;
	[tilespmem:$0x160D0] =	vst v63  }
0x7a: {  	_ =	swait.ge [sflag:s18], $0x1400  }
0x7b: {  	[sflag:s18] =	ssyncset.done $0x0  }
0x7c: {  	[sflag:s18] =	ssyncadd.s32 $0xFFFFEC00  }
0x7d: {  	[bflag:$0x0] =	sbarrier.arrive $0xFFFF;
	s2 =	simm.s32 @p0 $0x1FC3  }
0x7e: {  	[hbm:s13], [sflag:s2] =	dma.local @p0 [spmem:s15], $0x1040  }
0x7f: {  	s2 =	simm.s32 @p0 $0x3  }
0x80: {  	s26 =	sadd.s32 $0x1, s26;
	_ =	swait.ge @p0 [sflag:s2], $0x1040  }
0x81: {  	p1 =	sne.s32 s26, s14;
	[sflag:s2] =	ssyncset.done @p0 $0x0  }
.Ltmp2:
0x82: {  	[sflag:s2] =	ssyncadd.s32 @p0 $0xFFFFEFC0;
	s2 =	simm.s32 @!p0 $0x3;
	(pc) =	sbr.rel @p1 .LBB2_1-.Ltmp2, $4  }
0x83: {  	[hbm:s12], [sflag:s16] =	dma.local @!p0 [spmem:s17], $0x13C0  }
0x84: {  	_ =	swait.ge @!p0 [sflag:s2], $0x13C0  }
0x85: {  	[sflag:s2] =	ssyncset.done @!p0 $0x0  }
0x86: {  	[sflag:s2] =	ssyncadd.s32 @!p0 $0xFFFFEC40  }
0x87: {  	_ =	sfence.sel $0x180000  }
0x88: {  	[bflag:$0x0] =	sbarrier.arrive $0xFFFF  }
0x89: {  	_ =	strace $0x90000056  }
0x8a: {  	[bflag:$0x2] =	sbarrier.arrive $0xFFFF  }
0x8b: {  	p0 =	sne.s32 s0, $0x0;
	s0 =	rddreg [dreg:$0x3]  }
0x8c: {  	s0 =	sadd.s32 @!p0 $0x100000, s0  }
0x8d: {  	[sflag:s0] =	ssyncadd.tile.s32 @!p0 $0x1;
	_ =	shalt  }
.Lfunc_end2:
_tile_overlayer_lowered:
.L_overlay_start_2:
0x8e: {  	(tag) =	ssettag $0x2  }
0x8f: {  	s0 =	rddreg [dreg:$0x0];
	s2 =	stileid.u32  }
0x90: {  	s1 =	rddreg [dreg:$0x1];
	p0 =	sne.s32 s2, $0x0  }
0x91: {  	s3 =	rddreg [dreg:$0x2];
	[bflag:$0x3] =	sbarrier.arrive $0xFFFF;
	s2 =	simm.s32 @!p0 $0x1C03  }
0x92: {  	[timem:s3], [sflag:s2] =	dma.local @!p0 [hbm:s0], s1  }
0x93: {  	s0 =	simm.s32 @!p0 $0x3  }
0x94: {  	_ =	swait.ge @!p0 [sflag:s0], s1  }
0x95: {  	s1 =	ssub.s32 @!p0 $0x0, s1;
	[sflag:s0] =	ssyncset.done @!p0 $0x0  }
0x96: {  	[sflag:s0] =	ssyncadd.s32 @!p0 s1  }
0x97: {  	[bflag:$0x3] =	sbarrier.arrive $0xFFFF  }
0x98: {  	_ =	shalt  }

// kernel: kernel.9.cloned.1.call-start
scs
__scs_entry_jumppad:
0x0: {  	(pc) =	sbr.rel $0x88, $3  }
0x1: {  	(tag) =	ssettag $0x0;
	lr =	simm.s32 $0x1  }
0x2: {  	[smem:$0x3F68] =	sst lr;
	_ =	strace $0xD0000000  }
0x3: {  	_ = 	snop  }
0x4: {  	_ = 	snop  }
0x5: {  	_ = 	snop  }
0x6: {  	_ = 	snop  }
0x7: {  	_ = 	snop  }
__scs_overlays_trampoline_lowered:
0x8: {  	[smem:$0x3F77] =	sst s0  }
0x9: {  	[smem:$0x3F78] =	sst s1  }
0xa: {  	[smem:$0x3F79] =	sst s2  }
0xb: {  	[smem:$0x3F7A] =	sst s3  }
0xc: {  	[smem:$0x3F7B] =	sst s4  }
0xd: {  	[smem:$0x3F7C] =	sst s5  }
0xe: {  	[smem:$0x3F7D] =	sst s6  }
0xf: {  	[smem:$0x3F7E] =	sst s7  }
0x10: {  	[smem:$0x3F7F] =	sst s8  }
0x11: {  	[smem:$0x3F80] =	sst s9;
	s0 =	simm.s32 @!p0 $0x0  }
0x12: {  	s1 =	sld [smem:$0x3F66];
	s0 =	simm.s32 @p0 $0x1  }
0x13: {  	[smem:$0x3F81] =	sst s0;
	s0 =	simm.s32 @!p1 $0x0  }
0x14: {  	s2 =	sld [smem:$0x3F65];
	s0 =	simm.s32 @p1 $0x1  }
0x15: {  	[smem:$0x3F82] =	sst s0;
	s0 =	simm.s32 @!p2 $0x0  }
0x16: {  	s3 =	sld [smem:$0x3FDB];
	s0 =	simm.s32 @p2 $0x1  }
0x17: {  	s4 =	simm.s32 $0x1BF5;
	[smem:$0x3F84] =	sst s0  }
0x18: {  	s0 =	sld [smem:$0x3F67];
	_ =	swait.ge [sflag:s4], $0x0  }
0x19: {  	s7 =	sld [smem:$0x3F68]  }
0x1a: {  	s8 =	sadd.s32 $0xFFFFE003, lr  }
0x1b: {  	s9 =	sadd.s32 $0xFFFFFEF7, lr;
	s5 =	simm.s32 $0xFFFFFFFF;
	p2 =	slt.u32 s8, $0xFFFFF086  }
0x1c: {  	p1 =	slt.u32 s9, $0xF7A;
	s5 =	simm.s32 @!p2 $0x0  }
0x1d: {  	s5 =	simm.s32 @p1 $0x1;
	p0 =	seq.s32 s7, s2  }
0x1e: {  	s7 =	smul.u32 @!p0 $0xF7A, s2;
	p2 =	seq.s32 @!p0 s5, $0x0  }
0x1f: {  	s9 =	smul.u32 $0xF7A, s1;
	s8 =	simm.s32 @!p0 $0x1BF5;
	p2 =	por !p2, p0  }
0x20: {  	[sflag:s8] =	ssyncset.s32 @!p0 $0xFFFFF086;
	s6 =	sadd.s32 @!p0 s3, s7;
	s7 =	simm.s32 @!p0 $0x108  }
0x21: {  	s3 =	sadd.s32 s3, s9;
	s6 =	sadd.s32 @!p0 $0x88, s6;
	s7 =	simm.s32 @p2 $0x1082  }
0x22: {  	[simem:s7], [sflag:s8] =	dma.local @!p0 [hbm:s6], $0xF7A  }
0x23: {  	s9 =	sor.u32 $0xD0000000, s2;
	s6 =	simm.s32 $0x108;
	_ =	swait.ge @!p0 [sflag:s8], $0x0  }
0x24: {  	s3 =	sadd.s32 $0x88, s3;
	s6 =	simm.s32 @!p1 $0x1082;
	[sflag:s4] =	ssyncset.s32 $0xFFFFF086  }
0x25: {  	[simem:s6], [sflag:s4] =	dma.local [hbm:s3], $0xF7A  }
0x26: {  	[smem:$0x3F68] =	sst s1;
	(tag) =	ssettag s2;
	_ =	strace s9  }
0x27: {  	s1 =	sld [smem:$0x3F78]  }
0x28: {  	s2 =	sld [smem:$0x3F79]  }
0x29: {  	s4 =	sld [smem:$0x3F7B]  }
0x2a: {  	p0 =	seq.s32 s5, $0x0;
	s5 =	sld [smem:$0x3F7C]  }
0x2b: {  	s6 =	sld [smem:$0x3F7D]  }
0x2c: {  	s7 =	sld [smem:$0x3F7E]  }
0x2d: {  	s3 =	simm.s32 $0x108;
	s8 =	sld [smem:$0x3F7F]  }
0x2e: {  	s3 =	simm.s32 @!p0 $0x1082;
	s9 =	sld [smem:$0x3F80]  }
0x2f: {  	lr =	sadd.s32 s0, s3;
	s0 =	sld [smem:$0x3F77]  }
0x30: {  	s3 =	sld [smem:$0x3F7A]  }
0x31: {  	[smem:$0x3F83] =	sst s10  }
0x32: {  	s10 =	sld [smem:$0x3F81];
	_ =	sdelay $0x3  }
0x33: {  	p0 =	seq.s32 s10, $0x1;
	s10 =	sld [smem:$0x3F83];
	_ =	sdelay $0x3  }
0x34: {  	[smem:$0x3F83] =	sst s10  }
0x35: {  	s10 =	sld [smem:$0x3F82];
	_ =	sdelay $0x3  }
0x36: {  	p1 =	seq.s32 s10, $0x1;
	s10 =	sld [smem:$0x3F83];
	_ =	sdelay $0x3  }
0x37: {  	[smem:$0x3F83] =	sst s10  }
0x38: {  	s10 =	sld [smem:$0x3F84]  }
0x39: {  	_ = 	snop;
	(pc) =	sbr.ind lr, $3  }
0x3a: {  	_ = 	snop  }
0x3b: {  	_ = 	snop  }
0x3c: {  	p2 =	seq.s32 s10, $0x1;
	s10 =	sld [smem:$0x3F83]  }
0x3d: {  	_ =	shalt  }
0x3e: {  	_ =	shalt  }
0x3f: {  	_ =	shalt  }
0x40: {  	_ =	shalt  }
0x41: {  	_ =	shalt  }
0x42: {  	_ =	shalt  }
0x43: {  	_ =	shalt  }
0x44: {  	_ =	shalt  }
0x45: {  	_ =	shalt  }
0x46: {  	_ =	shalt  }
0x47: {  	_ =	shalt  }
0x48: {  	_ =	shalt  }
0x49: {  	_ =	shalt  }
0x4a: {  	_ =	shalt  }
0x4b: {  	_ =	shalt  }
0x4c: {  	_ =	shalt  }
0x4d: {  	_ =	shalt  }
0x4e: {  	_ =	shalt  }
0x4f: {  	_ =	shalt  }
0x50: {  	_ =	shalt  }
0x51: {  	_ =	shalt  }
0x52: {  	_ =	shalt  }
0x53: {  	_ =	shalt  }
0x54: {  	_ =	shalt  }
0x55: {  	_ =	shalt  }
0x56: {  	_ =	shalt  }
0x57: {  	_ =	shalt  }
0x58: {  	_ =	shalt  }
0x59: {  	_ =	shalt  }
0x5a: {  	_ =	shalt  }
0x5b: {  	_ =	shalt  }
0x5c: {  	_ =	shalt  }
0x5d: {  	_ =	shalt  }
0x5e: {  	_ =	shalt  }
0x5f: {  	_ =	shalt  }
0x60: {  	_ =	shalt  }
0x61: {  	_ =	shalt  }
0x62: {  	_ =	shalt  }
0x63: {  	_ =	shalt  }
0x64: {  	_ =	shalt  }
0x65: {  	_ =	shalt  }
0x66: {  	_ =	shalt  }
0x67: {  	_ =	shalt  }
0x68: {  	_ =	shalt  }
0x69: {  	_ =	shalt  }
0x6a: {  	_ =	shalt  }
0x6b: {  	_ =	shalt  }
0x6c: {  	_ =	shalt  }
0x6d: {  	_ =	shalt  }
0x6e: {  	_ =	shalt  }
0x6f: {  	_ =	shalt  }
0x70: {  	_ =	shalt  }
0x71: {  	_ =	shalt  }
0x72: {  	_ =	shalt  }
0x73: {  	_ =	shalt  }
0x74: {  	_ =	shalt  }
0x75: {  	_ =	shalt  }
0x76: {  	_ =	shalt  }
0x77: {  	_ =	shalt  }
0x78: {  	_ =	shalt  }
0x79: {  	_ =	shalt  }
0x7a: {  	_ =	shalt  }
0x7b: {  	_ =	shalt  }
0x7c: {  	_ =	shalt  }
0x7d: {  	_ =	shalt  }
0x7e: {  	_ =	shalt  }
0x7f: {  	_ =	shalt  }
0x80: {  	_ =	shalt  }
0x81: {  	_ =	shalt  }
0x82: {  	_ =	shalt  }
0x83: {  	_ =	shalt  }
0x84: {  	_ =	shalt  }
0x85: {  	_ =	shalt  }
0x86: {  	_ =	shalt  }
0x87: {  	_ =	shalt  }
.Lfunc_end0:
.L_simem_size_0:
called_computation.3_lowered:
.L_overlay_start_0:
0x88: {  	s2 =	sld [smem:$0x3FD9]  }
0x89: {  	s3 =	sld [smem:$0x3FFE];
	_ =	sdelay $0x1  }
0x8a: {  	s1 =	srdreg.scid  }
0x8b: {  	s0 =	sand.u32 $0x1, s1  }
0x8c: {  	s17 =	sshll.u32 s0, $0xA;
	s2 =	sadd.s32 s3, s2  }
0x8d: {  	s2 =	sadd.s32 s2, s17  }
0x8e: {  	[smem:$0x3F8F] =	sst s2  }
0x8f: {  	_ = 	snop  }
0x90: {  	s2 =	sld [smem:$0x3FD0];
	(tm) =	ssettm $0x1  }
0x91: {  	s18 =	sld [smem:$0x3FFB];
	_ =	sdelay $0x3  }
0x92: {  	_ =	strace s18  }
0x93: {  	s3 =	sld [smem:$0x3FFC];
	_ =	sdelay $0x3  }
0x94: {  	_ =	strace s3  }
0x95: {  	s3 =	sld [smem:$0x3FFD];
	_ =	sdelay $0x3  }
0x96: {  	_ =	strace s3  }
0x97: {  	_ =	strace $0x8FFFFFFF  }
0x98: {  	s19 =	sld [smem:$0x3FDB];
	_ =	sdelay $0x1  }
0x99: {  	s4 =	simm.s32 $_scs_section_size  }
0x9a: {  	s5 =	simm.s32 $_size__tile_overlayer_lowered;
	s6 =	simm.s32 $_tile_overlayer_lowered  }
0x9b: {  	s22 =	simm.s32 $0x1BFF;
	s21 =	sshll.u32 s6, $0x1;
	s3 =	sadd.s32 s4, s19  }
0x9c: {  	s7 =	simm.s32 $0x0;
	s20 =	sshll.u32 s5, $0x1;
	s5 =	sadd.s32 s21, s3  }
0x9d: {  	[timem:s7], [sflag:s22] =	dma.local [hbm:s5], s20  }
0x9e: {  	_ =	swait.ge [sflag:s22], s20  }
0x9f: {  	s4 =	ssub.s32 $0x0, s20;
	[sflag:s22] =	ssyncset.done $0x0  }
0xa0: {  	[sflag:s22] =	ssyncadd.s32 s4;
	_ =	sdelay $0x1  }
0xa1: {  	s23 =	simm.s32 $0x1B8B  }
0xa2: {  	_ =	swait.ge [sflag:s23], $0x1  }
0xa3: {  	[sflag:s23] =	ssyncset.done $0x0  }
0xa4: {  	s25 =	simm.s32 $0x1B8E;
	s24 =	sld [smem:$0x3FFE];
	[sflag:s23] =	ssyncadd.s32 $0xFFFFFFFF  }
0xa5: {  	s26 =	simm.s32 $execute0_lowered;
	[smem:$0x3FD2] =	sst s25  }
0xa6: {  	s5 =	sshll.u32 s26, $0x1;
	_ =	strace $0x8000004F;
	[dreg:$0x1] =	wrdreg $0xFFFFFFFF  }
0xa7: {  	s28 =	simm.s32 $_size_execute0_lowered;
	s3 =	sadd.s32 s3, s5;
	[dreg:$0x0] =	wrdreg $0x0  }
0xa8: {  	s5 =	sshll.u32 s28, $0x1;
	[dreg:$0x2] =	wrdreg s3  }
0xa9: {  	[dreg:$0x3] =	wrdreg s5  }
0xaa: {  	[dreg:$0x4] =	wrdreg $0xC0  }
0xab: {  	_ =	task [dreg:s7], $0x5FFFF  }
0xac: {  	[dreg:$0x1] =	wrdreg $0xFFFFFFFF  }
0xad: {  	[dreg:$0x0] =	wrdreg $0x60  }
0xae: {  	[dreg:$0x2] =	wrdreg s2  }
0xaf: {  	[dreg:$0x3] =	wrdreg s24  }
0xb0: {  	[dreg:$0x4] =	wrdreg $0xC4900  }
0xb1: {  	[dreg:$0x5] =	wrdreg $0x9  }
0xb2: {  	_ =	task.clear_ibuf [dreg:s7], $0x6FFFF;
	_ =	strace $0x9000004F  }
0xb3: {  	s29 =	simm.s32 $0x9;
	_ =	strace $0x80000051  }
0xb4: {  	_ =	swait.ge [sflag:s29], $0x1  }
0xb5: {  	[sflag:s29] =	ssyncadd.s32 $0xFFFFFFFF  }
0xb6: {  	_ =	strace $0x90000051  }
0xb7: {  	_ =	sfence  }
0xb8: {  	s30 =	sld [smem:$0x0];
	_ =	sdelay $0x2  }
0xb9: {  	s31 =	sshll.u32 s1, $0xD;
	s1 =	sshrl.u32 s1, $0x2  }
0xba: {  	s3 =	sand.u32 $0x4000, s31;
	s1 =	sadd.s32 s1, s30  }
0xbb: {  	s0 =	sor.u32 s3, s0;
	s1 =	sshll.u32 s1, $0x11  }
0xbc: {  	s0 =	sor.u32 s1, s0  }
0xbd: {  	s0 =	sadd.s32 $0x8F2B, s0  }
0xbe: {  	[sflag:s0] =	ssyncadd.remote.s32 $0x1  }
0xbf: {  	_ =	sfence.sel $0xFFFF  }
0xc0: {  	[dreg:$0x0] =	wrdreg $0xFFFFFFFF;
	(pc) =	sbr.abs _section_cstart, $3  }
0xc1: {  	[dreg:$0x1] =	wrdreg $0xFFFFFFFF  }
0xc2: {  	_ =	task.clear_ibuf [dreg:s7], $0x2FFFF;
	_ =	strace $0x9FFFFFFF  }
0xc3: {  	(tm) =	ssettm $0x7FFFFFFF  }
tec
execute0_lowered:
.L_overlay_start_1:
0x0: {  	(tag) =	ssettag $0x1  }
0x1: {  	s1 =	rddreg [dreg:$0x0]  }
0x2: {  	s2 =	srdreg.scid;
	s9 =	rddreg [dreg:$0x1]  }
0x3: {  	s0 =	stileid.u32;
	s4 =	rddreg [dreg:$0x2];
	s5 =	simm.s32 $0x0  }
0x4: {  	s18 =	simm.s32 $0x3;
	s19 =	simm.s32 $0x4E20;
	s20 =	simm.s32 $0x50  }
0x5: {  	s21 =	simm.s32 $0x9C40;
	s22 =	simm.s32 $0x1;
	s23 =	simm.s32 $0xB040  }
0x6: {  	s24 =	simm.s32 $0x2;
	s25 =	simm.s32 $0xC440;
	s26 =	simm.s32 $0x0  }
0x7: {  	s2 =	sand.u32 $0x1, s2;
	s3 =	smul.u32 $0x4E20, s0;
	[smem:$0x7FF] =	sst s5  }
0x8: {  	s11 =	smul.u32 $0x9E00, s0;
	s14 =	sadd.s32 $0xC1400, s9;
	s16 =	sadd.s32 $0x94200, s4  }
0x9: {  	p0 =	seq.s32 s0, $0xF;
	s6 =	smul.u32 $0x4E200, s2;
	_ =	strace $0x80000050  }
0xa: {  	s10 =	ssub.s32 $0x2, s2;
	s2 =	smul.u32 $0x9C400, s2;
	s8 =	sshrl.u32 s11, $0x3  }
0xb: {  	s13 =	sshrl.u32 s10, $0x1;
	s17 =	sadd.s32 s11, s4;
	s7 =	sadd.s32 s3, s6  }
0xc: {  	s6 =	sadd.s32 $0x2600, s9;
	s8 =	sadd.s32 s8, s9;
	s15 =	ssub.s32 s10, s13  }
0xd: {  	s30 =	sadd.s32 s11, s2;
	s2 =	sshrl.u32 s2, $0x3;
	s17 =	sshrl.u32 @!p0 s17, $0x3  }
0xe: {  	s7 =	sshrl.u32 s7, $0x3;
	s8 =	sadd.s32 $0xC400, s8;
	s31 =	sshrl.u32 s30, $0x3  }
0xf: {  	s2 =	sadd.s32 s14, s2;
	s12 =	sadd.s32 s7, s9;
	s7 =	sadd.s32 $0x29E00, s9  }
0x10: {  	s9 =	sadd.s32 $0x1EC40, s9;
	s13 =	sadd.s32 $0x12840, s2;
	s2 =	sshll.u32 @!p0 s0, $0x6  }
0x11: {  	s10 =	sadd.s32 $0x9A000, s12;
	s11 =	sadd.s32 $0xADA00, s12;
	s12 =	sadd.s32 s14, s31  }
0x12: {  	s14 =	smax.u32 s15, $0x1;
	s15 =	sshrl.u32 @p0 s16, $0x3;
	s16 =	sor.u32 @!p0 $0x1C03, s2  }
.LBB2_1:
0x13: {  	s2 =	simm.s32 @p0 $0x1FC3  }
0x14: {  	[spmem:s15], [sflag:s2] =	dma.local @p0 [hbm:s9], $0x1040  }
0x15: {  	s2 =	simm.s32 @p0 $0x3  }
0x16: {  	_ =	swait.ge @p0 [sflag:s2], $0x1040  }
0x17: {  	[sflag:s2] =	ssyncset.done @p0 $0x0  }
0x18: {  	[sflag:s2] =	ssyncadd.s32 @p0 $0xFFFFEFC0;
	s2 =	simm.s32 @!p0 $0x3  }
0x19: {  	[spmem:s17], [sflag:s16] =	dma.local @!p0 [hbm:s8], $0x13C0  }
0x1a: {  	_ =	swait.ge @!p0 [sflag:s2], $0x13C0  }
0x1b: {  	[sflag:s2] =	ssyncset.done @!p0 $0x0  }
0x1c: {  	[sflag:s2] =	ssyncadd.s32 @!p0 $0xFFFFEC40  }
0x1d: {  	[tilespmem:s5], [sflag:$0x3] =	stream.linear.gather [hbm4b:s10+s5], $0x4E20, $0x38;
	[tilespmem:$0x160D0] =	vst v63  }
0x1e: {  	_ =	swait.ge [sflag:s18], $0x4E20  }
0x1f: {  	[sflag:s18] =	ssyncset.done $0x0  }
0x20: {  	[sflag:s18] =	ssyncadd.s32 $0xFFFFB1E0  }
0x21: {  	[tilespmem:s19], [sflag:$0x3] =	stream.linear.gather [hbm4b:s11+s5], $0x4E20, $0x38;
	[tilespmem:$0x160D0] =	vst v63  }
0x22: {  	_ =	swait.ge [sflag:s18], $0x4E20  }
0x23: {  	[sflag:s18] =	ssyncset.done $0x0  }
0x24: {  	[sflag:s18] =	ssyncadd.s32 $0xFFFFB1E0  }
0x25: {  	s28 =	simm.s32 $0x0;
	[bflag:$0x0] =	sbarrier.arrive $0xFFFF  }
.LBB2_2:
0x26: {  	s2 =	smul.u32 $0x50, s28;
	_ =	sdelay $0x1  }
0x27: {  	[tilespmem:s21], [sflag:$0x1] =	stream.indirect.gather [hbm4b:s1+s20], $0x40, s2, s20, $0xb8;
	[tilespmem:$0x160D0] =	vst v63  }
0x28: {  	_ =	swait.ge [sflag:s22], $0x1400  }
0x29: {  	[sflag:s22] =	ssyncset.done $0x0  }
0x2a: {  	s29 =	sadd.s32 $0x4E20, s2;
	[sflag:s22] =	ssyncadd.s32 $0xFFFFEC00  }
0x2b: {  	[tilespmem:s23], [sflag:$0x2] =	stream.indirect.gather [hbm4b:s7+s20], $0x40, s29, s20, $0xb8;
	[tilespmem:$0x160D0] =	vst v63  }
0x2c: {  	s2 =	sadd.s32 s3, s2;
	_ =	swait.ge [sflag:s24], $0x1400  }
0x2d: {  	s2 =	sshrl.u32 s2, $0x3;
	[sflag:s24] =	ssyncset.done $0x0  }
0x2e: {  	s2 =	sadd.s32 s6, s2;
	[sflag:s24] =	ssyncadd.s32 $0xFFFFEC00  }
0x2f: {  	[tilespmem:s25], [sflag:$0x3] =	stream.linear.gather [hbm4b:s2+s5], $0x50, $0x38;
	[tilespmem:$0x160D0] =	vst v63  }
0x30: {  	_ =	swait.ge [sflag:s18], $0x50  }
0x31: {  	[sflag:s18] =	ssyncset.done $0x0  }
0x32: {  	s29 =	simm.s32 $0x9C80;
	[sflag:s18] =	ssyncadd.s32 $0xFFFFFFB0  }
0x33: {  	s30 =	simm.s32 $0xB080;
	v0 =	vld [tilespmem:s29+$0xFFFFFFC0]  }
0x34: {  	v1 =	vld [tilespmem:s30+$0xFFFFFFC0];
	_ =	sdelay $0x4  }
0x35: {  	v0 =	vadd.f32 v1, v0;
	_ =	sdelay $0x1  }
0x36: {  	v0 =	vmax.f32 v0, $0.0e+00  }
0x37: {  	[tilespmem:s29+$0xFFFFFFC0] =	vst v0;
	v0 =	vld [tilespmem:s29+$0xFFFFFFD0]  }
0x38: {  	v1 =	vld [tilespmem:s30+$0xFFFFFFD0];
	_ =	sdelay $0x4  }
0x39: {  	v0 =	vadd.f32 v1, v0;
	_ =	sdelay $0x1  }
0x3a: {  	v0 =	vmax.f32 v0, $0.0e+00  }
0x3b: {  	[tilespmem:s29+$0xFFFFFFD0] =	vst v0;
	v0 =	vld [tilespmem:s29+$0xFFFFFFE0]  }
0x3c: {  	v1 =	vld [tilespmem:s30+$0xFFFFFFE0];
	_ =	sdelay $0x4  }
0x3d: {  	v0 =	vadd.f32 v1, v0;
	_ =	sdelay $0x1  }
0x3e: {  	v0 =	vmax.f32 v0, $0.0e+00  }
0x3f: {  	[tilespmem:s29+$0xFFFFFFE0] =	vst v0;
	v0 =	vld [tilespmem:s29+$0xFFFFFFF0]  }
0x40: {  	v1 =	vld [tilespmem:s30+$0xFFFFFFF0];
	_ =	sdelay $0x4  }
0x41: {  	v0 =	vadd.f32 v1, v0;
	_ =	sdelay $0x1  }
0x42: {  	v0 =	vmax.f32 v0, $0.0e+00  }
0x43: {  	[tilespmem:s29+$0xFFFFFFF0] =	vst v0;
	v0 =	vld [tilespmem:s29+$0x0]  }
0x44: {  	v1 =	vld [tilespmem:s30+$0x0];
	_ =	sdelay $0x4  }
0x45: {  	v0 =	vadd.f32 v1, v0;
	_ =	sdelay $0x1  }
0x46: {  	v0 =	vmax.f32 v0, $0.0e+00  }
0x47: {  	[tilespmem:s29+$0x0] =	vst v0;
	v0 =	vld [tilespmem:s29+$0x10]  }
0x48: {  	v1 =	vld [tilespmem:s30+$0x10];
	_ =	sdelay $0x4  }
0x49: {  	v0 =	vadd.f32 v1, v0;
	_ =	sdelay $0x1  }
0x4a: {  	v0 =	vmax.f32 v0, $0.0e+00  }
0x4b: {  	[tilespmem:s29+$0x10] =	vst v0;
	v0 =	vld [tilespmem:s29+$0x20]  }
0x4c: {  	v1 =	vld [tilespmem:s30+$0x20];
	_ =	sdelay $0x4  }
0x4d: {  	v0 =	vadd.f32 v1, v0;
	_ =	sdelay $0x1  }
0x4e: {  	v0 =	vmax.f32 v0, $0.0e+00  }
0x4f: {  	[tilespmem:s29+$0x20] =	vst v0;
	v0 =	vld [tilespmem:s29+$0x30]  }
0x50: {  	v1 =	vld [tilespmem:s30+$0x30];
	_ =	sdelay $0x4  }
0x51: {  	v0 =	vadd.f32 v1, v0;
	_ =	sdelay $0x1  }
0x52: {  	s31 =	simm.s32 $0x0;
	s2 =	simm.s32 $0x9D00;
	v0 =	vmax.f32 v0, $0.0e+00  }
.LBB2_3:
0x53: {  	v1 =	vld [tilespmem:s2+$0xFFFFFFC0];
	[tilespmem:s29+$0x30] =	vst v0;
	s30 =	sadd.s32 $0x80, s30;
	s29 =	smov.u32 s2  }
0x54: {  	s31 =	sadd.s32 $0x2, s31;
	v0 =	vld [tilespmem:s30+$0xFFFFFFC0]  }
0x55: {  	p1 =	slt.u32 s31, $0x4E;
	_ =	sdelay $0x3  }
0x56: {  	v0 =	vadd.f32 v0, v1;
	_ =	sdelay $0x1  }
0x57: {  	v0 =	vmax.f32 v0, $0.0e+00  }
0x58: {  	[tilespmem:s2+$0xFFFFFFC0] =	vst v0;
	v0 =	vld [tilespmem:s2+$0xFFFFFFD0]  }
0x59: {  	v1 =	vld [tilespmem:s30+$0xFFFFFFD0];
	_ =	sdelay $0x4  }
0x5a: {  	v0 =	vadd.f32 v1, v0;
	_ =	sdelay $0x1  }
0x5b: {  	v0 =	vmax.f32 v0, $0.0e+00  }
0x5c: {  	[tilespmem:s2+$0xFFFFFFD0] =	vst v0;
	v0 =	vld [tilespmem:s2+$0xFFFFFFE0]  }
0x5d: {  	v1 =	vld [tilespmem:s30+$0xFFFFFFE0];
	_ =	sdelay $0x4  }
0x5e: {  	v0 =	vadd.f32 v1, v0;
	_ =	sdelay $0x1  }
0x5f: {  	v0 =	vmax.f32 v0, $0.0e+00  }
0x60: {  	[tilespmem:s2+$0xFFFFFFE0] =	vst v0;
	v0 =	vld [tilespmem:s2+$0xFFFFFFF0]  }
0x61: {  	v1 =	vld [tilespmem:s30+$0xFFFFFFF0];
	_ =	sdelay $0x4  }
0x62: {  	v0 =	vadd.f32 v1, v0;
	_ =	sdelay $0x1  }
0x63: {  	v0 =	vmax.f32 v0, $0.0e+00  }
0x64: {  	[tilespmem:s2+$0xFFFFFFF0] =	vst v0;
	v0 =	vld [tilespmem:s2+$0x0]  }
0x65: {  	v1 =	vld [tilespmem:s30+$0x0];
	_ =	sdelay $0x4  }
0x66: {  	v0 =	vadd.f32 v1, v0;
	_ =	sdelay $0x1  }
0x67: {  	v0 =	vmax.f32 v0, $0.0e+00  }
0x68: {  	[tilespmem:s2+$0x0] =	vst v0;
	v0 =	vld [tilespmem:s2+$0x10]  }
0x69: {  	v1 =	vld [tilespmem:s30+$0x10];
	_ =	sdelay $0x4  }
0x6a: {  	v0 =	vadd.f32 v1, v0;
	_ =	sdelay $0x1  }
0x6b: {  	v0 =	vmax.f32 v0, $0.0e+00  }
0x6c: {  	[tilespmem:s2+$0x10] =	vst v0;
	v0 =	vld [tilespmem:s2+$0x20]  }
0x6d: {  	v1 =	vld [tilespmem:s30+$0x20];
	_ =	sdelay $0x4  }
0x6e: {  	v0 =	vadd.f32 v1, v0;
	_ =	sdelay $0x1  }
0x6f: {  	v0 =	vmax.f32 v0, $0.0e+00  }
0x70: {  	[tilespmem:s2+$0x20] =	vst v0;
	v0 =	vld [tilespmem:s2+$0x30]  }
0x71: {  	v1 =	vld [tilespmem:s30+$0x30];
	_ =	sdelay $0x2  }
.Ltmp0:
0x72: {  	(pc) =	sbr.rel @p1 .LBB2_3-.Ltmp0, $3  }
0x73: {  	_ = 	snop  }
0x74: {  	v0 =	vadd.f32 v1, v0;
	_ =	sdelay $0x1  }
0x75: {  	s2 =	sadd.s32 $0x80, s2;
	v0 =	vmax.f32 v0, $0.0e+00  }
0x76: {  	s28 =	sadd.s32 $0x1, s28  }
0x77: {  	p1 =	sne.s32 s28, $0xFA  }
.Ltmp1:
0x78: {  	[tilespmem:s29+$0x30] =	vst v0;
	(pc) =	sbr.rel @p1 .LBB2_2-.Ltmp1, $4  }
0x79: {  	[spmem:s4] =	stream.indirect.scatter.add.f32 [tilespmem:s21], [sflag:$0x3], $0x40, s25, s20, $0xb8;
	[tilespmem:$0x160D0] =	vst v63  }
0x7a: {  	_ =	swait.ge [sflag:s18], $0x1400  }
0x7b: {  	[sflag:s18] =	ssyncset.done $0x0  }
0x7c: {  	[sflag:s18] =	ssyncadd.s32 $0xFFFFEC00  }
0x7d: {  	[bflag:$0x0] =	sbarrier.arrive $0xFFFF;
	s2 =	simm.s32 @p0 $0x1FC3  }
0x7e: {  	[hbm:s13], [sflag:s2] =	dma.local @p0 [spmem:s15], $0x1040  }
0x7f: {  	s2 =	simm.s32 @p0 $0x3  }
0x80: {  	s26 =	sadd.s32 $0x1, s26;
	_ =	swait.ge @p0 [sflag:s2], $0x1040  }
0x81: {  	p1 =	sne.s32 s26, s14;
	[sflag:s2] =	ssyncset.done @p0 $0x0  }
.Ltmp2:
0x82: {  	[sflag:s2] =	ssyncadd.s32 @p0 $0xFFFFEFC0;
	s2 =	simm.s32 @!p0 $0x3;
	(pc) =	sbr.rel @p1 .LBB2_1-.Ltmp2, $4  }
0x83: {  	[hbm:s12], [sflag:s16] =	dma.local @!p0 [spmem:s17], $0x13C0  }
0x84: {  	_ =	swait.ge @!p0 [sflag:s2], $0x13C0  }
0x85: {  	[sflag:s2] =	ssyncset.done @!p0 $0x0  }
0x86: {  	[sflag:s2] =	ssyncadd.s32 @!p0 $0xFFFFEC40  }
0x87: {  	_ =	sfence.sel $0x180000  }
0x88: {  	[bflag:$0x0] =	sbarrier.arrive $0xFFFF  }
0x89: {  	_ =	strace $0x90000050  }
0x8a: {  	[bflag:$0x2] =	sbarrier.arrive $0xFFFF  }
0x8b: {  	p0 =	sne.s32 s0, $0x0;
	s0 =	rddreg [dreg:$0x3]  }
0x8c: {  	s0 =	sadd.s32 @!p0 $0x100000, s0  }
0x8d: {  	[sflag:s0] =	ssyncadd.tile.s32 @!p0 $0x1;
	_ =	shalt  }
.Lfunc_end2:
_tile_overlayer_lowered:
.L_overlay_start_2:
0x8e: {  	(tag) =	ssettag $0x2  }
0x8f: {  	s0 =	rddreg [dreg:$0x0];
	s2 =	stileid.u32  }
0x90: {  	s1 =	rddreg [dreg:$0x1];
	p0 =	sne.s32 s2, $0x0  }
0x91: {  	s3 =	rddreg [dreg:$0x2];
	[bflag:$0x3] =	sbarrier.arrive $0xFFFF;
	s2 =	simm.s32 @!p0 $0x1C03  }
0x92: {  	[timem:s3], [sflag:s2] =	dma.local @!p0 [hbm:s0], s1  }
0x93: {  	s0 =	simm.s32 @!p0 $0x3  }
0x94: {  	_ =	swait.ge @!p0 [sflag:s0], s1  }
0x95: {  	s1 =	ssub.s32 @!p0 $0x0, s1;
	[sflag:s0] =	ssyncset.done @!p0 $0x0  }
0x96: {  	[sflag:s0] =	ssyncadd.s32 @!p0 s1  }
0x97: {  	[bflag:$0x3] =	sbarrier.arrive $0xFFFF  }
0x98: {  	_ =	shalt  }

</sc_bundles>
